<compile_context>
chip_gen: v7x
topology: tpu7x:2x2x1
jax: 0.10.2.dev20260603
libtpu: 0.0.44.dev20260713+nightly
codegen_flags: <defaults>
</compile_context>

<pallas_src>
import jax
import jax.numpy as jnp
from jax import lax
from jax.experimental import pallas as pl
from jax.experimental.pallas import tpu as pltpu
from jax.experimental.pallas import tpu_sc as plsc

_B, _F, _C, _N = 128, 512, 3, 66
_G = (_C * _N) // 2
_RC = 8
_NCHUNK = _B // _RC
_UNITS = _G * _NCHUNK
_NW = 32
_NBI = 4
_NBO = 4
_K = 52


def _pair_slab_body(x_hbm, o_hbm, *scr):
    ins = tuple(zip(scr[0:4], scr[8:12]))
    outs = tuple(zip(scr[4:8], scr[12:16]))
    wid = lax.axis_index("s") * 2 + lax.axis_index("c")

    def unit_coords(k):
        u = wid + k * _NW
        g = lax.shift_right_logical(u, 4)
        r0 = lax.bitwise_and(u, 15) * _RC
        return u, g, r0

    def in_copy(k, slot):
        _, g, r0 = unit_coords(k)
        buf, sem = ins[slot]
        return pltpu.make_async_copy(
            x_hbm.at[g, :, pl.ds(r0, _RC), :], buf, sem)

    def out_copy(k, slot):
        _, g, r0 = unit_coords(k)
        buf, sem = outs[slot]
        return pltpu.make_async_copy(
            buf, o_hbm.at[g, pl.ds(r0, _RC), :], sem)

    def compute(in_b, out_b):
        def row(r, carry):
            for c in range(_F // 16):
                sl = pl.ds(c * 16, 16)
                out_b[r, sl] = in_b[0, r, sl] + in_b[1, r, sl]
            return carry
        lax.fori_loop(0, _RC, row, 0)

    for k0 in range(_NBI - 1):
        in_copy(k0, k0).start()

    def quad(p, carry):
        for b in range(_NBI):
            k = p * _NBI + b
            u = wid + k * _NW
            valid = u < _UNITS
            kw = lax.max(k - _NBO, 0)

            @pl.when(u + (_NBI - 1) * _NW < _UNITS)
            def _prefetch():
                in_copy(k + _NBI - 1, (b + _NBI - 1) % _NBI).start()

            @pl.when(valid)
            def _wait_in():
                in_copy(k, b).wait()

            @pl.when((k >= _NBO) & (u - _NBO * _NW < _UNITS))
            def _wait_out():
                out_copy(kw, b % _NBO).wait()

            @pl.when(valid)
            def _go():
                compute(ins[b][0], outs[b % _NBO][0])
                out_copy(k, b % _NBO).start()
        return carry

    lax.fori_loop(0, _K // _NBI, quad, 0)

    for m in range(_K - _NBO, _K):
        u_m = wid + m * _NW

        @pl.when(u_m < _UNITS)
        def _final_drain():
            out_copy(m, m % _NBO).wait()


_pair_slab = pl.kernel(
    _pair_slab_body,
    out_type=jax.ShapeDtypeStruct((_G, _B, _F), jnp.float32),
    mesh=plsc.VectorSubcoreMesh(core_axis_name="c", subcore_axis_name="s"),
    compiler_params=pltpu.CompilerParams(
        needs_layout_passes=False, skip_device_barrier=True),
    scratch_types=(
        [pltpu.VMEM((2, _RC, _F), jnp.float32) for _ in range(4)]
        + [pltpu.VMEM((_RC, _F), jnp.float32) for _ in range(4)]
        + [pltpu.SemaphoreType.DMA for _ in range(8)]
    ),
)


def kernel(x):
    xt = x.transpose(2, 3, 0, 1).reshape(_G, 2, _B, _F)
    out = _pair_slab(xt)
    return out.reshape(_C, _N // 2, _B, _F).transpose(2, 3, 0, 1)

# --- scband reference (transcript-rebuilt; emitter-appended) ---
"""Pipeline reference for scband-graph-down-sample-avg-12120397709983 (READ-ONLY COPY).

The authoritative reference and input builder live on the scoring server;
editing this copy changes nothing except your own understanding.
"""

import jax, jax.numpy as jnp
import numpy as np

SAMPLELIST = [[2 * i, 2 * i + 1] for i in range(33)]


def setup_inputs(seed: int = 0) -> dict:
    key = jax.random.key(seed)
    x = jax.random.normal(key, (128, 512, 3, 66), dtype=jnp.float32)
    return {"x": x}


def reference(x):
    # Faithful to the intended forward: for each node group, gather the nodes
    # along the last axis, sum over the group, keep a singleton node dim, then
    # concatenate all groups along the node axis.
    # (The original torch code has a typo `torch.unsqueeze(dim=3)`; the intended
    # op is unsqueezing the per-group summed tensor at dim 3, implemented here
    # with keepdims=True.)
    feats = []
    for g in SAMPLELIST:
        idx = jnp.array(g, dtype=jnp.int32)
        x1 = x[:, :, :, idx]                       # gather: [B, F, C, len(g)]
        y = jnp.sum(x1, axis=3, keepdims=True)     # [B, F, C, 1]
        feats.append(y)
    return jnp.concatenate(feats, axis=3)          # [B, F, C, n_groups]

if __name__ == "__main__":
    import jax
    _d = setup_inputs()
    print(jax.jit(kernel)(*tuple(_d.values())))

</pallas_src>

<mosaic_0001>
#map = affine_map<(d0, d1) -> (0, 0, 0, 0)>
#map1 = affine_map<(d0, d1) -> (0, 0, 0)>
module attributes {stable_mosaic.version = 14 : i64} {
  func.func @_pair_slab_body(%arg0: i32, %arg1: i32, %arg2: memref<99x2x128x512xf32, #tpu.memory_space<hbm>>, %arg3: memref<99x128x512xf32, #tpu.memory_space<hbm>>, %arg4: memref<2x8x512xf32, #tpu.memory_space<vmem>>, %arg5: memref<2x8x512xf32, #tpu.memory_space<vmem>>, %arg6: memref<2x8x512xf32, #tpu.memory_space<vmem>>, %arg7: memref<2x8x512xf32, #tpu.memory_space<vmem>>, %arg8: memref<8x512xf32, #tpu.memory_space<vmem>>, %arg9: memref<8x512xf32, #tpu.memory_space<vmem>>, %arg10: memref<8x512xf32, #tpu.memory_space<vmem>>, %arg11: memref<8x512xf32, #tpu.memory_space<vmem>>, %arg12: memref<!tpu.dma_semaphore, #tpu.memory_space<semaphore_mem>>, %arg13: memref<!tpu.dma_semaphore, #tpu.memory_space<semaphore_mem>>, %arg14: memref<!tpu.dma_semaphore, #tpu.memory_space<semaphore_mem>>, %arg15: memref<!tpu.dma_semaphore, #tpu.memory_space<semaphore_mem>>, %arg16: memref<!tpu.dma_semaphore, #tpu.memory_space<semaphore_mem>>, %arg17: memref<!tpu.dma_semaphore, #tpu.memory_space<semaphore_mem>>, %arg18: memref<!tpu.dma_semaphore, #tpu.memory_space<semaphore_mem>>, %arg19: memref<!tpu.dma_semaphore, #tpu.memory_space<semaphore_mem>>) attributes {dimension_semantics = [#tpu.dimension_semantics<core_parallel>, #tpu.dimension_semantics<subcore_parallel>], iteration_bounds = array<i64: 2, 16>, scalar_prefetch = 0 : i64, scratch_operands = 16 : i64, tpu.core_type = #tpu.core_type<sc_vector_subcore>, window_params = [{transform_indices = #map}, {transform_indices = #map1}]} {
    %mul3A = arith.constant 2 : i32
    %mul3A_0 = arith.muli %arg1, %mul3A : i32
    %add3A = arith.addi %mul3A_0, %arg0 : i32
    %add3A_1 = arith.constant 0 : i32
    %add3A_2 = arith.addi %add3A, %add3A_1 : i32
    %shift_right_logical3A = arith.constant 4 : i32
    %shift_right_logical3A_3 = arith.shrui %add3A_2, %shift_right_logical3A : i32
    %and3A = arith.constant 15 : i32
    %and3A_4 = arith.andi %add3A_2, %and3A : i32
    %mul3A_5 = arith.constant 8 : i32
    %mul3A_6 = arith.muli %and3A_4, %mul3A_5 : i32
    %dma_start3A = arith.constant 0 : i32
    %dma_start3A_7 = arith.constant 0 : i32
    %dma_start3A_8 = tpu.memref_slice %arg2[%shift_right_logical3A_3, %dma_start3A, %mul3A_6, %dma_start3A_7] : memref<99x2x128x512xf32, #tpu.memory_space<hbm>> -> memref<1x2x8x512xf32, #tpu.memory_space<hbm>>
    %dma_start3A_9 = tpu.memref_squeeze %dma_start3A_8 : memref<1x2x8x512xf32, #tpu.memory_space<hbm>> -> memref<2x8x512xf32, #tpu.memory_space<hbm>>
    %dma_start3A_10 = arith.constant 0 : i32
    %dma_start3A_11 = arith.constant 0 : i32
    %dma_start3A_12 = tpu.memref_slice %arg2[%shift_right_logical3A_3, %dma_start3A_10, %mul3A_6, %dma_start3A_11] : memref<99x2x128x512xf32, #tpu.memory_space<hbm>> -> memref<1x2x8x512xf32, #tpu.memory_space<hbm>>
    %dma_start3A_13 = tpu.memref_squeeze %dma_start3A_12 : memref<1x2x8x512xf32, #tpu.memory_space<hbm>> -> memref<2x8x512xf32, #tpu.memory_space<hbm>>
    tpu.enqueue_dma source(%dma_start3A_13 : memref<2x8x512xf32, #tpu.memory_space<hbm>>) target(%arg4 : memref<2x8x512xf32, #tpu.memory_space<vmem>>) target_semaphore(%arg12 : memref<!tpu.dma_semaphore, #tpu.memory_space<semaphore_mem>>)
    %add3A_14 = arith.constant 32 : i32
    %add3A_15 = arith.addi %add3A, %add3A_14 : i32
    %shift_right_logical3A_16 = arith.constant 4 : i32
    %shift_right_logical3A_17 = arith.shrui %add3A_15, %shift_right_logical3A_16 : i32
    %and3A_18 = arith.constant 15 : i32
    %and3A_19 = arith.andi %add3A_15, %and3A_18 : i32
    %mul3A_20 = arith.constant 8 : i32
    %mul3A_21 = arith.muli %and3A_19, %mul3A_20 : i32
    %dma_start3A_22 = arith.constant 0 : i32
    %dma_start3A_23 = arith.constant 0 : i32
    %dma_start3A_24 = tpu.memref_slice %arg2[%shift_right_logical3A_17, %dma_start3A_22, %mul3A_21, %dma_start3A_23] : memref<99x2x128x512xf32, #tpu.memory_space<hbm>> -> memref<1x2x8x512xf32, #tpu.memory_space<hbm>>
    %dma_start3A_25 = tpu.memref_squeeze %dma_start3A_24 : memref<1x2x8x512xf32, #tpu.memory_space<hbm>> -> memref<2x8x512xf32, #tpu.memory_space<hbm>>
    %dma_start3A_26 = arith.constant 0 : i32
    %dma_start3A_27 = arith.constant 0 : i32
    %dma_start3A_28 = tpu.memref_slice %arg2[%shift_right_logical3A_17, %dma_start3A_26, %mul3A_21, %dma_start3A_27] : memref<99x2x128x512xf32, #tpu.memory_space<hbm>> -> memref<1x2x8x512xf32, #tpu.memory_space<hbm>>
    %dma_start3A_29 = tpu.memref_squeeze %dma_start3A_28 : memref<1x2x8x512xf32, #tpu.memory_space<hbm>> -> memref<2x8x512xf32, #tpu.memory_space<hbm>>
    tpu.enqueue_dma source(%dma_start3A_29 : memref<2x8x512xf32, #tpu.memory_space<hbm>>) target(%arg5 : memref<2x8x512xf32, #tpu.memory_space<vmem>>) target_semaphore(%arg13 : memref<!tpu.dma_semaphore, #tpu.memory_space<semaphore_mem>>)
    %add3A_30 = arith.constant 64 : i32
    %add3A_31 = arith.addi %add3A, %add3A_30 : i32
    %shift_right_logical3A_32 = arith.constant 4 : i32
    %shift_right_logical3A_33 = arith.shrui %add3A_31, %shift_right_logical3A_32 : i32
    %and3A_34 = arith.constant 15 : i32
    %and3A_35 = arith.andi %add3A_31, %and3A_34 : i32
    %mul3A_36 = arith.constant 8 : i32
    %mul3A_37 = arith.muli %and3A_35, %mul3A_36 : i32
    %dma_start3A_38 = arith.constant 0 : i32
    %dma_start3A_39 = arith.constant 0 : i32
    %dma_start3A_40 = tpu.memref_slice %arg2[%shift_right_logical3A_33, %dma_start3A_38, %mul3A_37, %dma_start3A_39] : memref<99x2x128x512xf32, #tpu.memory_space<hbm>> -> memref<1x2x8x512xf32, #tpu.memory_space<hbm>>
    %dma_start3A_41 = tpu.memref_squeeze %dma_start3A_40 : memref<1x2x8x512xf32, #tpu.memory_space<hbm>> -> memref<2x8x512xf32, #tpu.memory_space<hbm>>
    %dma_start3A_42 = arith.constant 0 : i32
    %dma_start3A_43 = arith.constant 0 : i32
    %dma_start3A_44 = tpu.memref_slice %arg2[%shift_right_logical3A_33, %dma_start3A_42, %mul3A_37, %dma_start3A_43] : memref<99x2x128x512xf32, #tpu.memory_space<hbm>> -> memref<1x2x8x512xf32, #tpu.memory_space<hbm>>
    %dma_start3A_45 = tpu.memref_squeeze %dma_start3A_44 : memref<1x2x8x512xf32, #tpu.memory_space<hbm>> -> memref<2x8x512xf32, #tpu.memory_space<hbm>>
    tpu.enqueue_dma source(%dma_start3A_45 : memref<2x8x512xf32, #tpu.memory_space<hbm>>) target(%arg6 : memref<2x8x512xf32, #tpu.memory_space<vmem>>) target_semaphore(%arg14 : memref<!tpu.dma_semaphore, #tpu.memory_space<semaphore_mem>>)
    %scan3A = arith.constant 0 : i32
    %scan3A_46 = arith.constant 0 : i32
    %scan3A_47 = arith.constant 13 : i32
    %scan3A_48 = arith.addi %scan3A_46, %scan3A_47 : i32
    %scan3A_49 = arith.constant 1 : i32
    scf.for %scan3A_76 = %scan3A_46 to %scan3A_48 step %scan3A_49  : i32 {
      %mul3A_77 = arith.constant 4 : i32
      %mul3A_78 = arith.muli %scan3A_76, %mul3A_77 : i32
      %add3A_79 = arith.constant 0 : i32
      %add3A_80 = arith.addi %mul3A_78, %add3A_79 : i32
      %mul3A_81 = arith.constant 32 : i32
      %mul3A_82 = arith.muli %add3A_80, %mul3A_81 : i32
      %add3A_83 = arith.addi %add3A, %mul3A_82 : i32
      %lt3A_84 = arith.constant 1584 : i32
      %lt3A_85 = arith.cmpi slt, %add3A_83, %lt3A_84 : i32
      %sub3A = arith.constant 4 : i32
      %sub3A_86 = arith.subi %add3A_80, %sub3A : i32
      %max3A = arith.constant 0 : i32
      %max3A_87 = arith.maxsi %sub3A_86, %max3A : i32
      %add3A_88 = arith.constant 96 : i32
      %add3A_89 = arith.addi %add3A_83, %add3A_88 : i32
      %lt3A_90 = arith.constant 1584 : i32
      %lt3A_91 = arith.cmpi slt, %add3A_89, %lt3A_90 : i32
      %convert_element_type3A_92 = arith.extui %lt3A_91 : i1 to i32
      %cond3A_93 = arith.constant 0 : i32
      %cond3A_94 = arith.cmpi ne, %convert_element_type3A_92, %cond3A_93 : i32
      scf.if %cond3A_94 {
        %add3A_218 = arith.constant 4 : i32
        %add3A_219 = arith.addi %add3A_80, %add3A_218 : i32
        %sub3A_220 = arith.constant 1 : i32
        %sub3A_221 = arith.subi %add3A_219, %sub3A_220 : i32
        %mul3A_222 = arith.constant 32 : i32
        %mul3A_223 = arith.muli %sub3A_221, %mul3A_222 : i32
        %add3A_224 = arith.addi %add3A, %mul3A_223 : i32
        %shift_right_logical3A_225 = arith.constant 4 : i32
        %shift_right_logical3A_226 = arith.shrui %add3A_224, %shift_right_logical3A_225 : i32
        %and3A_227 = arith.constant 15 : i32
        %and3A_228 = arith.andi %add3A_224, %and3A_227 : i32
        %mul3A_229 = arith.constant 8 : i32
        %mul3A_230 = arith.muli %and3A_228, %mul3A_229 : i32
        %dma_start3A_231 = arith.constant 0 : i32
        %dma_start3A_232 = arith.constant 0 : i32
        %dma_start3A_233 = tpu.memref_slice %arg2[%shift_right_logical3A_226, %dma_start3A_231, %mul3A_230, %dma_start3A_232] : memref<99x2x128x512xf32, #tpu.memory_space<hbm>> -> memref<1x2x8x512xf32, #tpu.memory_space<hbm>>
        %dma_start3A_234 = tpu.memref_squeeze %dma_start3A_233 : memref<1x2x8x512xf32, #tpu.memory_space<hbm>> -> memref<2x8x512xf32, #tpu.memory_space<hbm>>
        %dma_start3A_235 = arith.constant 0 : i32
        %dma_start3A_236 = arith.constant 0 : i32
        %dma_start3A_237 = tpu.memref_slice %arg2[%shift_right_logical3A_226, %dma_start3A_235, %mul3A_230, %dma_start3A_236] : memref<99x2x128x512xf32, #tpu.memory_space<hbm>> -> memref<1x2x8x512xf32, #tpu.memory_space<hbm>>
        %dma_start3A_238 = tpu.memref_squeeze %dma_start3A_237 : memref<1x2x8x512xf32, #tpu.memory_space<hbm>> -> memref<2x8x512xf32, #tpu.memory_space<hbm>>
        tpu.enqueue_dma source(%dma_start3A_238 : memref<2x8x512xf32, #tpu.memory_space<hbm>>) target(%arg7 : memref<2x8x512xf32, #tpu.memory_space<vmem>>) target_semaphore(%arg15 : memref<!tpu.dma_semaphore, #tpu.memory_space<semaphore_mem>>)
      } else {
      }
      %convert_element_type3A_95 = arith.extui %lt3A_85 : i1 to i32
      %cond3A_96 = arith.constant 0 : i32
      %cond3A_97 = arith.cmpi ne, %convert_element_type3A_95, %cond3A_96 : i32
      scf.if %cond3A_97 {
        %mul3A_218 = arith.constant 32 : i32
        %mul3A_219 = arith.muli %add3A_80, %mul3A_218 : i32
        %add3A_220 = arith.addi %add3A, %mul3A_219 : i32
        %shift_right_logical3A_221 = arith.constant 4 : i32
        %shift_right_logical3A_222 = arith.shrui %add3A_220, %shift_right_logical3A_221 : i32
        %and3A_223 = arith.constant 15 : i32
        %and3A_224 = arith.andi %add3A_220, %and3A_223 : i32
        %mul3A_225 = arith.constant 8 : i32
        %mul3A_226 = arith.muli %and3A_224, %mul3A_225 : i32
        %dma_wait3A = arith.constant 0 : i32
        %dma_wait3A_227 = arith.constant 0 : i32
        %dma_wait3A_228 = tpu.memref_slice %arg2[%shift_right_logical3A_222, %dma_wait3A, %mul3A_226, %dma_wait3A_227] : memref<99x2x128x512xf32, #tpu.memory_space<hbm>> -> memref<1x2x8x512xf32, #tpu.memory_space<hbm>>
        %dma_wait3A_229 = tpu.memref_squeeze %dma_wait3A_228 : memref<1x2x8x512xf32, #tpu.memory_space<hbm>> -> memref<2x8x512xf32, #tpu.memory_space<hbm>>
        %dma_wait3A_230 = arith.constant 0 : i32
        %dma_wait3A_231 = arith.constant 0 : i32
        %dma_wait3A_232 = tpu.memref_slice %arg2[%shift_right_logical3A_222, %dma_wait3A_230, %mul3A_226, %dma_wait3A_231] : memref<99x2x128x512xf32, #tpu.memory_space<hbm>> -> memref<1x2x8x512xf32, #tpu.memory_space<hbm>>
        %dma_wait3A_233 = tpu.memref_squeeze %dma_wait3A_232 : memref<1x2x8x512xf32, #tpu.memory_space<hbm>> -> memref<2x8x512xf32, #tpu.memory_space<hbm>>
        tpu.wait_dma2 semaphore(%arg12 : memref<!tpu.dma_semaphore, #tpu.memory_space<semaphore_mem>>) src(%dma_wait3A_233 : memref<2x8x512xf32, #tpu.memory_space<hbm>>) dst(%arg4 : memref<2x8x512xf32, #tpu.memory_space<vmem>>)
      } else {
      }
      %ge3A = arith.constant 4 : i32
      %ge3A_98 = arith.cmpi sge, %add3A_80, %ge3A : i32
      %sub3A_99 = arith.constant 128 : i32
      %sub3A_100 = arith.subi %add3A_83, %sub3A_99 : i32
      %lt3A_101 = arith.constant 1584 : i32
      %lt3A_102 = arith.cmpi slt, %sub3A_100, %lt3A_101 : i32
      %and3A_103 = arith.andi %ge3A_98, %lt3A_102 : i1
      %convert_element_type3A_104 = arith.extui %and3A_103 : i1 to i32
      %cond3A_105 = arith.constant 0 : i32
      %cond3A_106 = arith.cmpi ne, %convert_element_type3A_104, %cond3A_105 : i32
      scf.if %cond3A_106 {
        %mul3A_218 = arith.constant 32 : i32
        %mul3A_219 = arith.muli %max3A_87, %mul3A_218 : i32
        %add3A_220 = arith.addi %add3A, %mul3A_219 : i32
        %shift_right_logical3A_221 = arith.constant 4 : i32
        %shift_right_logical3A_222 = arith.shrui %add3A_220, %shift_right_logical3A_221 : i32
        %and3A_223 = arith.constant 15 : i32
        %and3A_224 = arith.andi %add3A_220, %and3A_223 : i32
        %mul3A_225 = arith.constant 8 : i32
        %mul3A_226 = arith.muli %and3A_224, %mul3A_225 : i32
        %dma_wait3A = arith.constant 0 : i32
        %dma_wait3A_227 = tpu.memref_slice %arg3[%shift_right_logical3A_222, %mul3A_226, %dma_wait3A] : memref<99x128x512xf32, #tpu.memory_space<hbm>> -> memref<1x8x512xf32, #tpu.memory_space<hbm>>
        %dma_wait3A_228 = tpu.memref_squeeze %dma_wait3A_227 : memref<1x8x512xf32, #tpu.memory_space<hbm>> -> memref<8x512xf32, #tpu.memory_space<hbm>>
        %dma_wait3A_229 = arith.constant 0 : i32
        %dma_wait3A_230 = tpu.memref_slice %arg3[%shift_right_logical3A_222, %mul3A_226, %dma_wait3A_229] : memref<99x128x512xf32, #tpu.memory_space<hbm>> -> memref<1x8x512xf32, #tpu.memory_space<hbm>>
        %dma_wait3A_231 = tpu.memref_squeeze %dma_wait3A_230 : memref<1x8x512xf32, #tpu.memory_space<hbm>> -> memref<8x512xf32, #tpu.memory_space<hbm>>
        tpu.wait_dma2 semaphore(%arg16 : memref<!tpu.dma_semaphore, #tpu.memory_space<semaphore_mem>>) src(%arg8 : memref<8x512xf32, #tpu.memory_space<vmem>>) dst(%dma_wait3A_231 : memref<8x512xf32, #tpu.memory_space<hbm>>)
      } else {
      }
      %convert_element_type3A_107 = arith.extui %lt3A_85 : i1 to i32
      %cond3A_108 = arith.constant 0 : i32
      %cond3A_109 = arith.cmpi ne, %convert_element_type3A_107, %cond3A_108 : i32
      scf.if %cond3A_109 {
        %scan3A_218 = arith.constant 0 : i32
        %scan3A_219 = arith.constant 0 : i32
        %scan3A_220 = arith.constant 8 : i32
        %scan3A_221 = arith.addi %scan3A_219, %scan3A_220 : i32
        %scan3A_222 = arith.constant 1 : i32
        scf.for %scan3A_239 = %scan3A_219 to %scan3A_221 step %scan3A_222  : i32 {
          %get3A = arith.constant 0 : i32
          %get3A_240 = arith.index_cast %get3A : i32 to index
          %get3A_241 = arith.index_cast %scan3A_239 : i32 to index
          %get3A_242 = arith.constant 0 : index
          %get3A_243 = tpu.vector_load %arg4[%get3A_240, %get3A_241, %get3A_242] {strides = array<i32>} : memref<2x8x512xf32, #tpu.memory_space<vmem>>, vector<16xf32>,
          %get3A_244 = arith.constant 1 : i32
          %get3A_245 = arith.index_cast %get3A_244 : i32 to index
          %get3A_246 = arith.index_cast %scan3A_239 : i32 to index
          %get3A_247 = arith.constant 0 : index
          %get3A_248 = tpu.vector_load %arg4[%get3A_245, %get3A_246, %get3A_247] {strides = array<i32>} : memref<2x8x512xf32, #tpu.memory_space<vmem>>, vector<16xf32>,
          %add3A_249 = arith.addf %get3A_243, %get3A_248 : vector<16xf32>
          %swap3A = arith.index_cast %scan3A_239 : i32 to index
          %swap3A_250 = arith.constant 0 : index
          %swap3A_251 = tpu.vector_load %arg8[%swap3A, %swap3A_250] {strides = array<i32>} : memref<8x512xf32, #tpu.memory_space<vmem>>, vector<16xf32>,
          tpu.vector_store %arg8[%swap3A, %swap3A_250], %add3A_249 {strides = array<i32>} : memref<8x512xf32, #tpu.memory_space<vmem>>, vector<16xf32>,
          %get3A_252 = arith.constant 0 : i32
          %get3A_253 = arith.index_cast %get3A_252 : i32 to index
          %get3A_254 = arith.index_cast %scan3A_239 : i32 to index
          %get3A_255 = arith.constant 16 : index
          %get3A_256 = tpu.vector_load %arg4[%get3A_253, %get3A_254, %get3A_255] {strides = array<i32>} : memref<2x8x512xf32, #tpu.memory_space<vmem>>, vector<16xf32>,
          %get3A_257 = arith.constant 1 : i32
          %get3A_258 = arith.index_cast %get3A_257 : i32 to index
          %get3A_259 = arith.index_cast %scan3A_239 : i32 to index
          %get3A_260 = arith.constant 16 : index
          %get3A_261 = tpu.vector_load %arg4[%get3A_258, %get3A_259, %get3A_260] {strides = array<i32>} : memref<2x8x512xf32, #tpu.memory_space<vmem>>, vector<16xf32>,
          %add3A_262 = arith.addf %get3A_256, %get3A_261 : vector<16xf32>
          %swap3A_263 = arith.index_cast %scan3A_239 : i32 to index
          %swap3A_264 = arith.constant 16 : index
          %swap3A_265 = tpu.vector_load %arg8[%swap3A_263, %swap3A_264] {strides = array<i32>} : memref<8x512xf32, #tpu.memory_space<vmem>>, vector<16xf32>,
          tpu.vector_store %arg8[%swap3A_263, %swap3A_264], %add3A_262 {strides = array<i32>} : memref<8x512xf32, #tpu.memory_space<vmem>>, vector<16xf32>,
          %get3A_266 = arith.constant 0 : i32
          %get3A_267 = arith.index_cast %get3A_266 : i32 to index
          %get3A_268 = arith.index_cast %scan3A_239 : i32 to index
          %get3A_269 = arith.constant 32 : index
          %get3A_270 = tpu.vector_load %arg4[%get3A_267, %get3A_268, %get3A_269] {strides = array<i32>} : memref<2x8x512xf32, #tpu.memory_space<vmem>>, vector<16xf32>,
          %get3A_271 = arith.constant 1 : i32
          %get3A_272 = arith.index_cast %get3A_271 : i32 to index
          %get3A_273 = arith.index_cast %scan3A_239 : i32 to index
          %get3A_274 = arith.constant 32 : index
          %get3A_275 = tpu.vector_load %arg4[%get3A_272, %get3A_273, %get3A_274] {strides = array<i32>} : memref<2x8x512xf32, #tpu.memory_space<vmem>>, vector<16xf32>,
          %add3A_276 = arith.addf %get3A_270, %get3A_275 : vector<16xf32>
          %swap3A_277 = arith.index_cast %scan3A_239 : i32 to index
          %swap3A_278 = arith.constant 32 : index
          %swap3A_279 = tpu.vector_load %arg8[%swap3A_277, %swap3A_278] {strides = array<i32>} : memref<8x512xf32, #tpu.memory_space<vmem>>, vector<16xf32>,
          tpu.vector_store %arg8[%swap3A_277, %swap3A_278], %add3A_276 {strides = array<i32>} : memref<8x512xf32, #tpu.memory_space<vmem>>, vector<16xf32>,
          %get3A_280 = arith.constant 0 : i32
          %get3A_281 = arith.index_cast %get3A_280 : i32 to index
          %get3A_282 = arith.index_cast %scan3A_239 : i32 to index
          %get3A_283 = arith.constant 48 : index
          %get3A_284 = tpu.vector_load %arg4[%get3A_281, %get3A_282, %get3A_283] {strides = array<i32>} : memref<2x8x512xf32, #tpu.memory_space<vmem>>, vector<16xf32>,
          %get3A_285 = arith.constant 1 : i32
          %get3A_286 = arith.index_cast %get3A_285 : i32 to index
          %get3A_287 = arith.index_cast %scan3A_239 : i32 to index
          %get3A_288 = arith.constant 48 : index
          %get3A_289 = tpu.vector_load %arg4[%get3A_286, %get3A_287, %get3A_288] {strides = array<i32>} : memref<2x8x512xf32, #tpu.memory_space<vmem>>, vector<16xf32>,
          %add3A_290 = arith.addf %get3A_284, %get3A_289 : vector<16xf32>
          %swap3A_291 = arith.index_cast %scan3A_239 : i32 to index
          %swap3A_292 = arith.constant 48 : index
          %swap3A_293 = tpu.vector_load %arg8[%swap3A_291, %swap3A_292] {strides = array<i32>} : memref<8x512xf32, #tpu.memory_space<vmem>>, vector<16xf32>,
          tpu.vector_store %arg8[%swap3A_291, %swap3A_292], %add3A_290 {strides = array<i32>} : memref<8x512xf32, #tpu.memory_space<vmem>>, vector<16xf32>,
          %get3A_294 = arith.constant 0 : i32
          %get3A_295 = arith.index_cast %get3A_294 : i32 to index
          %get3A_296 = arith.index_cast %scan3A_239 : i32 to index
          %get3A_297 = arith.constant 64 : index
          %get3A_298 = tpu.vector_load %arg4[%get3A_295, %get3A_296, %get3A_297] {strides = array<i32>} : memref<2x8x512xf32, #tpu.memory_space<vmem>>, vector<16xf32>,
          %get3A_299 = arith.constant 1 : i32
          %get3A_300 = arith.index_cast %get3A_299 : i32 to index
          %get3A_301 = arith.index_cast %scan3A_239 : i32 to index
          %get3A_302 = arith.constant 64 : index
          %get3A_303 = tpu.vector_load %arg4[%get3A_300, %get3A_301, %get3A_302] {strides = array<i32>} : memref<2x8x512xf32, #tpu.memory_space<vmem>>, vector<16xf32>,
          %add3A_304 = arith.addf %get3A_298, %get3A_303 : vector<16xf32>
          %swap3A_305 = arith.index_cast %scan3A_239 : i32 to index
          %swap3A_306 = arith.constant 64 : index
          %swap3A_307 = tpu.vector_load %arg8[%swap3A_305, %swap3A_306] {strides = array<i32>} : memref<8x512xf32, #tpu.memory_space<vmem>>, vector<16xf32>,
          tpu.vector_store %arg8[%swap3A_305, %swap3A_306], %add3A_304 {strides = array<i32>} : memref<8x512xf32, #tpu.memory_space<vmem>>, vector<16xf32>,
          %get3A_308 = arith.constant 0 : i32
          %get3A_309 = arith.index_cast %get3A_308 : i32 to index
          %get3A_310 = arith.index_cast %scan3A_239 : i32 to index
          %get3A_311 = arith.constant 80 : index
          %get3A_312 = tpu.vector_load %arg4[%get3A_309, %get3A_310, %get3A_311] {strides = array<i32>} : memref<2x8x512xf32, #tpu.memory_space<vmem>>, vector<16xf32>,
          %get3A_313 = arith.constant 1 : i32
          %get3A_314 = arith.index_cast %get3A_313 : i32 to index
          %get3A_315 = arith.index_cast %scan3A_239 : i32 to index
          %get3A_316 = arith.constant 80 : index
          %get3A_317 = tpu.vector_load %arg4[%get3A_314, %get3A_315, %get3A_316] {strides = array<i32>} : memref<2x8x512xf32, #tpu.memory_space<vmem>>, vector<16xf32>,
          %add3A_318 = arith.addf %get3A_312, %get3A_317 : vector<16xf32>
          %swap3A_319 = arith.index_cast %scan3A_239 : i32 to index
          %swap3A_320 = arith.constant 80 : index
          %swap3A_321 = tpu.vector_load %arg8[%swap3A_319, %swap3A_320] {strides = array<i32>} : memref<8x512xf32, #tpu.memory_space<vmem>>, vector<16xf32>,
          tpu.vector_store %arg8[%swap3A_319, %swap3A_320], %add3A_318 {strides = array<i32>} : memref<8x512xf32, #tpu.memory_space<vmem>>, vector<16xf32>,
          %get3A_322 = arith.constant 0 : i32
          %get3A_323 = arith.index_cast %get3A_322 : i32 to index
          %get3A_324 = arith.index_cast %scan3A_239 : i32 to index
          %get3A_325 = arith.constant 96 : index
          %get3A_326 = tpu.vector_load %arg4[%get3A_323, %get3A_324, %get3A_325] {strides = array<i32>} : memref<2x8x512xf32, #tpu.memory_space<vmem>>, vector<16xf32>,
          %get3A_327 = arith.constant 1 : i32
          %get3A_328 = arith.index_cast %get3A_327 : i32 to index
          %get3A_329 = arith.index_cast %scan3A_239 : i32 to index
          %get3A_330 = arith.constant 96 : index
          %get3A_331 = tpu.vector_load %arg4[%get3A_328, %get3A_329, %get3A_330] {strides = array<i32>} : memref<2x8x512xf32, #tpu.memory_space<vmem>>, vector<16xf32>,
          %add3A_332 = arith.addf %get3A_326, %get3A_331 : vector<16xf32>
          %swap3A_333 = arith.index_cast %scan3A_239 : i32 to index
          %swap3A_334 = arith.constant 96 : index
          %swap3A_335 = tpu.vector_load %arg8[%swap3A_333, %swap3A_334] {strides = array<i32>} : memref<8x512xf32, #tpu.memory_space<vmem>>, vector<16xf32>,
          tpu.vector_store %arg8[%swap3A_333, %swap3A_334], %add3A_332 {strides = array<i32>} : memref<8x512xf32, #tpu.memory_space<vmem>>, vector<16xf32>,
          %get3A_336 = arith.constant 0 : i32
          %get3A_337 = arith.index_cast %get3A_336 : i32 to index
          %get3A_338 = arith.index_cast %scan3A_239 : i32 to index
          %get3A_339 = arith.constant 112 : index
          %get3A_340 = tpu.vector_load %arg4[%get3A_337, %get3A_338, %get3A_339] {strides = array<i32>} : memref<2x8x512xf32, #tpu.memory_space<vmem>>, vector<16xf32>,
          %get3A_341 = arith.constant 1 : i32
          %get3A_342 = arith.index_cast %get3A_341 : i32 to index
          %get3A_343 = arith.index_cast %scan3A_239 : i32 to index
          %get3A_344 = arith.constant 112 : index
          %get3A_345 = tpu.vector_load %arg4[%get3A_342, %get3A_343, %get3A_344] {strides = array<i32>} : memref<2x8x512xf32, #tpu.memory_space<vmem>>, vector<16xf32>,
          %add3A_346 = arith.addf %get3A_340, %get3A_345 : vector<16xf32>
          %swap3A_347 = arith.index_cast %scan3A_239 : i32 to index
          %swap3A_348 = arith.constant 112 : index
          %swap3A_349 = tpu.vector_load %arg8[%swap3A_347, %swap3A_348] {strides = array<i32>} : memref<8x512xf32, #tpu.memory_space<vmem>>, vector<16xf32>,
          tpu.vector_store %arg8[%swap3A_347, %swap3A_348], %add3A_346 {strides = array<i32>} : memref<8x512xf32, #tpu.memory_space<vmem>>, vector<16xf32>,
          %get3A_350 = arith.constant 0 : i32
          %get3A_351 = arith.index_cast %get3A_350 : i32 to index
          %get3A_352 = arith.index_cast %scan3A_239 : i32 to index
          %get3A_353 = arith.constant 128 : index
          %get3A_354 = tpu.vector_load %arg4[%get3A_351, %get3A_352, %get3A_353] {strides = array<i32>} : memref<2x8x512xf32, #tpu.memory_space<vmem>>, vector<16xf32>,
          %get3A_355 = arith.constant 1 : i32
          %get3A_356 = arith.index_cast %get3A_355 : i32 to index
          %get3A_357 = arith.index_cast %scan3A_239 : i32 to index
          %get3A_358 = arith.constant 128 : index
          %get3A_359 = tpu.vector_load %arg4[%get3A_356, %get3A_357, %get3A_358] {strides = array<i32>} : memref<2x8x512xf32, #tpu.memory_space<vmem>>, vector<16xf32>,
          %add3A_360 = arith.addf %get3A_354, %get3A_359 : vector<16xf32>
          %swap3A_361 = arith.index_cast %scan3A_239 : i32 to index
          %swap3A_362 = arith.constant 128 : index
          %swap3A_363 = tpu.vector_load %arg8[%swap3A_361, %swap3A_362] {strides = array<i32>} : memref<8x512xf32, #tpu.memory_space<vmem>>, vector<16xf32>,
          tpu.vector_store %arg8[%swap3A_361, %swap3A_362], %add3A_360 {strides = array<i32>} : memref<8x512xf32, #tpu.memory_space<vmem>>, vector<16xf32>,
          %get3A_364 = arith.constant 0 : i32
          %get3A_365 = arith.index_cast %get3A_364 : i32 to index
          %get3A_366 = arith.index_cast %scan3A_239 : i32 to index
          %get3A_367 = arith.constant 144 : index
          %get3A_368 = tpu.vector_load %arg4[%get3A_365, %get3A_366, %get3A_367] {strides = array<i32>} : memref<2x8x512xf32, #tpu.memory_space<vmem>>, vector<16xf32>,
          %get3A_369 = arith.constant 1 : i32
          %get3A_370 = arith.index_cast %get3A_369 : i32 to index
          %get3A_371 = arith.index_cast %scan3A_239 : i32 to index
          %get3A_372 = arith.constant 144 : index
          %get3A_373 = tpu.vector_load %arg4[%get3A_370, %get3A_371, %get3A_372] {strides = array<i32>} : memref<2x8x512xf32, #tpu.memory_space<vmem>>, vector<16xf32>,
          %add3A_374 = arith.addf %get3A_368, %get3A_373 : vector<16xf32>
          %swap3A_375 = arith.index_cast %scan3A_239 : i32 to index
          %swap3A_376 = arith.constant 144 : index
          %swap3A_377 = tpu.vector_load %arg8[%swap3A_375, %swap3A_376] {strides = array<i32>} : memref<8x512xf32, #tpu.memory_space<vmem>>, vector<16xf32>,
          tpu.vector_store %arg8[%swap3A_375, %swap3A_376], %add3A_374 {strides = array<i32>} : memref<8x512xf32, #tpu.memory_space<vmem>>, vector<16xf32>,
          %get3A_378 = arith.constant 0 : i32
          %get3A_379 = arith.index_cast %get3A_378 : i32 to index
          %get3A_380 = arith.index_cast %scan3A_239 : i32 to index
          %get3A_381 = arith.constant 160 : index
          %get3A_382 = tpu.vector_load %arg4[%get3A_379, %get3A_380, %get3A_381] {strides = array<i32>} : memref<2x8x512xf32, #tpu.memory_space<vmem>>, vector<16xf32>,
          %get3A_383 = arith.constant 1 : i32
          %get3A_384 = arith.index_cast %get3A_383 : i32 to index
          %get3A_385 = arith.index_cast %scan3A_239 : i32 to index
          %get3A_386 = arith.constant 160 : index
          %get3A_387 = tpu.vector_load %arg4[%get3A_384, %get3A_385, %get3A_386] {strides = array<i32>} : memref<2x8x512xf32, #tpu.memory_space<vmem>>, vector<16xf32>,
          %add3A_388 = arith.addf %get3A_382, %get3A_387 : vector<16xf32>
          %swap3A_389 = arith.index_cast %scan3A_239 : i32 to index
          %swap3A_390 = arith.constant 160 : index
          %swap3A_391 = tpu.vector_load %arg8[%swap3A_389, %swap3A_390] {strides = array<i32>} : memref<8x512xf32, #tpu.memory_space<vmem>>, vector<16xf32>,
          tpu.vector_store %arg8[%swap3A_389, %swap3A_390], %add3A_388 {strides = array<i32>} : memref<8x512xf32, #tpu.memory_space<vmem>>, vector<16xf32>,
          %get3A_392 = arith.constant 0 : i32
          %get3A_393 = arith.index_cast %get3A_392 : i32 to index
          %get3A_394 = arith.index_cast %scan3A_239 : i32 to index
          %get3A_395 = arith.constant 176 : index
          %get3A_396 = tpu.vector_load %arg4[%get3A_393, %get3A_394, %get3A_395] {strides = array<i32>} : memref<2x8x512xf32, #tpu.memory_space<vmem>>, vector<16xf32>,
          %get3A_397 = arith.constant 1 : i32
          %get3A_398 = arith.index_cast %get3A_397 : i32 to index
          %get3A_399 = arith.index_cast %scan3A_239 : i32 to index
          %get3A_400 = arith.constant 176 : index
          %get3A_401 = tpu.vector_load %arg4[%get3A_398, %get3A_399, %get3A_400] {strides = array<i32>} : memref<2x8x512xf32, #tpu.memory_space<vmem>>, vector<16xf32>,
          %add3A_402 = arith.addf %get3A_396, %get3A_401 : vector<16xf32>
          %swap3A_403 = arith.index_cast %scan3A_239 : i32 to index
          %swap3A_404 = arith.constant 176 : index
          %swap3A_405 = tpu.vector_load %arg8[%swap3A_403, %swap3A_404] {strides = array<i32>} : memref<8x512xf32, #tpu.memory_space<vmem>>, vector<16xf32>,
          tpu.vector_store %arg8[%swap3A_403, %swap3A_404], %add3A_402 {strides = array<i32>} : memref<8x512xf32, #tpu.memory_space<vmem>>, vector<16xf32>,
          %get3A_406 = arith.constant 0 : i32
          %get3A_407 = arith.index_cast %get3A_406 : i32 to index
          %get3A_408 = arith.index_cast %scan3A_239 : i32 to index
          %get3A_409 = arith.constant 192 : index
          %get3A_410 = tpu.vector_load %arg4[%get3A_407, %get3A_408, %get3A_409] {strides = array<i32>} : memref<2x8x512xf32, #tpu.memory_space<vmem>>, vector<16xf32>,
          %get3A_411 = arith.constant 1 : i32
          %get3A_412 = arith.index_cast %get3A_411 : i32 to index
          %get3A_413 = arith.index_cast %scan3A_239 : i32 to index
          %get3A_414 = arith.constant 192 : index
          %get3A_415 = tpu.vector_load %arg4[%get3A_412, %get3A_413, %get3A_414] {strides = array<i32>} : memref<2x8x512xf32, #tpu.memory_space<vmem>>, vector<16xf32>,
          %add3A_416 = arith.addf %get3A_410, %get3A_415 : vector<16xf32>
          %swap3A_417 = arith.index_cast %scan3A_239 : i32 to index
          %swap3A_418 = arith.constant 192 : index
          %swap3A_419 = tpu.vector_load %arg8[%swap3A_417, %swap3A_418] {strides = array<i32>} : memref<8x512xf32, #tpu.memory_space<vmem>>, vector<16xf32>,
          tpu.vector_store %arg8[%swap3A_417, %swap3A_418], %add3A_416 {strides = array<i32>} : memref<8x512xf32, #tpu.memory_space<vmem>>, vector<16xf32>,
          %get3A_420 = arith.constant 0 : i32
          %get3A_421 = arith.index_cast %get3A_420 : i32 to index
          %get3A_422 = arith.index_cast %scan3A_239 : i32 to index
          %get3A_423 = arith.constant 208 : index
          %get3A_424 = tpu.vector_load %arg4[%get3A_421, %get3A_422, %get3A_423] {strides = array<i32>} : memref<2x8x512xf32, #tpu.memory_space<vmem>>, vector<16xf32>,
          %get3A_425 = arith.constant 1 : i32
          %get3A_426 = arith.index_cast %get3A_425 : i32 to index
          %get3A_427 = arith.index_cast %scan3A_239 : i32 to index
          %get3A_428 = arith.constant 208 : index
          %get3A_429 = tpu.vector_load %arg4[%get3A_426, %get3A_427, %get3A_428] {strides = array<i32>} : memref<2x8x512xf32, #tpu.memory_space<vmem>>, vector<16xf32>,
          %add3A_430 = arith.addf %get3A_424, %get3A_429 : vector<16xf32>
          %swap3A_431 = arith.index_cast %scan3A_239 : i32 to index
          %swap3A_432 = arith.constant 208 : index
          %swap3A_433 = tpu.vector_load %arg8[%swap3A_431, %swap3A_432] {strides = array<i32>} : memref<8x512xf32, #tpu.memory_space<vmem>>, vector<16xf32>,
          tpu.vector_store %arg8[%swap3A_431, %swap3A_432], %add3A_430 {strides = array<i32>} : memref<8x512xf32, #tpu.memory_space<vmem>>, vector<16xf32>,
          %get3A_434 = arith.constant 0 : i32
          %get3A_435 = arith.index_cast %get3A_434 : i32 to index
          %get3A_436 = arith.index_cast %scan3A_239 : i32 to index
          %get3A_437 = arith.constant 224 : index
          %get3A_438 = tpu.vector_load %arg4[%get3A_435, %get3A_436, %get3A_437] {strides = array<i32>} : memref<2x8x512xf32, #tpu.memory_space<vmem>>, vector<16xf32>,
          %get3A_439 = arith.constant 1 : i32
          %get3A_440 = arith.index_cast %get3A_439 : i32 to index
          %get3A_441 = arith.index_cast %scan3A_239 : i32 to index
          %get3A_442 = arith.constant 224 : index
          %get3A_443 = tpu.vector_load %arg4[%get3A_440, %get3A_441, %get3A_442] {strides = array<i32>} : memref<2x8x512xf32, #tpu.memory_space<vmem>>, vector<16xf32>,
          %add3A_444 = arith.addf %get3A_438, %get3A_443 : vector<16xf32>
          %swap3A_445 = arith.index_cast %scan3A_239 : i32 to index
          %swap3A_446 = arith.constant 224 : index
          %swap3A_447 = tpu.vector_load %arg8[%swap3A_445, %swap3A_446] {strides = array<i32>} : memref<8x512xf32, #tpu.memory_space<vmem>>, vector<16xf32>,
          tpu.vector_store %arg8[%swap3A_445, %swap3A_446], %add3A_444 {strides = array<i32>} : memref<8x512xf32, #tpu.memory_space<vmem>>, vector<16xf32>,
          %get3A_448 = arith.constant 0 : i32
          %get3A_449 = arith.index_cast %get3A_448 : i32 to index
          %get3A_450 = arith.index_cast %scan3A_239 : i32 to index
          %get3A_451 = arith.constant 240 : index
          %get3A_452 = tpu.vector_load %arg4[%get3A_449, %get3A_450, %get3A_451] {strides = array<i32>} : memref<2x8x512xf32, #tpu.memory_space<vmem>>, vector<16xf32>,
          %get3A_453 = arith.constant 1 : i32
          %get3A_454 = arith.index_cast %get3A_453 : i32 to index
          %get3A_455 = arith.index_cast %scan3A_239 : i32 to index
          %get3A_456 = arith.constant 240 : index
          %get3A_457 = tpu.vector_load %arg4[%get3A_454, %get3A_455, %get3A_456] {strides = array<i32>} : memref<2x8x512xf32, #tpu.memory_space<vmem>>, vector<16xf32>,
          %add3A_458 = arith.addf %get3A_452, %get3A_457 : vector<16xf32>
          %swap3A_459 = arith.index_cast %scan3A_239 : i32 to index
          %swap3A_460 = arith.constant 240 : index
          %swap3A_461 = tpu.vector_load %arg8[%swap3A_459, %swap3A_460] {strides = array<i32>} : memref<8x512xf32, #tpu.memory_space<vmem>>, vector<16xf32>,
          tpu.vector_store %arg8[%swap3A_459, %swap3A_460], %add3A_458 {strides = array<i32>} : memref<8x512xf32, #tpu.memory_space<vmem>>, vector<16xf32>,
          %get3A_462 = arith.constant 0 : i32
          %get3A_463 = arith.index_cast %get3A_462 : i32 to index
          %get3A_464 = arith.index_cast %scan3A_239 : i32 to index
          %get3A_465 = arith.constant 256 : index
          %get3A_466 = tpu.vector_load %arg4[%get3A_463, %get3A_464, %get3A_465] {strides = array<i32>} : memref<2x8x512xf32, #tpu.memory_space<vmem>>, vector<16xf32>,
          %get3A_467 = arith.constant 1 : i32
          %get3A_468 = arith.index_cast %get3A_467 : i32 to index
          %get3A_469 = arith.index_cast %scan3A_239 : i32 to index
          %get3A_470 = arith.constant 256 : index
          %get3A_471 = tpu.vector_load %arg4[%get3A_468, %get3A_469, %get3A_470] {strides = array<i32>} : memref<2x8x512xf32, #tpu.memory_space<vmem>>, vector<16xf32>,
          %add3A_472 = arith.addf %get3A_466, %get3A_471 : vector<16xf32>
          %swap3A_473 = arith.index_cast %scan3A_239 : i32 to index
          %swap3A_474 = arith.constant 256 : index
          %swap3A_475 = tpu.vector_load %arg8[%swap3A_473, %swap3A_474] {strides = array<i32>} : memref<8x512xf32, #tpu.memory_space<vmem>>, vector<16xf32>,
          tpu.vector_store %arg8[%swap3A_473, %swap3A_474], %add3A_472 {strides = array<i32>} : memref<8x512xf32, #tpu.memory_space<vmem>>, vector<16xf32>,
          %get3A_476 = arith.constant 0 : i32
          %get3A_477 = arith.index_cast %get3A_476 : i32 to index
          %get3A_478 = arith.index_cast %scan3A_239 : i32 to index
          %get3A_479 = arith.constant 272 : index
          %get3A_480 = tpu.vector_load %arg4[%get3A_477, %get3A_478, %get3A_479] {strides = array<i32>} : memref<2x8x512xf32, #tpu.memory_space<vmem>>, vector<16xf32>,
          %get3A_481 = arith.constant 1 : i32
          %get3A_482 = arith.index_cast %get3A_481 : i32 to index
          %get3A_483 = arith.index_cast %scan3A_239 : i32 to index
          %get3A_484 = arith.constant 272 : index
          %get3A_485 = tpu.vector_load %arg4[%get3A_482, %get3A_483, %get3A_484] {strides = array<i32>} : memref<2x8x512xf32, #tpu.memory_space<vmem>>, vector<16xf32>,
          %add3A_486 = arith.addf %get3A_480, %get3A_485 : vector<16xf32>
          %swap3A_487 = arith.index_cast %scan3A_239 : i32 to index
          %swap3A_488 = arith.constant 272 : index
          %swap3A_489 = tpu.vector_load %arg8[%swap3A_487, %swap3A_488] {strides = array<i32>} : memref<8x512xf32, #tpu.memory_space<vmem>>, vector<16xf32>,
          tpu.vector_store %arg8[%swap3A_487, %swap3A_488], %add3A_486 {strides = array<i32>} : memref<8x512xf32, #tpu.memory_space<vmem>>, vector<16xf32>,
          %get3A_490 = arith.constant 0 : i32
          %get3A_491 = arith.index_cast %get3A_490 : i32 to index
          %get3A_492 = arith.index_cast %scan3A_239 : i32 to index
          %get3A_493 = arith.constant 288 : index
          %get3A_494 = tpu.vector_load %arg4[%get3A_491, %get3A_492, %get3A_493] {strides = array<i32>} : memref<2x8x512xf32, #tpu.memory_space<vmem>>, vector<16xf32>,
          %get3A_495 = arith.constant 1 : i32
          %get3A_496 = arith.index_cast %get3A_495 : i32 to index
          %get3A_497 = arith.index_cast %scan3A_239 : i32 to index
          %get3A_498 = arith.constant 288 : index
          %get3A_499 = tpu.vector_load %arg4[%get3A_496, %get3A_497, %get3A_498] {strides = array<i32>} : memref<2x8x512xf32, #tpu.memory_space<vmem>>, vector<16xf32>,
          %add3A_500 = arith.addf %get3A_494, %get3A_499 : vector<16xf32>
          %swap3A_501 = arith.index_cast %scan3A_239 : i32 to index
          %swap3A_502 = arith.constant 288 : index
          %swap3A_503 = tpu.vector_load %arg8[%swap3A_501, %swap3A_502] {strides = array<i32>} : memref<8x512xf32, #tpu.memory_space<vmem>>, vector<16xf32>,
          tpu.vector_store %arg8[%swap3A_501, %swap3A_502], %add3A_500 {strides = array<i32>} : memref<8x512xf32, #tpu.memory_space<vmem>>, vector<16xf32>,
          %get3A_504 = arith.constant 0 : i32
          %get3A_505 = arith.index_cast %get3A_504 : i32 to index
          %get3A_506 = arith.index_cast %scan3A_239 : i32 to index
          %get3A_507 = arith.constant 304 : index
          %get3A_508 = tpu.vector_load %arg4[%get3A_505, %get3A_506, %get3A_507] {strides = array<i32>} : memref<2x8x512xf32, #tpu.memory_space<vmem>>, vector<16xf32>,
          %get3A_509 = arith.constant 1 : i32
          %get3A_510 = arith.index_cast %get3A_509 : i32 to index
          %get3A_511 = arith.index_cast %scan3A_239 : i32 to index
          %get3A_512 = arith.constant 304 : index
          %get3A_513 = tpu.vector_load %arg4[%get3A_510, %get3A_511, %get3A_512] {strides = array<i32>} : memref<2x8x512xf32, #tpu.memory_space<vmem>>, vector<16xf32>,
          %add3A_514 = arith.addf %get3A_508, %get3A_513 : vector<16xf32>
          %swap3A_515 = arith.index_cast %scan3A_239 : i32 to index
          %swap3A_516 = arith.constant 304 : index
          %swap3A_517 = tpu.vector_load %arg8[%swap3A_515, %swap3A_516] {strides = array<i32>} : memref<8x512xf32, #tpu.memory_space<vmem>>, vector<16xf32>,
          tpu.vector_store %arg8[%swap3A_515, %swap3A_516], %add3A_514 {strides = array<i32>} : memref<8x512xf32, #tpu.memory_space<vmem>>, vector<16xf32>,
          %get3A_518 = arith.constant 0 : i32
          %get3A_519 = arith.index_cast %get3A_518 : i32 to index
          %get3A_520 = arith.index_cast %scan3A_239 : i32 to index
          %get3A_521 = arith.constant 320 : index
          %get3A_522 = tpu.vector_load %arg4[%get3A_519, %get3A_520, %get3A_521] {strides = array<i32>} : memref<2x8x512xf32, #tpu.memory_space<vmem>>, vector<16xf32>,
          %get3A_523 = arith.constant 1 : i32
          %get3A_524 = arith.index_cast %get3A_523 : i32 to index
          %get3A_525 = arith.index_cast %scan3A_239 : i32 to index
          %get3A_526 = arith.constant 320 : index
          %get3A_527 = tpu.vector_load %arg4[%get3A_524, %get3A_525, %get3A_526] {strides = array<i32>} : memref<2x8x512xf32, #tpu.memory_space<vmem>>, vector<16xf32>,
          %add3A_528 = arith.addf %get3A_522, %get3A_527 : vector<16xf32>
          %swap3A_529 = arith.index_cast %scan3A_239 : i32 to index
          %swap3A_530 = arith.constant 320 : index
          %swap3A_531 = tpu.vector_load %arg8[%swap3A_529, %swap3A_530] {strides = array<i32>} : memref<8x512xf32, #tpu.memory_space<vmem>>, vector<16xf32>,
          tpu.vector_store %arg8[%swap3A_529, %swap3A_530], %add3A_528 {strides = array<i32>} : memref<8x512xf32, #tpu.memory_space<vmem>>, vector<16xf32>,
          %get3A_532 = arith.constant 0 : i32
          %get3A_533 = arith.index_cast %get3A_532 : i32 to index
          %get3A_534 = arith.index_cast %scan3A_239 : i32 to index
          %get3A_535 = arith.constant 336 : index
          %get3A_536 = tpu.vector_load %arg4[%get3A_533, %get3A_534, %get3A_535] {strides = array<i32>} : memref<2x8x512xf32, #tpu.memory_space<vmem>>, vector<16xf32>,
          %get3A_537 = arith.constant 1 : i32
          %get3A_538 = arith.index_cast %get3A_537 : i32 to index
          %get3A_539 = arith.index_cast %scan3A_239 : i32 to index
          %get3A_540 = arith.constant 336 : index
          %get3A_541 = tpu.vector_load %arg4[%get3A_538, %get3A_539, %get3A_540] {strides = array<i32>} : memref<2x8x512xf32, #tpu.memory_space<vmem>>, vector<16xf32>,
          %add3A_542 = arith.addf %get3A_536, %get3A_541 : vector<16xf32>
          %swap3A_543 = arith.index_cast %scan3A_239 : i32 to index
          %swap3A_544 = arith.constant 336 : index
          %swap3A_545 = tpu.vector_load %arg8[%swap3A_543, %swap3A_544] {strides = array<i32>} : memref<8x512xf32, #tpu.memory_space<vmem>>, vector<16xf32>,
          tpu.vector_store %arg8[%swap3A_543, %swap3A_544], %add3A_542 {strides = array<i32>} : memref<8x512xf32, #tpu.memory_space<vmem>>, vector<16xf32>,
          %get3A_546 = arith.constant 0 : i32
          %get3A_547 = arith.index_cast %get3A_546 : i32 to index
          %get3A_548 = arith.index_cast %scan3A_239 : i32 to index
          %get3A_549 = arith.constant 352 : index
          %get3A_550 = tpu.vector_load %arg4[%get3A_547, %get3A_548, %get3A_549] {strides = array<i32>} : memref<2x8x512xf32, #tpu.memory_space<vmem>>, vector<16xf32>,
          %get3A_551 = arith.constant 1 : i32
          %get3A_552 = arith.index_cast %get3A_551 : i32 to index
          %get3A_553 = arith.index_cast %scan3A_239 : i32 to index
          %get3A_554 = arith.constant 352 : index
          %get3A_555 = tpu.vector_load %arg4[%get3A_552, %get3A_553, %get3A_554] {strides = array<i32>} : memref<2x8x512xf32, #tpu.memory_space<vmem>>, vector<16xf32>,
          %add3A_556 = arith.addf %get3A_550, %get3A_555 : vector<16xf32>
          %swap3A_557 = arith.index_cast %scan3A_239 : i32 to index
          %swap3A_558 = arith.constant 352 : index
          %swap3A_559 = tpu.vector_load %arg8[%swap3A_557, %swap3A_558] {strides = array<i32>} : memref<8x512xf32, #tpu.memory_space<vmem>>, vector<16xf32>,
          tpu.vector_store %arg8[%swap3A_557, %swap3A_558], %add3A_556 {strides = array<i32>} : memref<8x512xf32, #tpu.memory_space<vmem>>, vector<16xf32>,
          %get3A_560 = arith.constant 0 : i32
          %get3A_561 = arith.index_cast %get3A_560 : i32 to index
          %get3A_562 = arith.index_cast %scan3A_239 : i32 to index
          %get3A_563 = arith.constant 368 : index
          %get3A_564 = tpu.vector_load %arg4[%get3A_561, %get3A_562, %get3A_563] {strides = array<i32>} : memref<2x8x512xf32, #tpu.memory_space<vmem>>, vector<16xf32>,
          %get3A_565 = arith.constant 1 : i32
          %get3A_566 = arith.index_cast %get3A_565 : i32 to index
          %get3A_567 = arith.index_cast %scan3A_239 : i32 to index
          %get3A_568 = arith.constant 368 : index
          %get3A_569 = tpu.vector_load %arg4[%get3A_566, %get3A_567, %get3A_568] {strides = array<i32>} : memref<2x8x512xf32, #tpu.memory_space<vmem>>, vector<16xf32>,
          %add3A_570 = arith.addf %get3A_564, %get3A_569 : vector<16xf32>
          %swap3A_571 = arith.index_cast %scan3A_239 : i32 to index
          %swap3A_572 = arith.constant 368 : index
          %swap3A_573 = tpu.vector_load %arg8[%swap3A_571, %swap3A_572] {strides = array<i32>} : memref<8x512xf32, #tpu.memory_space<vmem>>, vector<16xf32>,
          tpu.vector_store %arg8[%swap3A_571, %swap3A_572], %add3A_570 {strides = array<i32>} : memref<8x512xf32, #tpu.memory_space<vmem>>, vector<16xf32>,
          %get3A_574 = arith.constant 0 : i32
          %get3A_575 = arith.index_cast %get3A_574 : i32 to index
          %get3A_576 = arith.index_cast %scan3A_239 : i32 to index
          %get3A_577 = arith.constant 384 : index
          %get3A_578 = tpu.vector_load %arg4[%get3A_575, %get3A_576, %get3A_577] {strides = array<i32>} : memref<2x8x512xf32, #tpu.memory_space<vmem>>, vector<16xf32>,
          %get3A_579 = arith.constant 1 : i32
          %get3A_580 = arith.index_cast %get3A_579 : i32 to index
          %get3A_581 = arith.index_cast %scan3A_239 : i32 to index
          %get3A_582 = arith.constant 384 : index
          %get3A_583 = tpu.vector_load %arg4[%get3A_580, %get3A_581, %get3A_582] {strides = array<i32>} : memref<2x8x512xf32, #tpu.memory_space<vmem>>, vector<16xf32>,
          %add3A_584 = arith.addf %get3A_578, %get3A_583 : vector<16xf32>
          %swap3A_585 = arith.index_cast %scan3A_239 : i32 to index
          %swap3A_586 = arith.constant 384 : index
          %swap3A_587 = tpu.vector_load %arg8[%swap3A_585, %swap3A_586] {strides = array<i32>} : memref<8x512xf32, #tpu.memory_space<vmem>>, vector<16xf32>,
          tpu.vector_store %arg8[%swap3A_585, %swap3A_586], %add3A_584 {strides = array<i32>} : memref<8x512xf32, #tpu.memory_space<vmem>>, vector<16xf32>,
          %get3A_588 = arith.constant 0 : i32
          %get3A_589 = arith.index_cast %get3A_588 : i32 to index
          %get3A_590 = arith.index_cast %scan3A_239 : i32 to index
          %get3A_591 = arith.constant 400 : index
          %get3A_592 = tpu.vector_load %arg4[%get3A_589, %get3A_590, %get3A_591] {strides = array<i32>} : memref<2x8x512xf32, #tpu.memory_space<vmem>>, vector<16xf32>,
          %get3A_593 = arith.constant 1 : i32
          %get3A_594 = arith.index_cast %get3A_593 : i32 to index
          %get3A_595 = arith.index_cast %scan3A_239 : i32 to index
          %get3A_596 = arith.constant 400 : index
          %get3A_597 = tpu.vector_load %arg4[%get3A_594, %get3A_595, %get3A_596] {strides = array<i32>} : memref<2x8x512xf32, #tpu.memory_space<vmem>>, vector<16xf32>,
          %add3A_598 = arith.addf %get3A_592, %get3A_597 : vector<16xf32>
          %swap3A_599 = arith.index_cast %scan3A_239 : i32 to index
          %swap3A_600 = arith.constant 400 : index
          %swap3A_601 = tpu.vector_load %arg8[%swap3A_599, %swap3A_600] {strides = array<i32>} : memref<8x512xf32, #tpu.memory_space<vmem>>, vector<16xf32>,
          tpu.vector_store %arg8[%swap3A_599, %swap3A_600], %add3A_598 {strides = array<i32>} : memref<8x512xf32, #tpu.memory_space<vmem>>, vector<16xf32>,
          %get3A_602 = arith.constant 0 : i32
          %get3A_603 = arith.index_cast %get3A_602 : i32 to index
          %get3A_604 = arith.index_cast %scan3A_239 : i32 to index
          %get3A_605 = arith.constant 416 : index
          %get3A_606 = tpu.vector_load %arg4[%get3A_603, %get3A_604, %get3A_605] {strides = array<i32>} : memref<2x8x512xf32, #tpu.memory_space<vmem>>, vector<16xf32>,
          %get3A_607 = arith.constant 1 : i32
          %get3A_608 = arith.index_cast %get3A_607 : i32 to index
          %get3A_609 = arith.index_cast %scan3A_239 : i32 to index
          %get3A_610 = arith.constant 416 : index
          %get3A_611 = tpu.vector_load %arg4[%get3A_608, %get3A_609, %get3A_610] {strides = array<i32>} : memref<2x8x512xf32, #tpu.memory_space<vmem>>, vector<16xf32>,
          %add3A_612 = arith.addf %get3A_606, %get3A_611 : vector<16xf32>
          %swap3A_613 = arith.index_cast %scan3A_239 : i32 to index
          %swap3A_614 = arith.constant 416 : index
          %swap3A_615 = tpu.vector_load %arg8[%swap3A_613, %swap3A_614] {strides = array<i32>} : memref<8x512xf32, #tpu.memory_space<vmem>>, vector<16xf32>,
          tpu.vector_store %arg8[%swap3A_613, %swap3A_614], %add3A_612 {strides = array<i32>} : memref<8x512xf32, #tpu.memory_space<vmem>>, vector<16xf32>,
          %get3A_616 = arith.constant 0 : i32
          %get3A_617 = arith.index_cast %get3A_616 : i32 to index
          %get3A_618 = arith.index_cast %scan3A_239 : i32 to index
          %get3A_619 = arith.constant 432 : index
          %get3A_620 = tpu.vector_load %arg4[%get3A_617, %get3A_618, %get3A_619] {strides = array<i32>} : memref<2x8x512xf32, #tpu.memory_space<vmem>>, vector<16xf32>,
          %get3A_621 = arith.constant 1 : i32
          %get3A_622 = arith.index_cast %get3A_621 : i32 to index
          %get3A_623 = arith.index_cast %scan3A_239 : i32 to index
          %get3A_624 = arith.constant 432 : index
          %get3A_625 = tpu.vector_load %arg4[%get3A_622, %get3A_623, %get3A_624] {strides = array<i32>} : memref<2x8x512xf32, #tpu.memory_space<vmem>>, vector<16xf32>,
          %add3A_626 = arith.addf %get3A_620, %get3A_625 : vector<16xf32>
          %swap3A_627 = arith.index_cast %scan3A_239 : i32 to index
          %swap3A_628 = arith.constant 432 : index
          %swap3A_629 = tpu.vector_load %arg8[%swap3A_627, %swap3A_628] {strides = array<i32>} : memref<8x512xf32, #tpu.memory_space<vmem>>, vector<16xf32>,
          tpu.vector_store %arg8[%swap3A_627, %swap3A_628], %add3A_626 {strides = array<i32>} : memref<8x512xf32, #tpu.memory_space<vmem>>, vector<16xf32>,
          %get3A_630 = arith.constant 0 : i32
          %get3A_631 = arith.index_cast %get3A_630 : i32 to index
          %get3A_632 = arith.index_cast %scan3A_239 : i32 to index
          %get3A_633 = arith.constant 448 : index
          %get3A_634 = tpu.vector_load %arg4[%get3A_631, %get3A_632, %get3A_633] {strides = array<i32>} : memref<2x8x512xf32, #tpu.memory_space<vmem>>, vector<16xf32>,
          %get3A_635 = arith.constant 1 : i32
          %get3A_636 = arith.index_cast %get3A_635 : i32 to index
          %get3A_637 = arith.index_cast %scan3A_239 : i32 to index
          %get3A_638 = arith.constant 448 : index
          %get3A_639 = tpu.vector_load %arg4[%get3A_636, %get3A_637, %get3A_638] {strides = array<i32>} : memref<2x8x512xf32, #tpu.memory_space<vmem>>, vector<16xf32>,
          %add3A_640 = arith.addf %get3A_634, %get3A_639 : vector<16xf32>
          %swap3A_641 = arith.index_cast %scan3A_239 : i32 to index
          %swap3A_642 = arith.constant 448 : index
          %swap3A_643 = tpu.vector_load %arg8[%swap3A_641, %swap3A_642] {strides = array<i32>} : memref<8x512xf32, #tpu.memory_space<vmem>>, vector<16xf32>,
          tpu.vector_store %arg8[%swap3A_641, %swap3A_642], %add3A_640 {strides = array<i32>} : memref<8x512xf32, #tpu.memory_space<vmem>>, vector<16xf32>,
          %get3A_644 = arith.constant 0 : i32
          %get3A_645 = arith.index_cast %get3A_644 : i32 to index
          %get3A_646 = arith.index_cast %scan3A_239 : i32 to index
          %get3A_647 = arith.constant 464 : index
          %get3A_648 = tpu.vector_load %arg4[%get3A_645, %get3A_646, %get3A_647] {strides = array<i32>} : memref<2x8x512xf32, #tpu.memory_space<vmem>>, vector<16xf32>,
          %get3A_649 = arith.constant 1 : i32
          %get3A_650 = arith.index_cast %get3A_649 : i32 to index
          %get3A_651 = arith.index_cast %scan3A_239 : i32 to index
          %get3A_652 = arith.constant 464 : index
          %get3A_653 = tpu.vector_load %arg4[%get3A_650, %get3A_651, %get3A_652] {strides = array<i32>} : memref<2x8x512xf32, #tpu.memory_space<vmem>>, vector<16xf32>,
          %add3A_654 = arith.addf %get3A_648, %get3A_653 : vector<16xf32>
          %swap3A_655 = arith.index_cast %scan3A_239 : i32 to index
          %swap3A_656 = arith.constant 464 : index
          %swap3A_657 = tpu.vector_load %arg8[%swap3A_655, %swap3A_656] {strides = array<i32>} : memref<8x512xf32, #tpu.memory_space<vmem>>, vector<16xf32>,
          tpu.vector_store %arg8[%swap3A_655, %swap3A_656], %add3A_654 {strides = array<i32>} : memref<8x512xf32, #tpu.memory_space<vmem>>, vector<16xf32>,
          %get3A_658 = arith.constant 0 : i32
          %get3A_659 = arith.index_cast %get3A_658 : i32 to index
          %get3A_660 = arith.index_cast %scan3A_239 : i32 to index
          %get3A_661 = arith.constant 480 : index
          %get3A_662 = tpu.vector_load %arg4[%get3A_659, %get3A_660, %get3A_661] {strides = array<i32>} : memref<2x8x512xf32, #tpu.memory_space<vmem>>, vector<16xf32>,
          %get3A_663 = arith.constant 1 : i32
          %get3A_664 = arith.index_cast %get3A_663 : i32 to index
          %get3A_665 = arith.index_cast %scan3A_239 : i32 to index
          %get3A_666 = arith.constant 480 : index
          %get3A_667 = tpu.vector_load %arg4[%get3A_664, %get3A_665, %get3A_666] {strides = array<i32>} : memref<2x8x512xf32, #tpu.memory_space<vmem>>, vector<16xf32>,
          %add3A_668 = arith.addf %get3A_662, %get3A_667 : vector<16xf32>
          %swap3A_669 = arith.index_cast %scan3A_239 : i32 to index
          %swap3A_670 = arith.constant 480 : index
          %swap3A_671 = tpu.vector_load %arg8[%swap3A_669, %swap3A_670] {strides = array<i32>} : memref<8x512xf32, #tpu.memory_space<vmem>>, vector<16xf32>,
          tpu.vector_store %arg8[%swap3A_669, %swap3A_670], %add3A_668 {strides = array<i32>} : memref<8x512xf32, #tpu.memory_space<vmem>>, vector<16xf32>,
          %get3A_672 = arith.constant 0 : i32
          %get3A_673 = arith.index_cast %get3A_672 : i32 to index
          %get3A_674 = arith.index_cast %scan3A_239 : i32 to index
          %get3A_675 = arith.constant 496 : index
          %get3A_676 = tpu.vector_load %arg4[%get3A_673, %get3A_674, %get3A_675] {strides = array<i32>} : memref<2x8x512xf32, #tpu.memory_space<vmem>>, vector<16xf32>,
          %get3A_677 = arith.constant 1 : i32
          %get3A_678 = arith.index_cast %get3A_677 : i32 to index
          %get3A_679 = arith.index_cast %scan3A_239 : i32 to index
          %get3A_680 = arith.constant 496 : index
          %get3A_681 = tpu.vector_load %arg4[%get3A_678, %get3A_679, %get3A_680] {strides = array<i32>} : memref<2x8x512xf32, #tpu.memory_space<vmem>>, vector<16xf32>,
          %add3A_682 = arith.addf %get3A_676, %get3A_681 : vector<16xf32>
          %swap3A_683 = arith.index_cast %scan3A_239 : i32 to index
          %swap3A_684 = arith.constant 496 : index
          %swap3A_685 = tpu.vector_load %arg8[%swap3A_683, %swap3A_684] {strides = array<i32>} : memref<8x512xf32, #tpu.memory_space<vmem>>, vector<16xf32>,
          tpu.vector_store %arg8[%swap3A_683, %swap3A_684], %add3A_682 {strides = array<i32>} : memref<8x512xf32, #tpu.memory_space<vmem>>, vector<16xf32>,
        }
        %scan3A_223 = arith.constant 8 : i32
        %mul3A_224 = arith.constant 32 : i32
        %mul3A_225 = arith.muli %add3A_80, %mul3A_224 : i32
        %add3A_226 = arith.addi %add3A, %mul3A_225 : i32
        %shift_right_logical3A_227 = arith.constant 4 : i32
        %shift_right_logical3A_228 = arith.shrui %add3A_226, %shift_right_logical3A_227 : i32
        %and3A_229 = arith.constant 15 : i32
        %and3A_230 = arith.andi %add3A_226, %and3A_229 : i32
        %mul3A_231 = arith.constant 8 : i32
        %mul3A_232 = arith.muli %and3A_230, %mul3A_231 : i32
        %dma_start3A_233 = arith.constant 0 : i32
        %dma_start3A_234 = tpu.memref_slice %arg3[%shift_right_logical3A_228, %mul3A_232, %dma_start3A_233] : memref<99x128x512xf32, #tpu.memory_space<hbm>> -> memref<1x8x512xf32, #tpu.memory_space<hbm>>
        %dma_start3A_235 = tpu.memref_squeeze %dma_start3A_234 : memref<1x8x512xf32, #tpu.memory_space<hbm>> -> memref<8x512xf32, #tpu.memory_space<hbm>>
        %dma_start3A_236 = arith.constant 0 : i32
        %dma_start3A_237 = tpu.memref_slice %arg3[%shift_right_logical3A_228, %mul3A_232, %dma_start3A_236] : memref<99x128x512xf32, #tpu.memory_space<hbm>> -> memref<1x8x512xf32, #tpu.memory_space<hbm>>
        %dma_start3A_238 = tpu.memref_squeeze %dma_start3A_237 : memref<1x8x512xf32, #tpu.memory_space<hbm>> -> memref<8x512xf32, #tpu.memory_space<hbm>>
        tpu.enqueue_dma source(%arg8 : memref<8x512xf32, #tpu.memory_space<vmem>>) target(%dma_start3A_238 : memref<8x512xf32, #tpu.memory_space<hbm>>) target_semaphore(%arg16 : memref<!tpu.dma_semaphore, #tpu.memory_space<semaphore_mem>>)
      } else {
      }
      %mul3A_110 = arith.constant 4 : i32
      %mul3A_111 = arith.muli %scan3A_76, %mul3A_110 : i32
      %add3A_112 = arith.constant 1 : i32
      %add3A_113 = arith.addi %mul3A_111, %add3A_112 : i32
      %mul3A_114 = arith.constant 32 : i32
      %mul3A_115 = arith.muli %add3A_113, %mul3A_114 : i32
      %add3A_116 = arith.addi %add3A, %mul3A_115 : i32
      %lt3A_117 = arith.constant 1584 : i32
      %lt3A_118 = arith.cmpi slt, %add3A_116, %lt3A_117 : i32
      %sub3A_119 = arith.constant 4 : i32
      %sub3A_120 = arith.subi %add3A_113, %sub3A_119 : i32
      %max3A_121 = arith.constant 0 : i32
      %max3A_122 = arith.maxsi %sub3A_120, %max3A_121 : i32
      %add3A_123 = arith.constant 96 : i32
      %add3A_124 = arith.addi %add3A_116, %add3A_123 : i32
      %lt3A_125 = arith.constant 1584 : i32
      %lt3A_126 = arith.cmpi slt, %add3A_124, %lt3A_125 : i32
      %convert_element_type3A_127 = arith.extui %lt3A_126 : i1 to i32
      %cond3A_128 = arith.constant 0 : i32
      %cond3A_129 = arith.cmpi ne, %convert_element_type3A_127, %cond3A_128 : i32
      scf.if %cond3A_129 {
        %add3A_218 = arith.constant 4 : i32
        %add3A_219 = arith.addi %add3A_113, %add3A_218 : i32
        %sub3A_220 = arith.constant 1 : i32
        %sub3A_221 = arith.subi %add3A_219, %sub3A_220 : i32
        %mul3A_222 = arith.constant 32 : i32
        %mul3A_223 = arith.muli %sub3A_221, %mul3A_222 : i32
        %add3A_224 = arith.addi %add3A, %mul3A_223 : i32
        %shift_right_logical3A_225 = arith.constant 4 : i32
        %shift_right_logical3A_226 = arith.shrui %add3A_224, %shift_right_logical3A_225 : i32
        %and3A_227 = arith.constant 15 : i32
        %and3A_228 = arith.andi %add3A_224, %and3A_227 : i32
        %mul3A_229 = arith.constant 8 : i32
        %mul3A_230 = arith.muli %and3A_228, %mul3A_229 : i32
        %dma_start3A_231 = arith.constant 0 : i32
        %dma_start3A_232 = arith.constant 0 : i32
        %dma_start3A_233 = tpu.memref_slice %arg2[%shift_right_logical3A_226, %dma_start3A_231, %mul3A_230, %dma_start3A_232] : memref<99x2x128x512xf32, #tpu.memory_space<hbm>> -> memref<1x2x8x512xf32, #tpu.memory_space<hbm>>
        %dma_start3A_234 = tpu.memref_squeeze %dma_start3A_233 : memref<1x2x8x512xf32, #tpu.memory_space<hbm>> -> memref<2x8x512xf32, #tpu.memory_space<hbm>>
        %dma_start3A_235 = arith.constant 0 : i32
        %dma_start3A_236 = arith.constant 0 : i32
        %dma_start3A_237 = tpu.memref_slice %arg2[%shift_right_logical3A_226, %dma_start3A_235, %mul3A_230, %dma_start3A_236] : memref<99x2x128x512xf32, #tpu.memory_space<hbm>> -> memref<1x2x8x512xf32, #tpu.memory_space<hbm>>
        %dma_start3A_238 = tpu.memref_squeeze %dma_start3A_237 : memref<1x2x8x512xf32, #tpu.memory_space<hbm>> -> memref<2x8x512xf32, #tpu.memory_space<hbm>>
        tpu.enqueue_dma source(%dma_start3A_238 : memref<2x8x512xf32, #tpu.memory_space<hbm>>) target(%arg4 : memref<2x8x512xf32, #tpu.memory_space<vmem>>) target_semaphore(%arg12 : memref<!tpu.dma_semaphore, #tpu.memory_space<semaphore_mem>>)
      } else {
      }
      %convert_element_type3A_130 = arith.extui %lt3A_118 : i1 to i32
      %cond3A_131 = arith.constant 0 : i32
      %cond3A_132 = arith.cmpi ne, %convert_element_type3A_130, %cond3A_131 : i32
      scf.if %cond3A_132 {
        %mul3A_218 = arith.constant 32 : i32
        %mul3A_219 = arith.muli %add3A_113, %mul3A_218 : i32
        %add3A_220 = arith.addi %add3A, %mul3A_219 : i32
        %shift_right_logical3A_221 = arith.constant 4 : i32
        %shift_right_logical3A_222 = arith.shrui %add3A_220, %shift_right_logical3A_221 : i32
        %and3A_223 = arith.constant 15 : i32
        %and3A_224 = arith.andi %add3A_220, %and3A_223 : i32
        %mul3A_225 = arith.constant 8 : i32
        %mul3A_226 = arith.muli %and3A_224, %mul3A_225 : i32
        %dma_wait3A = arith.constant 0 : i32
        %dma_wait3A_227 = arith.constant 0 : i32
        %dma_wait3A_228 = tpu.memref_slice %arg2[%shift_right_logical3A_222, %dma_wait3A, %mul3A_226, %dma_wait3A_227] : memref<99x2x128x512xf32, #tpu.memory_space<hbm>> -> memref<1x2x8x512xf32, #tpu.memory_space<hbm>>
        %dma_wait3A_229 = tpu.memref_squeeze %dma_wait3A_228 : memref<1x2x8x512xf32, #tpu.memory_space<hbm>> -> memref<2x8x512xf32, #tpu.memory_space<hbm>>
        %dma_wait3A_230 = arith.constant 0 : i32
        %dma_wait3A_231 = arith.constant 0 : i32
        %dma_wait3A_232 = tpu.memref_slice %arg2[%shift_right_logical3A_222, %dma_wait3A_230, %mul3A_226, %dma_wait3A_231] : memref<99x2x128x512xf32, #tpu.memory_space<hbm>> -> memref<1x2x8x512xf32, #tpu.memory_space<hbm>>
        %dma_wait3A_233 = tpu.memref_squeeze %dma_wait3A_232 : memref<1x2x8x512xf32, #tpu.memory_space<hbm>> -> memref<2x8x512xf32, #tpu.memory_space<hbm>>
        tpu.wait_dma2 semaphore(%arg13 : memref<!tpu.dma_semaphore, #tpu.memory_space<semaphore_mem>>) src(%dma_wait3A_233 : memref<2x8x512xf32, #tpu.memory_space<hbm>>) dst(%arg5 : memref<2x8x512xf32, #tpu.memory_space<vmem>>)
      } else {
      }
      %ge3A_133 = arith.constant 4 : i32
      %ge3A_134 = arith.cmpi sge, %add3A_113, %ge3A_133 : i32
      %sub3A_135 = arith.constant 128 : i32
      %sub3A_136 = arith.subi %add3A_116, %sub3A_135 : i32
      %lt3A_137 = arith.constant 1584 : i32
      %lt3A_138 = arith.cmpi slt, %sub3A_136, %lt3A_137 : i32
      %and3A_139 = arith.andi %ge3A_134, %lt3A_138 : i1
      %convert_element_type3A_140 = arith.extui %and3A_139 : i1 to i32
      %cond3A_141 = arith.constant 0 : i32
      %cond3A_142 = arith.cmpi ne, %convert_element_type3A_140, %cond3A_141 : i32
      scf.if %cond3A_142 {
        %mul3A_218 = arith.constant 32 : i32
        %mul3A_219 = arith.muli %max3A_122, %mul3A_218 : i32
        %add3A_220 = arith.addi %add3A, %mul3A_219 : i32
        %shift_right_logical3A_221 = arith.constant 4 : i32
        %shift_right_logical3A_222 = arith.shrui %add3A_220, %shift_right_logical3A_221 : i32
        %and3A_223 = arith.constant 15 : i32
        %and3A_224 = arith.andi %add3A_220, %and3A_223 : i32
        %mul3A_225 = arith.constant 8 : i32
        %mul3A_226 = arith.muli %and3A_224, %mul3A_225 : i32
        %dma_wait3A = arith.constant 0 : i32
        %dma_wait3A_227 = tpu.memref_slice %arg3[%shift_right_logical3A_222, %mul3A_226, %dma_wait3A] : memref<99x128x512xf32, #tpu.memory_space<hbm>> -> memref<1x8x512xf32, #tpu.memory_space<hbm>>
        %dma_wait3A_228 = tpu.memref_squeeze %dma_wait3A_227 : memref<1x8x512xf32, #tpu.memory_space<hbm>> -> memref<8x512xf32, #tpu.memory_space<hbm>>
        %dma_wait3A_229 = arith.constant 0 : i32
        %dma_wait3A_230 = tpu.memref_slice %arg3[%shift_right_logical3A_222, %mul3A_226, %dma_wait3A_229] : memref<99x128x512xf32, #tpu.memory_space<hbm>> -> memref<1x8x512xf32, #tpu.memory_space<hbm>>
        %dma_wait3A_231 = tpu.memref_squeeze %dma_wait3A_230 : memref<1x8x512xf32, #tpu.memory_space<hbm>> -> memref<8x512xf32, #tpu.memory_space<hbm>>
        tpu.wait_dma2 semaphore(%arg17 : memref<!tpu.dma_semaphore, #tpu.memory_space<semaphore_mem>>) src(%arg9 : memref<8x512xf32, #tpu.memory_space<vmem>>) dst(%dma_wait3A_231 : memref<8x512xf32, #tpu.memory_space<hbm>>)
      } else {
      }
      %convert_element_type3A_143 = arith.extui %lt3A_118 : i1 to i32
      %cond3A_144 = arith.constant 0 : i32
      %cond3A_145 = arith.cmpi ne, %convert_element_type3A_143, %cond3A_144 : i32
      scf.if %cond3A_145 {
        %scan3A_218 = arith.constant 0 : i32
        %scan3A_219 = arith.constant 0 : i32
        %scan3A_220 = arith.constant 8 : i32
        %scan3A_221 = arith.addi %scan3A_219, %scan3A_220 : i32
        %scan3A_222 = arith.constant 1 : i32
        scf.for %scan3A_239 = %scan3A_219 to %scan3A_221 step %scan3A_222  : i32 {
          %get3A = arith.constant 0 : i32
          %get3A_240 = arith.index_cast %get3A : i32 to index
          %get3A_241 = arith.index_cast %scan3A_239 : i32 to index
          %get3A_242 = arith.constant 0 : index
          %get3A_243 = tpu.vector_load %arg5[%get3A_240, %get3A_241, %get3A_242] {strides = array<i32>} : memref<2x8x512xf32, #tpu.memory_space<vmem>>, vector<16xf32>,
          %get3A_244 = arith.constant 1 : i32
          %get3A_245 = arith.index_cast %get3A_244 : i32 to index
          %get3A_246 = arith.index_cast %scan3A_239 : i32 to index
          %get3A_247 = arith.constant 0 : index
          %get3A_248 = tpu.vector_load %arg5[%get3A_245, %get3A_246, %get3A_247] {strides = array<i32>} : memref<2x8x512xf32, #tpu.memory_space<vmem>>, vector<16xf32>,
          %add3A_249 = arith.addf %get3A_243, %get3A_248 : vector<16xf32>
          %swap3A = arith.index_cast %scan3A_239 : i32 to index
          %swap3A_250 = arith.constant 0 : index
          %swap3A_251 = tpu.vector_load %arg9[%swap3A, %swap3A_250] {strides = array<i32>} : memref<8x512xf32, #tpu.memory_space<vmem>>, vector<16xf32>,
          tpu.vector_store %arg9[%swap3A, %swap3A_250], %add3A_249 {strides = array<i32>} : memref<8x512xf32, #tpu.memory_space<vmem>>, vector<16xf32>,
          %get3A_252 = arith.constant 0 : i32
          %get3A_253 = arith.index_cast %get3A_252 : i32 to index
          %get3A_254 = arith.index_cast %scan3A_239 : i32 to index
          %get3A_255 = arith.constant 16 : index
          %get3A_256 = tpu.vector_load %arg5[%get3A_253, %get3A_254, %get3A_255] {strides = array<i32>} : memref<2x8x512xf32, #tpu.memory_space<vmem>>, vector<16xf32>,
          %get3A_257 = arith.constant 1 : i32
          %get3A_258 = arith.index_cast %get3A_257 : i32 to index
          %get3A_259 = arith.index_cast %scan3A_239 : i32 to index
          %get3A_260 = arith.constant 16 : index
          %get3A_261 = tpu.vector_load %arg5[%get3A_258, %get3A_259, %get3A_260] {strides = array<i32>} : memref<2x8x512xf32, #tpu.memory_space<vmem>>, vector<16xf32>,
          %add3A_262 = arith.addf %get3A_256, %get3A_261 : vector<16xf32>
          %swap3A_263 = arith.index_cast %scan3A_239 : i32 to index
          %swap3A_264 = arith.constant 16 : index
          %swap3A_265 = tpu.vector_load %arg9[%swap3A_263, %swap3A_264] {strides = array<i32>} : memref<8x512xf32, #tpu.memory_space<vmem>>, vector<16xf32>,
          tpu.vector_store %arg9[%swap3A_263, %swap3A_264], %add3A_262 {strides = array<i32>} : memref<8x512xf32, #tpu.memory_space<vmem>>, vector<16xf32>,
          %get3A_266 = arith.constant 0 : i32
          %get3A_267 = arith.index_cast %get3A_266 : i32 to index
          %get3A_268 = arith.index_cast %scan3A_239 : i32 to index
          %get3A_269 = arith.constant 32 : index
          %get3A_270 = tpu.vector_load %arg5[%get3A_267, %get3A_268, %get3A_269] {strides = array<i32>} : memref<2x8x512xf32, #tpu.memory_space<vmem>>, vector<16xf32>,
          %get3A_271 = arith.constant 1 : i32
          %get3A_272 = arith.index_cast %get3A_271 : i32 to index
          %get3A_273 = arith.index_cast %scan3A_239 : i32 to index
          %get3A_274 = arith.constant 32 : index
          %get3A_275 = tpu.vector_load %arg5[%get3A_272, %get3A_273, %get3A_274] {strides = array<i32>} : memref<2x8x512xf32, #tpu.memory_space<vmem>>, vector<16xf32>,
          %add3A_276 = arith.addf %get3A_270, %get3A_275 : vector<16xf32>
          %swap3A_277 = arith.index_cast %scan3A_239 : i32 to index
          %swap3A_278 = arith.constant 32 : index
          %swap3A_279 = tpu.vector_load %arg9[%swap3A_277, %swap3A_278] {strides = array<i32>} : memref<8x512xf32, #tpu.memory_space<vmem>>, vector<16xf32>,
          tpu.vector_store %arg9[%swap3A_277, %swap3A_278], %add3A_276 {strides = array<i32>} : memref<8x512xf32, #tpu.memory_space<vmem>>, vector<16xf32>,
          %get3A_280 = arith.constant 0 : i32
          %get3A_281 = arith.index_cast %get3A_280 : i32 to index
          %get3A_282 = arith.index_cast %scan3A_239 : i32 to index
          %get3A_283 = arith.constant 48 : index
          %get3A_284 = tpu.vector_load %arg5[%get3A_281, %get3A_282, %get3A_283] {strides = array<i32>} : memref<2x8x512xf32, #tpu.memory_space<vmem>>, vector<16xf32>,
          %get3A_285 = arith.constant 1 : i32
          %get3A_286 = arith.index_cast %get3A_285 : i32 to index
          %get3A_287 = arith.index_cast %scan3A_239 : i32 to index
          %get3A_288 = arith.constant 48 : index
          %get3A_289 = tpu.vector_load %arg5[%get3A_286, %get3A_287, %get3A_288] {strides = array<i32>} : memref<2x8x512xf32, #tpu.memory_space<vmem>>, vector<16xf32>,
          %add3A_290 = arith.addf %get3A_284, %get3A_289 : vector<16xf32>
          %swap3A_291 = arith.index_cast %scan3A_239 : i32 to index
          %swap3A_292 = arith.constant 48 : index
          %swap3A_293 = tpu.vector_load %arg9[%swap3A_291, %swap3A_292] {strides = array<i32>} : memref<8x512xf32, #tpu.memory_space<vmem>>, vector<16xf32>,
          tpu.vector_store %arg9[%swap3A_291, %swap3A_292], %add3A_290 {strides = array<i32>} : memref<8x512xf32, #tpu.memory_space<vmem>>, vector<16xf32>,
          %get3A_294 = arith.constant 0 : i32
          %get3A_295 = arith.index_cast %get3A_294 : i32 to index
          %get3A_296 = arith.index_cast %scan3A_239 : i32 to index
          %get3A_297 = arith.constant 64 : index
          %get3A_298 = tpu.vector_load %arg5[%get3A_295, %get3A_296, %get3A_297] {strides = array<i32>} : memref<2x8x512xf32, #tpu.memory_space<vmem>>, vector<16xf32>,
          %get3A_299 = arith.constant 1 : i32
          %get3A_300 = arith.index_cast %get3A_299 : i32 to index
          %get3A_301 = arith.index_cast %scan3A_239 : i32 to index
          %get3A_302 = arith.constant 64 : index
          %get3A_303 = tpu.vector_load %arg5[%get3A_300, %get3A_301, %get3A_302] {strides = array<i32>} : memref<2x8x512xf32, #tpu.memory_space<vmem>>, vector<16xf32>,
          %add3A_304 = arith.addf %get3A_298, %get3A_303 : vector<16xf32>
          %swap3A_305 = arith.index_cast %scan3A_239 : i32 to index
          %swap3A_306 = arith.constant 64 : index
          %swap3A_307 = tpu.vector_load %arg9[%swap3A_305, %swap3A_306] {strides = array<i32>} : memref<8x512xf32, #tpu.memory_space<vmem>>, vector<16xf32>,
          tpu.vector_store %arg9[%swap3A_305, %swap3A_306], %add3A_304 {strides = array<i32>} : memref<8x512xf32, #tpu.memory_space<vmem>>, vector<16xf32>,
          %get3A_308 = arith.constant 0 : i32
          %get3A_309 = arith.index_cast %get3A_308 : i32 to index
          %get3A_310 = arith.index_cast %scan3A_239 : i32 to index
          %get3A_311 = arith.constant 80 : index
          %get3A_312 = tpu.vector_load %arg5[%get3A_309, %get3A_310, %get3A_311] {strides = array<i32>} : memref<2x8x512xf32, #tpu.memory_space<vmem>>, vector<16xf32>,
          %get3A_313 = arith.constant 1 : i32
          %get3A_314 = arith.index_cast %get3A_313 : i32 to index
          %get3A_315 = arith.index_cast %scan3A_239 : i32 to index
          %get3A_316 = arith.constant 80 : index
          %get3A_317 = tpu.vector_load %arg5[%get3A_314, %get3A_315, %get3A_316] {strides = array<i32>} : memref<2x8x512xf32, #tpu.memory_space<vmem>>, vector<16xf32>,
          %add3A_318 = arith.addf %get3A_312, %get3A_317 : vector<16xf32>
          %swap3A_319 = arith.index_cast %scan3A_239 : i32 to index
          %swap3A_320 = arith.constant 80 : index
          %swap3A_321 = tpu.vector_load %arg9[%swap3A_319, %swap3A_320] {strides = array<i32>} : memref<8x512xf32, #tpu.memory_space<vmem>>, vector<16xf32>,
          tpu.vector_store %arg9[%swap3A_319, %swap3A_320], %add3A_318 {strides = array<i32>} : memref<8x512xf32, #tpu.memory_space<vmem>>, vector<16xf32>,
          %get3A_322 = arith.constant 0 : i32
          %get3A_323 = arith.index_cast %get3A_322 : i32 to index
          %get3A_324 = arith.index_cast %scan3A_239 : i32 to index
          %get3A_325 = arith.constant 96 : index
          %get3A_326 = tpu.vector_load %arg5[%get3A_323, %get3A_324, %get3A_325] {strides = array<i32>} : memref<2x8x512xf32, #tpu.memory_space<vmem>>, vector<16xf32>,
          %get3A_327 = arith.constant 1 : i32
          %get3A_328 = arith.index_cast %get3A_327 : i32 to index
          %get3A_329 = arith.index_cast %scan3A_239 : i32 to index
          %get3A_330 = arith.constant 96 : index
          %get3A_331 = tpu.vector_load %arg5[%get3A_328, %get3A_329, %get3A_330] {strides = array<i32>} : memref<2x8x512xf32, #tpu.memory_space<vmem>>, vector<16xf32>,
          %add3A_332 = arith.addf %get3A_326, %get3A_331 : vector<16xf32>
          %swap3A_333 = arith.index_cast %scan3A_239 : i32 to index
          %swap3A_334 = arith.constant 96 : index
          %swap3A_335 = tpu.vector_load %arg9[%swap3A_333, %swap3A_334] {strides = array<i32>} : memref<8x512xf32, #tpu.memory_space<vmem>>, vector<16xf32>,
          tpu.vector_store %arg9[%swap3A_333, %swap3A_334], %add3A_332 {strides = array<i32>} : memref<8x512xf32, #tpu.memory_space<vmem>>, vector<16xf32>,
          %get3A_336 = arith.constant 0 : i32
          %get3A_337 = arith.index_cast %get3A_336 : i32 to index
          %get3A_338 = arith.index_cast %scan3A_239 : i32 to index
          %get3A_339 = arith.constant 112 : index
          %get3A_340 = tpu.vector_load %arg5[%get3A_337, %get3A_338, %get3A_339] {strides = array<i32>} : memref<2x8x512xf32, #tpu.memory_space<vmem>>, vector<16xf32>,
          %get3A_341 = arith.constant 1 : i32
          %get3A_342 = arith.index_cast %get3A_341 : i32 to index
          %get3A_343 = arith.index_cast %scan3A_239 : i32 to index
          %get3A_344 = arith.constant 112 : index
          %get3A_345 = tpu.vector_load %arg5[%get3A_342, %get3A_343, %get3A_344] {strides = array<i32>} : memref<2x8x512xf32, #tpu.memory_space<vmem>>, vector<16xf32>,
          %add3A_346 = arith.addf %get3A_340, %get3A_345 : vector<16xf32>
          %swap3A_347 = arith.index_cast %scan3A_239 : i32 to index
          %swap3A_348 = arith.constant 112 : index
          %swap3A_349 = tpu.vector_load %arg9[%swap3A_347, %swap3A_348] {strides = array<i32>} : memref<8x512xf32, #tpu.memory_space<vmem>>, vector<16xf32>,
          tpu.vector_store %arg9[%swap3A_347, %swap3A_348], %add3A_346 {strides = array<i32>} : memref<8x512xf32, #tpu.memory_space<vmem>>, vector<16xf32>,
          %get3A_350 = arith.constant 0 : i32
          %get3A_351 = arith.index_cast %get3A_350 : i32 to index
          %get3A_352 = arith.index_cast %scan3A_239 : i32 to index
          %get3A_353 = arith.constant 128 : index
          %get3A_354 = tpu.vector_load %arg5[%get3A_351, %get3A_352, %get3A_353] {strides = array<i32>} : memref<2x8x512xf32, #tpu.memory_space<vmem>>, vector<16xf32>,
          %get3A_355 = arith.constant 1 : i32
          %get3A_356 = arith.index_cast %get3A_355 : i32 to index
          %get3A_357 = arith.index_cast %scan3A_239 : i32 to index
          %get3A_358 = arith.constant 128 : index
          %get3A_359 = tpu.vector_load %arg5[%get3A_356, %get3A_357, %get3A_358] {strides = array<i32>} : memref<2x8x512xf32, #tpu.memory_space<vmem>>, vector<16xf32>,
          %add3A_360 = arith.addf %get3A_354, %get3A_359 : vector<16xf32>
          %swap3A_361 = arith.index_cast %scan3A_239 : i32 to index
          %swap3A_362 = arith.constant 128 : index
          %swap3A_363 = tpu.vector_load %arg9[%swap3A_361, %swap3A_362] {strides = array<i32>} : memref<8x512xf32, #tpu.memory_space<vmem>>, vector<16xf32>,
          tpu.vector_store %arg9[%swap3A_361, %swap3A_362], %add3A_360 {strides = array<i32>} : memref<8x512xf32, #tpu.memory_space<vmem>>, vector<16xf32>,
          %get3A_364 = arith.constant 0 : i32
          %get3A_365 = arith.index_cast %get3A_364 : i32 to index
          %get3A_366 = arith.index_cast %scan3A_239 : i32 to index
          %get3A_367 = arith.constant 144 : index
          %get3A_368 = tpu.vector_load %arg5[%get3A_365, %get3A_366, %get3A_367] {strides = array<i32>} : memref<2x8x512xf32, #tpu.memory_space<vmem>>, vector<16xf32>,
          %get3A_369 = arith.constant 1 : i32
          %get3A_370 = arith.index_cast %get3A_369 : i32 to index
          %get3A_371 = arith.index_cast %scan3A_239 : i32 to index
          %get3A_372 = arith.constant 144 : index
          %get3A_373 = tpu.vector_load %arg5[%get3A_370, %get3A_371, %get3A_372] {strides = array<i32>} : memref<2x8x512xf32, #tpu.memory_space<vmem>>, vector<16xf32>,
          %add3A_374 = arith.addf %get3A_368, %get3A_373 : vector<16xf32>
          %swap3A_375 = arith.index_cast %scan3A_239 : i32 to index
          %swap3A_376 = arith.constant 144 : index
          %swap3A_377 = tpu.vector_load %arg9[%swap3A_375, %swap3A_376] {strides = array<i32>} : memref<8x512xf32, #tpu.memory_space<vmem>>, vector<16xf32>,
          tpu.vector_store %arg9[%swap3A_375, %swap3A_376], %add3A_374 {strides = array<i32>} : memref<8x512xf32, #tpu.memory_space<vmem>>, vector<16xf32>,
          %get3A_378 = arith.constant 0 : i32
          %get3A_379 = arith.index_cast %get3A_378 : i32 to index
          %get3A_380 = arith.index_cast %scan3A_239 : i32 to index
          %get3A_381 = arith.constant 160 : index
          %get3A_382 = tpu.vector_load %arg5[%get3A_379, %get3A_380, %get3A_381] {strides = array<i32>} : memref<2x8x512xf32, #tpu.memory_space<vmem>>, vector<16xf32>,
          %get3A_383 = arith.constant 1 : i32
          %get3A_384 = arith.index_cast %get3A_383 : i32 to index
          %get3A_385 = arith.index_cast %scan3A_239 : i32 to index
          %get3A_386 = arith.constant 160 : index
          %get3A_387 = tpu.vector_load %arg5[%get3A_384, %get3A_385, %get3A_386] {strides = array<i32>} : memref<2x8x512xf32, #tpu.memory_space<vmem>>, vector<16xf32>,
          %add3A_388 = arith.addf %get3A_382, %get3A_387 : vector<16xf32>
          %swap3A_389 = arith.index_cast %scan3A_239 : i32 to index
          %swap3A_390 = arith.constant 160 : index
          %swap3A_391 = tpu.vector_load %arg9[%swap3A_389, %swap3A_390] {strides = array<i32>} : memref<8x512xf32, #tpu.memory_space<vmem>>, vector<16xf32>,
          tpu.vector_store %arg9[%swap3A_389, %swap3A_390], %add3A_388 {strides = array<i32>} : memref<8x512xf32, #tpu.memory_space<vmem>>, vector<16xf32>,
          %get3A_392 = arith.constant 0 : i32
          %get3A_393 = arith.index_cast %get3A_392 : i32 to index
          %get3A_394 = arith.index_cast %scan3A_239 : i32 to index
          %get3A_395 = arith.constant 176 : index
          %get3A_396 = tpu.vector_load %arg5[%get3A_393, %get3A_394, %get3A_395] {strides = array<i32>} : memref<2x8x512xf32, #tpu.memory_space<vmem>>, vector<16xf32>,
          %get3A_397 = arith.constant 1 : i32
          %get3A_398 = arith.index_cast %get3A_397 : i32 to index
          %get3A_399 = arith.index_cast %scan3A_239 : i32 to index
          %get3A_400 = arith.constant 176 : index
          %get3A_401 = tpu.vector_load %arg5[%get3A_398, %get3A_399, %get3A_400] {strides = array<i32>} : memref<2x8x512xf32, #tpu.memory_space<vmem>>, vector<16xf32>,
          %add3A_402 = arith.addf %get3A_396, %get3A_401 : vector<16xf32>
          %swap3A_403 = arith.index_cast %scan3A_239 : i32 to index
          %swap3A_404 = arith.constant 176 : index
          %swap3A_405 = tpu.vector_load %arg9[%swap3A_403, %swap3A_404] {strides = array<i32>} : memref<8x512xf32, #tpu.memory_space<vmem>>, vector<16xf32>,
          tpu.vector_store %arg9[%swap3A_403, %swap3A_404], %add3A_402 {strides = array<i32>} : memref<8x512xf32, #tpu.memory_space<vmem>>, vector<16xf32>,
          %get3A_406 = arith.constant 0 : i32
          %get3A_407 = arith.index_cast %get3A_406 : i32 to index
          %get3A_408 = arith.index_cast %scan3A_239 : i32 to index
          %get3A_409 = arith.constant 192 : index
          %get3A_410 = tpu.vector_load %arg5[%get3A_407, %get3A_408, %get3A_409] {strides = array<i32>} : memref<2x8x512xf32, #tpu.memory_space<vmem>>, vector<16xf32>,
          %get3A_411 = arith.constant 1 : i32
          %get3A_412 = arith.index_cast %get3A_411 : i32 to index
          %get3A_413 = arith.index_cast %scan3A_239 : i32 to index
          %get3A_414 = arith.constant 192 : index
          %get3A_415 = tpu.vector_load %arg5[%get3A_412, %get3A_413, %get3A_414] {strides = array<i32>} : memref<2x8x512xf32, #tpu.memory_space<vmem>>, vector<16xf32>,
          %add3A_416 = arith.addf %get3A_410, %get3A_415 : vector<16xf32>
          %swap3A_417 = arith.index_cast %scan3A_239 : i32 to index
          %swap3A_418 = arith.constant 192 : index
          %swap3A_419 = tpu.vector_load %arg9[%swap3A_417, %swap3A_418] {strides = array<i32>} : memref<8x512xf32, #tpu.memory_space<vmem>>, vector<16xf32>,
          tpu.vector_store %arg9[%swap3A_417, %swap3A_418], %add3A_416 {strides = array<i32>} : memref<8x512xf32, #tpu.memory_space<vmem>>, vector<16xf32>,
          %get3A_420 = arith.constant 0 : i32
          %get3A_421 = arith.index_cast %get3A_420 : i32 to index
          %get3A_422 = arith.index_cast %scan3A_239 : i32 to index
          %get3A_423 = arith.constant 208 : index
          %get3A_424 = tpu.vector_load %arg5[%get3A_421, %get3A_422, %get3A_423] {strides = array<i32>} : memref<2x8x512xf32, #tpu.memory_space<vmem>>, vector<16xf32>,
          %get3A_425 = arith.constant 1 : i32
          %get3A_426 = arith.index_cast %get3A_425 : i32 to index
          %get3A_427 = arith.index_cast %scan3A_239 : i32 to index
          %get3A_428 = arith.constant 208 : index
          %get3A_429 = tpu.vector_load %arg5[%get3A_426, %get3A_427, %get3A_428] {strides = array<i32>} : memref<2x8x512xf32, #tpu.memory_space<vmem>>, vector<16xf32>,
          %add3A_430 = arith.addf %get3A_424, %get3A_429 : vector<16xf32>
          %swap3A_431 = arith.index_cast %scan3A_239 : i32 to index
          %swap3A_432 = arith.constant 208 : index
          %swap3A_433 = tpu.vector_load %arg9[%swap3A_431, %swap3A_432] {strides = array<i32>} : memref<8x512xf32, #tpu.memory_space<vmem>>, vector<16xf32>,
          tpu.vector_store %arg9[%swap3A_431, %swap3A_432], %add3A_430 {strides = array<i32>} : memref<8x512xf32, #tpu.memory_space<vmem>>, vector<16xf32>,
          %get3A_434 = arith.constant 0 : i32
          %get3A_435 = arith.index_cast %get3A_434 : i32 to index
          %get3A_436 = arith.index_cast %scan3A_239 : i32 to index
          %get3A_437 = arith.constant 224 : index
          %get3A_438 = tpu.vector_load %arg5[%get3A_435, %get3A_436, %get3A_437] {strides = array<i32>} : memref<2x8x512xf32, #tpu.memory_space<vmem>>, vector<16xf32>,
          %get3A_439 = arith.constant 1 : i32
          %get3A_440 = arith.index_cast %get3A_439 : i32 to index
          %get3A_441 = arith.index_cast %scan3A_239 : i32 to index
          %get3A_442 = arith.constant 224 : index
          %get3A_443 = tpu.vector_load %arg5[%get3A_440, %get3A_441, %get3A_442] {strides = array<i32>} : memref<2x8x512xf32, #tpu.memory_space<vmem>>, vector<16xf32>,
          %add3A_444 = arith.addf %get3A_438, %get3A_443 : vector<16xf32>
          %swap3A_445 = arith.index_cast %scan3A_239 : i32 to index
          %swap3A_446 = arith.constant 224 : index
          %swap3A_447 = tpu.vector_load %arg9[%swap3A_445, %swap3A_446] {strides = array<i32>} : memref<8x512xf32, #tpu.memory_space<vmem>>, vector<16xf32>,
          tpu.vector_store %arg9[%swap3A_445, %swap3A_446], %add3A_444 {strides = array<i32>} : memref<8x512xf32, #tpu.memory_space<vmem>>, vector<16xf32>,
          %get3A_448 = arith.constant 0 : i32
          %get3A_449 = arith.index_cast %get3A_448 : i32 to index
          %get3A_450 = arith.index_cast %scan3A_239 : i32 to index
          %get3A_451 = arith.constant 240 : index
          %get3A_452 = tpu.vector_load %arg5[%get3A_449, %get3A_450, %get3A_451] {strides = array<i32>} : memref<2x8x512xf32, #tpu.memory_space<vmem>>, vector<16xf32>,
          %get3A_453 = arith.constant 1 : i32
          %get3A_454 = arith.index_cast %get3A_453 : i32 to index
          %get3A_455 = arith.index_cast %scan3A_239 : i32 to index
          %get3A_456 = arith.constant 240 : index
          %get3A_457 = tpu.vector_load %arg5[%get3A_454, %get3A_455, %get3A_456] {strides = array<i32>} : memref<2x8x512xf32, #tpu.memory_space<vmem>>, vector<16xf32>,
          %add3A_458 = arith.addf %get3A_452, %get3A_457 : vector<16xf32>
          %swap3A_459 = arith.index_cast %scan3A_239 : i32 to index
          %swap3A_460 = arith.constant 240 : index
          %swap3A_461 = tpu.vector_load %arg9[%swap3A_459, %swap3A_460] {strides = array<i32>} : memref<8x512xf32, #tpu.memory_space<vmem>>, vector<16xf32>,
          tpu.vector_store %arg9[%swap3A_459, %swap3A_460], %add3A_458 {strides = array<i32>} : memref<8x512xf32, #tpu.memory_space<vmem>>, vector<16xf32>,
          %get3A_462 = arith.constant 0 : i32
          %get3A_463 = arith.index_cast %get3A_462 : i32 to index
          %get3A_464 = arith.index_cast %scan3A_239 : i32 to index
          %get3A_465 = arith.constant 256 : index
          %get3A_466 = tpu.vector_load %arg5[%get3A_463, %get3A_464, %get3A_465] {strides = array<i32>} : memref<2x8x512xf32, #tpu.memory_space<vmem>>, vector<16xf32>,
          %get3A_467 = arith.constant 1 : i32
          %get3A_468 = arith.index_cast %get3A_467 : i32 to index
          %get3A_469 = arith.index_cast %scan3A_239 : i32 to index
          %get3A_470 = arith.constant 256 : index
          %get3A_471 = tpu.vector_load %arg5[%get3A_468, %get3A_469, %get3A_470] {strides = array<i32>} : memref<2x8x512xf32, #tpu.memory_space<vmem>>, vector<16xf32>,
          %add3A_472 = arith.addf %get3A_466, %get3A_471 : vector<16xf32>
          %swap3A_473 = arith.index_cast %scan3A_239 : i32 to index
          %swap3A_474 = arith.constant 256 : index
          %swap3A_475 = tpu.vector_load %arg9[%swap3A_473, %swap3A_474] {strides = array<i32>} : memref<8x512xf32, #tpu.memory_space<vmem>>, vector<16xf32>,
          tpu.vector_store %arg9[%swap3A_473, %swap3A_474], %add3A_472 {strides = array<i32>} : memref<8x512xf32, #tpu.memory_space<vmem>>, vector<16xf32>,
          %get3A_476 = arith.constant 0 : i32
          %get3A_477 = arith.index_cast %get3A_476 : i32 to index
          %get3A_478 = arith.index_cast %scan3A_239 : i32 to index
          %get3A_479 = arith.constant 272 : index
          %get3A_480 = tpu.vector_load %arg5[%get3A_477, %get3A_478, %get3A_479] {strides = array<i32>} : memref<2x8x512xf32, #tpu.memory_space<vmem>>, vector<16xf32>,
          %get3A_481 = arith.constant 1 : i32
          %get3A_482 = arith.index_cast %get3A_481 : i32 to index
          %get3A_483 = arith.index_cast %scan3A_239 : i32 to index
          %get3A_484 = arith.constant 272 : index
          %get3A_485 = tpu.vector_load %arg5[%get3A_482, %get3A_483, %get3A_484] {strides = array<i32>} : memref<2x8x512xf32, #tpu.memory_space<vmem>>, vector<16xf32>,
          %add3A_486 = arith.addf %get3A_480, %get3A_485 : vector<16xf32>
          %swap3A_487 = arith.index_cast %scan3A_239 : i32 to index
          %swap3A_488 = arith.constant 272 : index
          %swap3A_489 = tpu.vector_load %arg9[%swap3A_487, %swap3A_488] {strides = array<i32>} : memref<8x512xf32, #tpu.memory_space<vmem>>, vector<16xf32>,
          tpu.vector_store %arg9[%swap3A_487, %swap3A_488], %add3A_486 {strides = array<i32>} : memref<8x512xf32, #tpu.memory_space<vmem>>, vector<16xf32>,
          %get3A_490 = arith.constant 0 : i32
          %get3A_491 = arith.index_cast %get3A_490 : i32 to index
          %get3A_492 = arith.index_cast %scan3A_239 : i32 to index
          %get3A_493 = arith.constant 288 : index
          %get3A_494 = tpu.vector_load %arg5[%get3A_491, %get3A_492, %get3A_493] {strides = array<i32>} : memref<2x8x512xf32, #tpu.memory_space<vmem>>, vector<16xf32>,
          %get3A_495 = arith.constant 1 : i32
          %get3A_496 = arith.index_cast %get3A_495 : i32 to index
          %get3A_497 = arith.index_cast %scan3A_239 : i32 to index
          %get3A_498 = arith.constant 288 : index
          %get3A_499 = tpu.vector_load %arg5[%get3A_496, %get3A_497, %get3A_498] {strides = array<i32>} : memref<2x8x512xf32, #tpu.memory_space<vmem>>, vector<16xf32>,
          %add3A_500 = arith.addf %get3A_494, %get3A_499 : vector<16xf32>
          %swap3A_501 = arith.index_cast %scan3A_239 : i32 to index
          %swap3A_502 = arith.constant 288 : index
          %swap3A_503 = tpu.vector_load %arg9[%swap3A_501, %swap3A_502] {strides = array<i32>} : memref<8x512xf32, #tpu.memory_space<vmem>>, vector<16xf32>,
          tpu.vector_store %arg9[%swap3A_501, %swap3A_502], %add3A_500 {strides = array<i32>} : memref<8x512xf32, #tpu.memory_space<vmem>>, vector<16xf32>,
          %get3A_504 = arith.constant 0 : i32
          %get3A_505 = arith.index_cast %get3A_504 : i32 to index
          %get3A_506 = arith.index_cast %scan3A_239 : i32 to index
          %get3A_507 = arith.constant 304 : index
          %get3A_508 = tpu.vector_load %arg5[%get3A_505, %get3A_506, %get3A_507] {strides = array<i32>} : memref<2x8x512xf32, #tpu.memory_space<vmem>>, vector<16xf32>,
          %get3A_509 = arith.constant 1 : i32
          %get3A_510 = arith.index_cast %get3A_509 : i32 to index
          %get3A_511 = arith.index_cast %scan3A_239 : i32 to index
          %get3A_512 = arith.constant 304 : index
          %get3A_513 = tpu.vector_load %arg5[%get3A_510, %get3A_511, %get3A_512] {strides = array<i32>} : memref<2x8x512xf32, #tpu.memory_space<vmem>>, vector<16xf32>,
          %add3A_514 = arith.addf %get3A_508, %get3A_513 : vector<16xf32>
          %swap3A_515 = arith.index_cast %scan3A_239 : i32 to index
          %swap3A_516 = arith.constant 304 : index
          %swap3A_517 = tpu.vector_load %arg9[%swap3A_515, %swap3A_516] {strides = array<i32>} : memref<8x512xf32, #tpu.memory_space<vmem>>, vector<16xf32>,
          tpu.vector_store %arg9[%swap3A_515, %swap3A_516], %add3A_514 {strides = array<i32>} : memref<8x512xf32, #tpu.memory_space<vmem>>, vector<16xf32>,
          %get3A_518 = arith.constant 0 : i32
          %get3A_519 = arith.index_cast %get3A_518 : i32 to index
          %get3A_520 = arith.index_cast %scan3A_239 : i32 to index
          %get3A_521 = arith.constant 320 : index
          %get3A_522 = tpu.vector_load %arg5[%get3A_519, %get3A_520, %get3A_521] {strides = array<i32>} : memref<2x8x512xf32, #tpu.memory_space<vmem>>, vector<16xf32>,
          %get3A_523 = arith.constant 1 : i32
          %get3A_524 = arith.index_cast %get3A_523 : i32 to index
          %get3A_525 = arith.index_cast %scan3A_239 : i32 to index
          %get3A_526 = arith.constant 320 : index
          %get3A_527 = tpu.vector_load %arg5[%get3A_524, %get3A_525, %get3A_526] {strides = array<i32>} : memref<2x8x512xf32, #tpu.memory_space<vmem>>, vector<16xf32>,
          %add3A_528 = arith.addf %get3A_522, %get3A_527 : vector<16xf32>
          %swap3A_529 = arith.index_cast %scan3A_239 : i32 to index
          %swap3A_530 = arith.constant 320 : index
          %swap3A_531 = tpu.vector_load %arg9[%swap3A_529, %swap3A_530] {strides = array<i32>} : memref<8x512xf32, #tpu.memory_space<vmem>>, vector<16xf32>,
          tpu.vector_store %arg9[%swap3A_529, %swap3A_530], %add3A_528 {strides = array<i32>} : memref<8x512xf32, #tpu.memory_space<vmem>>, vector<16xf32>,
          %get3A_532 = arith.constant 0 : i32
          %get3A_533 = arith.index_cast %get3A_532 : i32 to index
          %get3A_534 = arith.index_cast %scan3A_239 : i32 to index
          %get3A_535 = arith.constant 336 : index
          %get3A_536 = tpu.vector_load %arg5[%get3A_533, %get3A_534, %get3A_535] {strides = array<i32>} : memref<2x8x512xf32, #tpu.memory_space<vmem>>, vector<16xf32>,
          %get3A_537 = arith.constant 1 : i32
          %get3A_538 = arith.index_cast %get3A_537 : i32 to index
          %get3A_539 = arith.index_cast %scan3A_239 : i32 to index
          %get3A_540 = arith.constant 336 : index
          %get3A_541 = tpu.vector_load %arg5[%get3A_538, %get3A_539, %get3A_540] {strides = array<i32>} : memref<2x8x512xf32, #tpu.memory_space<vmem>>, vector<16xf32>,
          %add3A_542 = arith.addf %get3A_536, %get3A_541 : vector<16xf32>
          %swap3A_543 = arith.index_cast %scan3A_239 : i32 to index
          %swap3A_544 = arith.constant 336 : index
          %swap3A_545 = tpu.vector_load %arg9[%swap3A_543, %swap3A_544] {strides = array<i32>} : memref<8x512xf32, #tpu.memory_space<vmem>>, vector<16xf32>,
          tpu.vector_store %arg9[%swap3A_543, %swap3A_544], %add3A_542 {strides = array<i32>} : memref<8x512xf32, #tpu.memory_space<vmem>>, vector<16xf32>,
          %get3A_546 = arith.constant 0 : i32
          %get3A_547 = arith.index_cast %get3A_546 : i32 to index
          %get3A_548 = arith.index_cast %scan3A_239 : i32 to index
          %get3A_549 = arith.constant 352 : index
          %get3A_550 = tpu.vector_load %arg5[%get3A_547, %get3A_548, %get3A_549] {strides = array<i32>} : memref<2x8x512xf32, #tpu.memory_space<vmem>>, vector<16xf32>,
          %get3A_551 = arith.constant 1 : i32
          %get3A_552 = arith.index_cast %get3A_551 : i32 to index
          %get3A_553 = arith.index_cast %scan3A_239 : i32 to index
          %get3A_554 = arith.constant 352 : index
          %get3A_555 = tpu.vector_load %arg5[%get3A_552, %get3A_553, %get3A_554] {strides = array<i32>} : memref<2x8x512xf32, #tpu.memory_space<vmem>>, vector<16xf32>,
          %add3A_556 = arith.addf %get3A_550, %get3A_555 : vector<16xf32>
          %swap3A_557 = arith.index_cast %scan3A_239 : i32 to index
          %swap3A_558 = arith.constant 352 : index
          %swap3A_559 = tpu.vector_load %arg9[%swap3A_557, %swap3A_558] {strides = array<i32>} : memref<8x512xf32, #tpu.memory_space<vmem>>, vector<16xf32>,
          tpu.vector_store %arg9[%swap3A_557, %swap3A_558], %add3A_556 {strides = array<i32>} : memref<8x512xf32, #tpu.memory_space<vmem>>, vector<16xf32>,
          %get3A_560 = arith.constant 0 : i32
          %get3A_561 = arith.index_cast %get3A_560 : i32 to index
          %get3A_562 = arith.index_cast %scan3A_239 : i32 to index
          %get3A_563 = arith.constant 368 : index
          %get3A_564 = tpu.vector_load %arg5[%get3A_561, %get3A_562, %get3A_563] {strides = array<i32>} : memref<2x8x512xf32, #tpu.memory_space<vmem>>, vector<16xf32>,
          %get3A_565 = arith.constant 1 : i32
          %get3A_566 = arith.index_cast %get3A_565 : i32 to index
          %get3A_567 = arith.index_cast %scan3A_239 : i32 to index
          %get3A_568 = arith.constant 368 : index
          %get3A_569 = tpu.vector_load %arg5[%get3A_566, %get3A_567, %get3A_568] {strides = array<i32>} : memref<2x8x512xf32, #tpu.memory_space<vmem>>, vector<16xf32>,
          %add3A_570 = arith.addf %get3A_564, %get3A_569 : vector<16xf32>
          %swap3A_571 = arith.index_cast %scan3A_239 : i32 to index
          %swap3A_572 = arith.constant 368 : index
          %swap3A_573 = tpu.vector_load %arg9[%swap3A_571, %swap3A_572] {strides = array<i32>} : memref<8x512xf32, #tpu.memory_space<vmem>>, vector<16xf32>,
          tpu.vector_store %arg9[%swap3A_571, %swap3A_572], %add3A_570 {strides = array<i32>} : memref<8x512xf32, #tpu.memory_space<vmem>>, vector<16xf32>,
          %get3A_574 = arith.constant 0 : i32
          %get3A_575 = arith.index_cast %get3A_574 : i32 to index
          %get3A_576 = arith.index_cast %scan3A_239 : i32 to index
          %get3A_577 = arith.constant 384 : index
          %get3A_578 = tpu.vector_load %arg5[%get3A_575, %get3A_576, %get3A_577] {strides = array<i32>} : memref<2x8x512xf32, #tpu.memory_space<vmem>>, vector<16xf32>,
          %get3A_579 = arith.constant 1 : i32
          %get3A_580 = arith.index_cast %get3A_579 : i32 to index
          %get3A_581 = arith.index_cast %scan3A_239 : i32 to index
          %get3A_582 = arith.constant 384 : index
          %get3A_583 = tpu.vector_load %arg5[%get3A_580, %get3A_581, %get3A_582] {strides = array<i32>} : memref<2x8x512xf32, #tpu.memory_space<vmem>>, vector<16xf32>,
          %add3A_584 = arith.addf %get3A_578, %get3A_583 : vector<16xf32>
          %swap3A_585 = arith.index_cast %scan3A_239 : i32 to index
          %swap3A_586 = arith.constant 384 : index
          %swap3A_587 = tpu.vector_load %arg9[%swap3A_585, %swap3A_586] {strides = array<i32>} : memref<8x512xf32, #tpu.memory_space<vmem>>, vector<16xf32>,
          tpu.vector_store %arg9[%swap3A_585, %swap3A_586], %add3A_584 {strides = array<i32>} : memref<8x512xf32, #tpu.memory_space<vmem>>, vector<16xf32>,
          %get3A_588 = arith.constant 0 : i32
          %get3A_589 = arith.index_cast %get3A_588 : i32 to index
          %get3A_590 = arith.index_cast %scan3A_239 : i32 to index
          %get3A_591 = arith.constant 400 : index
          %get3A_592 = tpu.vector_load %arg5[%get3A_589, %get3A_590, %get3A_591] {strides = array<i32>} : memref<2x8x512xf32, #tpu.memory_space<vmem>>, vector<16xf32>,
          %get3A_593 = arith.constant 1 : i32
          %get3A_594 = arith.index_cast %get3A_593 : i32 to index
          %get3A_595 = arith.index_cast %scan3A_239 : i32 to index
          %get3A_596 = arith.constant 400 : index
          %get3A_597 = tpu.vector_load %arg5[%get3A_594, %get3A_595, %get3A_596] {strides = array<i32>} : memref<2x8x512xf32, #tpu.memory_space<vmem>>, vector<16xf32>,
          %add3A_598 = arith.addf %get3A_592, %get3A_597 : vector<16xf32>
          %swap3A_599 = arith.index_cast %scan3A_239 : i32 to index
          %swap3A_600 = arith.constant 400 : index
          %swap3A_601 = tpu.vector_load %arg9[%swap3A_599, %swap3A_600] {strides = array<i32>} : memref<8x512xf32, #tpu.memory_space<vmem>>, vector<16xf32>,
          tpu.vector_store %arg9[%swap3A_599, %swap3A_600], %add3A_598 {strides = array<i32>} : memref<8x512xf32, #tpu.memory_space<vmem>>, vector<16xf32>,
          %get3A_602 = arith.constant 0 : i32
          %get3A_603 = arith.index_cast %get3A_602 : i32 to index
          %get3A_604 = arith.index_cast %scan3A_239 : i32 to index
          %get3A_605 = arith.constant 416 : index
          %get3A_606 = tpu.vector_load %arg5[%get3A_603, %get3A_604, %get3A_605] {strides = array<i32>} : memref<2x8x512xf32, #tpu.memory_space<vmem>>, vector<16xf32>,
          %get3A_607 = arith.constant 1 : i32
          %get3A_608 = arith.index_cast %get3A_607 : i32 to index
          %get3A_609 = arith.index_cast %scan3A_239 : i32 to index
          %get3A_610 = arith.constant 416 : index
          %get3A_611 = tpu.vector_load %arg5[%get3A_608, %get3A_609, %get3A_610] {strides = array<i32>} : memref<2x8x512xf32, #tpu.memory_space<vmem>>, vector<16xf32>,
          %add3A_612 = arith.addf %get3A_606, %get3A_611 : vector<16xf32>
          %swap3A_613 = arith.index_cast %scan3A_239 : i32 to index
          %swap3A_614 = arith.constant 416 : index
          %swap3A_615 = tpu.vector_load %arg9[%swap3A_613, %swap3A_614] {strides = array<i32>} : memref<8x512xf32, #tpu.memory_space<vmem>>, vector<16xf32>,
          tpu.vector_store %arg9[%swap3A_613, %swap3A_614], %add3A_612 {strides = array<i32>} : memref<8x512xf32, #tpu.memory_space<vmem>>, vector<16xf32>,
          %get3A_616 = arith.constant 0 : i32
          %get3A_617 = arith.index_cast %get3A_616 : i32 to index
          %get3A_618 = arith.index_cast %scan3A_239 : i32 to index
          %get3A_619 = arith.constant 432 : index
          %get3A_620 = tpu.vector_load %arg5[%get3A_617, %get3A_618, %get3A_619] {strides = array<i32>} : memref<2x8x512xf32, #tpu.memory_space<vmem>>, vector<16xf32>,
          %get3A_621 = arith.constant 1 : i32
          %get3A_622 = arith.index_cast %get3A_621 : i32 to index
          %get3A_623 = arith.index_cast %scan3A_239 : i32 to index
          %get3A_624 = arith.constant 432 : index
          %get3A_625 = tpu.vector_load %arg5[%get3A_622, %get3A_623, %get3A_624] {strides = array<i32>} : memref<2x8x512xf32, #tpu.memory_space<vmem>>, vector<16xf32>,
          %add3A_626 = arith.addf %get3A_620, %get3A_625 : vector<16xf32>
          %swap3A_627 = arith.index_cast %scan3A_239 : i32 to index
          %swap3A_628 = arith.constant 432 : index
          %swap3A_629 = tpu.vector_load %arg9[%swap3A_627, %swap3A_628] {strides = array<i32>} : memref<8x512xf32, #tpu.memory_space<vmem>>, vector<16xf32>,
          tpu.vector_store %arg9[%swap3A_627, %swap3A_628], %add3A_626 {strides = array<i32>} : memref<8x512xf32, #tpu.memory_space<vmem>>, vector<16xf32>,
          %get3A_630 = arith.constant 0 : i32
          %get3A_631 = arith.index_cast %get3A_630 : i32 to index
          %get3A_632 = arith.index_cast %scan3A_239 : i32 to index
          %get3A_633 = arith.constant 448 : index
          %get3A_634 = tpu.vector_load %arg5[%get3A_631, %get3A_632, %get3A_633] {strides = array<i32>} : memref<2x8x512xf32, #tpu.memory_space<vmem>>, vector<16xf32>,
          %get3A_635 = arith.constant 1 : i32
          %get3A_636 = arith.index_cast %get3A_635 : i32 to index
          %get3A_637 = arith.index_cast %scan3A_239 : i32 to index
          %get3A_638 = arith.constant 448 : index
          %get3A_639 = tpu.vector_load %arg5[%get3A_636, %get3A_637, %get3A_638] {strides = array<i32>} : memref<2x8x512xf32, #tpu.memory_space<vmem>>, vector<16xf32>,
          %add3A_640 = arith.addf %get3A_634, %get3A_639 : vector<16xf32>
          %swap3A_641 = arith.index_cast %scan3A_239 : i32 to index
          %swap3A_642 = arith.constant 448 : index
          %swap3A_643 = tpu.vector_load %arg9[%swap3A_641, %swap3A_642] {strides = array<i32>} : memref<8x512xf32, #tpu.memory_space<vmem>>, vector<16xf32>,
          tpu.vector_store %arg9[%swap3A_641, %swap3A_642], %add3A_640 {strides = array<i32>} : memref<8x512xf32, #tpu.memory_space<vmem>>, vector<16xf32>,
          %get3A_644 = arith.constant 0 : i32
          %get3A_645 = arith.index_cast %get3A_644 : i32 to index
          %get3A_646 = arith.index_cast %scan3A_239 : i32 to index
          %get3A_647 = arith.constant 464 : index
          %get3A_648 = tpu.vector_load %arg5[%get3A_645, %get3A_646, %get3A_647] {strides = array<i32>} : memref<2x8x512xf32, #tpu.memory_space<vmem>>, vector<16xf32>,
          %get3A_649 = arith.constant 1 : i32
          %get3A_650 = arith.index_cast %get3A_649 : i32 to index
          %get3A_651 = arith.index_cast %scan3A_239 : i32 to index
          %get3A_652 = arith.constant 464 : index
          %get3A_653 = tpu.vector_load %arg5[%get3A_650, %get3A_651, %get3A_652] {strides = array<i32>} : memref<2x8x512xf32, #tpu.memory_space<vmem>>, vector<16xf32>,
          %add3A_654 = arith.addf %get3A_648, %get3A_653 : vector<16xf32>
          %swap3A_655 = arith.index_cast %scan3A_239 : i32 to index
          %swap3A_656 = arith.constant 464 : index
          %swap3A_657 = tpu.vector_load %arg9[%swap3A_655, %swap3A_656] {strides = array<i32>} : memref<8x512xf32, #tpu.memory_space<vmem>>, vector<16xf32>,
          tpu.vector_store %arg9[%swap3A_655, %swap3A_656], %add3A_654 {strides = array<i32>} : memref<8x512xf32, #tpu.memory_space<vmem>>, vector<16xf32>,
          %get3A_658 = arith.constant 0 : i32
          %get3A_659 = arith.index_cast %get3A_658 : i32 to index
          %get3A_660 = arith.index_cast %scan3A_239 : i32 to index
          %get3A_661 = arith.constant 480 : index
          %get3A_662 = tpu.vector_load %arg5[%get3A_659, %get3A_660, %get3A_661] {strides = array<i32>} : memref<2x8x512xf32, #tpu.memory_space<vmem>>, vector<16xf32>,
          %get3A_663 = arith.constant 1 : i32
          %get3A_664 = arith.index_cast %get3A_663 : i32 to index
          %get3A_665 = arith.index_cast %scan3A_239 : i32 to index
          %get3A_666 = arith.constant 480 : index
          %get3A_667 = tpu.vector_load %arg5[%get3A_664, %get3A_665, %get3A_666] {strides = array<i32>} : memref<2x8x512xf32, #tpu.memory_space<vmem>>, vector<16xf32>,
          %add3A_668 = arith.addf %get3A_662, %get3A_667 : vector<16xf32>
          %swap3A_669 = arith.index_cast %scan3A_239 : i32 to index
          %swap3A_670 = arith.constant 480 : index
          %swap3A_671 = tpu.vector_load %arg9[%swap3A_669, %swap3A_670] {strides = array<i32>} : memref<8x512xf32, #tpu.memory_space<vmem>>, vector<16xf32>,
          tpu.vector_store %arg9[%swap3A_669, %swap3A_670], %add3A_668 {strides = array<i32>} : memref<8x512xf32, #tpu.memory_space<vmem>>, vector<16xf32>,
          %get3A_672 = arith.constant 0 : i32
          %get3A_673 = arith.index_cast %get3A_672 : i32 to index
          %get3A_674 = arith.index_cast %scan3A_239 : i32 to index
          %get3A_675 = arith.constant 496 : index
          %get3A_676 = tpu.vector_load %arg5[%get3A_673, %get3A_674, %get3A_675] {strides = array<i32>} : memref<2x8x512xf32, #tpu.memory_space<vmem>>, vector<16xf32>,
          %get3A_677 = arith.constant 1 : i32
          %get3A_678 = arith.index_cast %get3A_677 : i32 to index
          %get3A_679 = arith.index_cast %scan3A_239 : i32 to index
          %get3A_680 = arith.constant 496 : index
          %get3A_681 = tpu.vector_load %arg5[%get3A_678, %get3A_679, %get3A_680] {strides = array<i32>} : memref<2x8x512xf32, #tpu.memory_space<vmem>>, vector<16xf32>,
          %add3A_682 = arith.addf %get3A_676, %get3A_681 : vector<16xf32>
          %swap3A_683 = arith.index_cast %scan3A_239 : i32 to index
          %swap3A_684 = arith.constant 496 : index
          %swap3A_685 = tpu.vector_load %arg9[%swap3A_683, %swap3A_684] {strides = array<i32>} : memref<8x512xf32, #tpu.memory_space<vmem>>, vector<16xf32>,
          tpu.vector_store %arg9[%swap3A_683, %swap3A_684], %add3A_682 {strides = array<i32>} : memref<8x512xf32, #tpu.memory_space<vmem>>, vector<16xf32>,
        }
        %scan3A_223 = arith.constant 8 : i32
        %mul3A_224 = arith.constant 32 : i32
        %mul3A_225 = arith.muli %add3A_113, %mul3A_224 : i32
        %add3A_226 = arith.addi %add3A, %mul3A_225 : i32
        %shift_right_logical3A_227 = arith.constant 4 : i32
        %shift_right_logical3A_228 = arith.shrui %add3A_226, %shift_right_logical3A_227 : i32
        %and3A_229 = arith.constant 15 : i32
        %and3A_230 = arith.andi %add3A_226, %and3A_229 : i32
        %mul3A_231 = arith.constant 8 : i32
        %mul3A_232 = arith.muli %and3A_230, %mul3A_231 : i32
        %dma_start3A_233 = arith.constant 0 : i32
        %dma_start3A_234 = tpu.memref_slice %arg3[%shift_right_logical3A_228, %mul3A_232, %dma_start3A_233] : memref<99x128x512xf32, #tpu.memory_space<hbm>> -> memref<1x8x512xf32, #tpu.memory_space<hbm>>
        %dma_start3A_235 = tpu.memref_squeeze %dma_start3A_234 : memref<1x8x512xf32, #tpu.memory_space<hbm>> -> memref<8x512xf32, #tpu.memory_space<hbm>>
        %dma_start3A_236 = arith.constant 0 : i32
        %dma_start3A_237 = tpu.memref_slice %arg3[%shift_right_logical3A_228, %mul3A_232, %dma_start3A_236] : memref<99x128x512xf32, #tpu.memory_space<hbm>> -> memref<1x8x512xf32, #tpu.memory_space<hbm>>
        %dma_start3A_238 = tpu.memref_squeeze %dma_start3A_237 : memref<1x8x512xf32, #tpu.memory_space<hbm>> -> memref<8x512xf32, #tpu.memory_space<hbm>>
        tpu.enqueue_dma source(%arg9 : memref<8x512xf32, #tpu.memory_space<vmem>>) target(%dma_start3A_238 : memref<8x512xf32, #tpu.memory_space<hbm>>) target_semaphore(%arg17 : memref<!tpu.dma_semaphore, #tpu.memory_space<semaphore_mem>>)
      } else {
      }
      %mul3A_146 = arith.constant 4 : i32
      %mul3A_147 = arith.muli %scan3A_76, %mul3A_146 : i32
      %add3A_148 = arith.constant 2 : i32
      %add3A_149 = arith.addi %mul3A_147, %add3A_148 : i32
      %mul3A_150 = arith.constant 32 : i32
      %mul3A_151 = arith.muli %add3A_149, %mul3A_150 : i32
      %add3A_152 = arith.addi %add3A, %mul3A_151 : i32
      %lt3A_153 = arith.constant 1584 : i32
      %lt3A_154 = arith.cmpi slt, %add3A_152, %lt3A_153 : i32
      %sub3A_155 = arith.constant 4 : i32
      %sub3A_156 = arith.subi %add3A_149, %sub3A_155 : i32
      %max3A_157 = arith.constant 0 : i32
      %max3A_158 = arith.maxsi %sub3A_156, %max3A_157 : i32
      %add3A_159 = arith.constant 96 : i32
      %add3A_160 = arith.addi %add3A_152, %add3A_159 : i32
      %lt3A_161 = arith.constant 1584 : i32
      %lt3A_162 = arith.cmpi slt, %add3A_160, %lt3A_161 : i32
      %convert_element_type3A_163 = arith.extui %lt3A_162 : i1 to i32
      %cond3A_164 = arith.constant 0 : i32
      %cond3A_165 = arith.cmpi ne, %convert_element_type3A_163, %cond3A_164 : i32
      scf.if %cond3A_165 {
        %add3A_218 = arith.constant 4 : i32
        %add3A_219 = arith.addi %add3A_149, %add3A_218 : i32
        %sub3A_220 = arith.constant 1 : i32
        %sub3A_221 = arith.subi %add3A_219, %sub3A_220 : i32
        %mul3A_222 = arith.constant 32 : i32
        %mul3A_223 = arith.muli %sub3A_221, %mul3A_222 : i32
        %add3A_224 = arith.addi %add3A, %mul3A_223 : i32
        %shift_right_logical3A_225 = arith.constant 4 : i32
        %shift_right_logical3A_226 = arith.shrui %add3A_224, %shift_right_logical3A_225 : i32
        %and3A_227 = arith.constant 15 : i32
        %and3A_228 = arith.andi %add3A_224, %and3A_227 : i32
        %mul3A_229 = arith.constant 8 : i32
        %mul3A_230 = arith.muli %and3A_228, %mul3A_229 : i32
        %dma_start3A_231 = arith.constant 0 : i32
        %dma_start3A_232 = arith.constant 0 : i32
        %dma_start3A_233 = tpu.memref_slice %arg2[%shift_right_logical3A_226, %dma_start3A_231, %mul3A_230, %dma_start3A_232] : memref<99x2x128x512xf32, #tpu.memory_space<hbm>> -> memref<1x2x8x512xf32, #tpu.memory_space<hbm>>
        %dma_start3A_234 = tpu.memref_squeeze %dma_start3A_233 : memref<1x2x8x512xf32, #tpu.memory_space<hbm>> -> memref<2x8x512xf32, #tpu.memory_space<hbm>>
        %dma_start3A_235 = arith.constant 0 : i32
        %dma_start3A_236 = arith.constant 0 : i32
        %dma_start3A_237 = tpu.memref_slice %arg2[%shift_right_logical3A_226, %dma_start3A_235, %mul3A_230, %dma_start3A_236] : memref<99x2x128x512xf32, #tpu.memory_space<hbm>> -> memref<1x2x8x512xf32, #tpu.memory_space<hbm>>
        %dma_start3A_238 = tpu.memref_squeeze %dma_start3A_237 : memref<1x2x8x512xf32, #tpu.memory_space<hbm>> -> memref<2x8x512xf32, #tpu.memory_space<hbm>>
        tpu.enqueue_dma source(%dma_start3A_238 : memref<2x8x512xf32, #tpu.memory_space<hbm>>) target(%arg5 : memref<2x8x512xf32, #tpu.memory_space<vmem>>) target_semaphore(%arg13 : memref<!tpu.dma_semaphore, #tpu.memory_space<semaphore_mem>>)
      } else {
      }
      %convert_element_type3A_166 = arith.extui %lt3A_154 : i1 to i32
      %cond3A_167 = arith.constant 0 : i32
      %cond3A_168 = arith.cmpi ne, %convert_element_type3A_166, %cond3A_167 : i32
      scf.if %cond3A_168 {
        %mul3A_218 = arith.constant 32 : i32
        %mul3A_219 = arith.muli %add3A_149, %mul3A_218 : i32
        %add3A_220 = arith.addi %add3A, %mul3A_219 : i32
        %shift_right_logical3A_221 = arith.constant 4 : i32
        %shift_right_logical3A_222 = arith.shrui %add3A_220, %shift_right_logical3A_221 : i32
        %and3A_223 = arith.constant 15 : i32
        %and3A_224 = arith.andi %add3A_220, %and3A_223 : i32
        %mul3A_225 = arith.constant 8 : i32
        %mul3A_226 = arith.muli %and3A_224, %mul3A_225 : i32
        %dma_wait3A = arith.constant 0 : i32
        %dma_wait3A_227 = arith.constant 0 : i32
        %dma_wait3A_228 = tpu.memref_slice %arg2[%shift_right_logical3A_222, %dma_wait3A, %mul3A_226, %dma_wait3A_227] : memref<99x2x128x512xf32, #tpu.memory_space<hbm>> -> memref<1x2x8x512xf32, #tpu.memory_space<hbm>>
        %dma_wait3A_229 = tpu.memref_squeeze %dma_wait3A_228 : memref<1x2x8x512xf32, #tpu.memory_space<hbm>> -> memref<2x8x512xf32, #tpu.memory_space<hbm>>
        %dma_wait3A_230 = arith.constant 0 : i32
        %dma_wait3A_231 = arith.constant 0 : i32
        %dma_wait3A_232 = tpu.memref_slice %arg2[%shift_right_logical3A_222, %dma_wait3A_230, %mul3A_226, %dma_wait3A_231] : memref<99x2x128x512xf32, #tpu.memory_space<hbm>> -> memref<1x2x8x512xf32, #tpu.memory_space<hbm>>
        %dma_wait3A_233 = tpu.memref_squeeze %dma_wait3A_232 : memref<1x2x8x512xf32, #tpu.memory_space<hbm>> -> memref<2x8x512xf32, #tpu.memory_space<hbm>>
        tpu.wait_dma2 semaphore(%arg14 : memref<!tpu.dma_semaphore, #tpu.memory_space<semaphore_mem>>) src(%dma_wait3A_233 : memref<2x8x512xf32, #tpu.memory_space<hbm>>) dst(%arg6 : memref<2x8x512xf32, #tpu.memory_space<vmem>>)
      } else {
      }
      %ge3A_169 = arith.constant 4 : i32
      %ge3A_170 = arith.cmpi sge, %add3A_149, %ge3A_169 : i32
      %sub3A_171 = arith.constant 128 : i32
      %sub3A_172 = arith.subi %add3A_152, %sub3A_171 : i32
      %lt3A_173 = arith.constant 1584 : i32
      %lt3A_174 = arith.cmpi slt, %sub3A_172, %lt3A_173 : i32
      %and3A_175 = arith.andi %ge3A_170, %lt3A_174 : i1
      %convert_element_type3A_176 = arith.extui %and3A_175 : i1 to i32
      %cond3A_177 = arith.constant 0 : i32
      %cond3A_178 = arith.cmpi ne, %convert_element_type3A_176, %cond3A_177 : i32
      scf.if %cond3A_178 {
        %mul3A_218 = arith.constant 32 : i32
        %mul3A_219 = arith.muli %max3A_158, %mul3A_218 : i32
        %add3A_220 = arith.addi %add3A, %mul3A_219 : i32
        %shift_right_logical3A_221 = arith.constant 4 : i32
        %shift_right_logical3A_222 = arith.shrui %add3A_220, %shift_right_logical3A_221 : i32
        %and3A_223 = arith.constant 15 : i32
        %and3A_224 = arith.andi %add3A_220, %and3A_223 : i32
        %mul3A_225 = arith.constant 8 : i32
        %mul3A_226 = arith.muli %and3A_224, %mul3A_225 : i32
        %dma_wait3A = arith.constant 0 : i32
        %dma_wait3A_227 = tpu.memref_slice %arg3[%shift_right_logical3A_222, %mul3A_226, %dma_wait3A] : memref<99x128x512xf32, #tpu.memory_space<hbm>> -> memref<1x8x512xf32, #tpu.memory_space<hbm>>
        %dma_wait3A_228 = tpu.memref_squeeze %dma_wait3A_227 : memref<1x8x512xf32, #tpu.memory_space<hbm>> -> memref<8x512xf32, #tpu.memory_space<hbm>>
        %dma_wait3A_229 = arith.constant 0 : i32
        %dma_wait3A_230 = tpu.memref_slice %arg3[%shift_right_logical3A_222, %mul3A_226, %dma_wait3A_229] : memref<99x128x512xf32, #tpu.memory_space<hbm>> -> memref<1x8x512xf32, #tpu.memory_space<hbm>>
        %dma_wait3A_231 = tpu.memref_squeeze %dma_wait3A_230 : memref<1x8x512xf32, #tpu.memory_space<hbm>> -> memref<8x512xf32, #tpu.memory_space<hbm>>
        tpu.wait_dma2 semaphore(%arg18 : memref<!tpu.dma_semaphore, #tpu.memory_space<semaphore_mem>>) src(%arg10 : memref<8x512xf32, #tpu.memory_space<vmem>>) dst(%dma_wait3A_231 : memref<8x512xf32, #tpu.memory_space<hbm>>)
      } else {
      }
      %convert_element_type3A_179 = arith.extui %lt3A_154 : i1 to i32
      %cond3A_180 = arith.constant 0 : i32
      %cond3A_181 = arith.cmpi ne, %convert_element_type3A_179, %cond3A_180 : i32
      scf.if %cond3A_181 {
        %scan3A_218 = arith.constant 0 : i32
        %scan3A_219 = arith.constant 0 : i32
        %scan3A_220 = arith.constant 8 : i32
        %scan3A_221 = arith.addi %scan3A_219, %scan3A_220 : i32
        %scan3A_222 = arith.constant 1 : i32
        scf.for %scan3A_239 = %scan3A_219 to %scan3A_221 step %scan3A_222  : i32 {
          %get3A = arith.constant 0 : i32
          %get3A_240 = arith.index_cast %get3A : i32 to index
          %get3A_241 = arith.index_cast %scan3A_239 : i32 to index
          %get3A_242 = arith.constant 0 : index
          %get3A_243 = tpu.vector_load %arg6[%get3A_240, %get3A_241, %get3A_242] {strides = array<i32>} : memref<2x8x512xf32, #tpu.memory_space<vmem>>, vector<16xf32>,
          %get3A_244 = arith.constant 1 : i32
          %get3A_245 = arith.index_cast %get3A_244 : i32 to index
          %get3A_246 = arith.index_cast %scan3A_239 : i32 to index
          %get3A_247 = arith.constant 0 : index
          %get3A_248 = tpu.vector_load %arg6[%get3A_245, %get3A_246, %get3A_247] {strides = array<i32>} : memref<2x8x512xf32, #tpu.memory_space<vmem>>, vector<16xf32>,
          %add3A_249 = arith.addf %get3A_243, %get3A_248 : vector<16xf32>
          %swap3A = arith.index_cast %scan3A_239 : i32 to index
          %swap3A_250 = arith.constant 0 : index
          %swap3A_251 = tpu.vector_load %arg10[%swap3A, %swap3A_250] {strides = array<i32>} : memref<8x512xf32, #tpu.memory_space<vmem>>, vector<16xf32>,
          tpu.vector_store %arg10[%swap3A, %swap3A_250], %add3A_249 {strides = array<i32>} : memref<8x512xf32, #tpu.memory_space<vmem>>, vector<16xf32>,
          %get3A_252 = arith.constant 0 : i32
          %get3A_253 = arith.index_cast %get3A_252 : i32 to index
          %get3A_254 = arith.index_cast %scan3A_239 : i32 to index
          %get3A_255 = arith.constant 16 : index
          %get3A_256 = tpu.vector_load %arg6[%get3A_253, %get3A_254, %get3A_255] {strides = array<i32>} : memref<2x8x512xf32, #tpu.memory_space<vmem>>, vector<16xf32>,
          %get3A_257 = arith.constant 1 : i32
          %get3A_258 = arith.index_cast %get3A_257 : i32 to index
          %get3A_259 = arith.index_cast %scan3A_239 : i32 to index
          %get3A_260 = arith.constant 16 : index
          %get3A_261 = tpu.vector_load %arg6[%get3A_258, %get3A_259, %get3A_260] {strides = array<i32>} : memref<2x8x512xf32, #tpu.memory_space<vmem>>, vector<16xf32>,
          %add3A_262 = arith.addf %get3A_256, %get3A_261 : vector<16xf32>
          %swap3A_263 = arith.index_cast %scan3A_239 : i32 to index
          %swap3A_264 = arith.constant 16 : index
          %swap3A_265 = tpu.vector_load %arg10[%swap3A_263, %swap3A_264] {strides = array<i32>} : memref<8x512xf32, #tpu.memory_space<vmem>>, vector<16xf32>,
          tpu.vector_store %arg10[%swap3A_263, %swap3A_264], %add3A_262 {strides = array<i32>} : memref<8x512xf32, #tpu.memory_space<vmem>>, vector<16xf32>,
          %get3A_266 = arith.constant 0 : i32
          %get3A_267 = arith.index_cast %get3A_266 : i32 to index
          %get3A_268 = arith.index_cast %scan3A_239 : i32 to index
          %get3A_269 = arith.constant 32 : index
          %get3A_270 = tpu.vector_load %arg6[%get3A_267, %get3A_268, %get3A_269] {strides = array<i32>} : memref<2x8x512xf32, #tpu.memory_space<vmem>>, vector<16xf32>,
          %get3A_271 = arith.constant 1 : i32
          %get3A_272 = arith.index_cast %get3A_271 : i32 to index
          %get3A_273 = arith.index_cast %scan3A_239 : i32 to index
          %get3A_274 = arith.constant 32 : index
          %get3A_275 = tpu.vector_load %arg6[%get3A_272, %get3A_273, %get3A_274] {strides = array<i32>} : memref<2x8x512xf32, #tpu.memory_space<vmem>>, vector<16xf32>,
          %add3A_276 = arith.addf %get3A_270, %get3A_275 : vector<16xf32>
          %swap3A_277 = arith.index_cast %scan3A_239 : i32 to index
          %swap3A_278 = arith.constant 32 : index
          %swap3A_279 = tpu.vector_load %arg10[%swap3A_277, %swap3A_278] {strides = array<i32>} : memref<8x512xf32, #tpu.memory_space<vmem>>, vector<16xf32>,
          tpu.vector_store %arg10[%swap3A_277, %swap3A_278], %add3A_276 {strides = array<i32>} : memref<8x512xf32, #tpu.memory_space<vmem>>, vector<16xf32>,
          %get3A_280 = arith.constant 0 : i32
          %get3A_281 = arith.index_cast %get3A_280 : i32 to index
          %get3A_282 = arith.index_cast %scan3A_239 : i32 to index
          %get3A_283 = arith.constant 48 : index
          %get3A_284 = tpu.vector_load %arg6[%get3A_281, %get3A_282, %get3A_283] {strides = array<i32>} : memref<2x8x512xf32, #tpu.memory_space<vmem>>, vector<16xf32>,
          %get3A_285 = arith.constant 1 : i32
          %get3A_286 = arith.index_cast %get3A_285 : i32 to index
          %get3A_287 = arith.index_cast %scan3A_239 : i32 to index
          %get3A_288 = arith.constant 48 : index
          %get3A_289 = tpu.vector_load %arg6[%get3A_286, %get3A_287, %get3A_288] {strides = array<i32>} : memref<2x8x512xf32, #tpu.memory_space<vmem>>, vector<16xf32>,
          %add3A_290 = arith.addf %get3A_284, %get3A_289 : vector<16xf32>
          %swap3A_291 = arith.index_cast %scan3A_239 : i32 to index
          %swap3A_292 = arith.constant 48 : index
          %swap3A_293 = tpu.vector_load %arg10[%swap3A_291, %swap3A_292] {strides = array<i32>} : memref<8x512xf32, #tpu.memory_space<vmem>>, vector<16xf32>,
          tpu.vector_store %arg10[%swap3A_291, %swap3A_292], %add3A_290 {strides = array<i32>} : memref<8x512xf32, #tpu.memory_space<vmem>>, vector<16xf32>,
          %get3A_294 = arith.constant 0 : i32
          %get3A_295 = arith.index_cast %get3A_294 : i32 to index
          %get3A_296 = arith.index_cast %scan3A_239 : i32 to index
          %get3A_297 = arith.constant 64 : index
          %get3A_298 = tpu.vector_load %arg6[%get3A_295, %get3A_296, %get3A_297] {strides = array<i32>} : memref<2x8x512xf32, #tpu.memory_space<vmem>>, vector<16xf32>,
          %get3A_299 = arith.constant 1 : i32
          %get3A_300 = arith.index_cast %get3A_299 : i32 to index
          %get3A_301 = arith.index_cast %scan3A_239 : i32 to index
          %get3A_302 = arith.constant 64 : index
          %get3A_303 = tpu.vector_load %arg6[%get3A_300, %get3A_301, %get3A_302] {strides = array<i32>} : memref<2x8x512xf32, #tpu.memory_space<vmem>>, vector<16xf32>,
          %add3A_304 = arith.addf %get3A_298, %get3A_303 : vector<16xf32>
          %swap3A_305 = arith.index_cast %scan3A_239 : i32 to index
          %swap3A_306 = arith.constant 64 : index
          %swap3A_307 = tpu.vector_load %arg10[%swap3A_305, %swap3A_306] {strides = array<i32>} : memref<8x512xf32, #tpu.memory_space<vmem>>, vector<16xf32>,
          tpu.vector_store %arg10[%swap3A_305, %swap3A_306], %add3A_304 {strides = array<i32>} : memref<8x512xf32, #tpu.memory_space<vmem>>, vector<16xf32>,
          %get3A_308 = arith.constant 0 : i32
          %get3A_309 = arith.index_cast %get3A_308 : i32 to index
          %get3A_310 = arith.index_cast %scan3A_239 : i32 to index
          %get3A_311 = arith.constant 80 : index
          %get3A_312 = tpu.vector_load %arg6[%get3A_309, %get3A_310, %get3A_311] {strides = array<i32>} : memref<2x8x512xf32, #tpu.memory_space<vmem>>, vector<16xf32>,
          %get3A_313 = arith.constant 1 : i32
          %get3A_314 = arith.index_cast %get3A_313 : i32 to index
          %get3A_315 = arith.index_cast %scan3A_239 : i32 to index
          %get3A_316 = arith.constant 80 : index
          %get3A_317 = tpu.vector_load %arg6[%get3A_314, %get3A_315, %get3A_316] {strides = array<i32>} : memref<2x8x512xf32, #tpu.memory_space<vmem>>, vector<16xf32>,
          %add3A_318 = arith.addf %get3A_312, %get3A_317 : vector<16xf32>
          %swap3A_319 = arith.index_cast %scan3A_239 : i32 to index
          %swap3A_320 = arith.constant 80 : index
          %swap3A_321 = tpu.vector_load %arg10[%swap3A_319, %swap3A_320] {strides = array<i32>} : memref<8x512xf32, #tpu.memory_space<vmem>>, vector<16xf32>,
          tpu.vector_store %arg10[%swap3A_319, %swap3A_320], %add3A_318 {strides = array<i32>} : memref<8x512xf32, #tpu.memory_space<vmem>>, vector<16xf32>,
          %get3A_322 = arith.constant 0 : i32
          %get3A_323 = arith.index_cast %get3A_322 : i32 to index
          %get3A_324 = arith.index_cast %scan3A_239 : i32 to index
          %get3A_325 = arith.constant 96 : index
          %get3A_326 = tpu.vector_load %arg6[%get3A_323, %get3A_324, %get3A_325] {strides = array<i32>} : memref<2x8x512xf32, #tpu.memory_space<vmem>>, vector<16xf32>,
          %get3A_327 = arith.constant 1 : i32
          %get3A_328 = arith.index_cast %get3A_327 : i32 to index
          %get3A_329 = arith.index_cast %scan3A_239 : i32 to index
          %get3A_330 = arith.constant 96 : index
          %get3A_331 = tpu.vector_load %arg6[%get3A_328, %get3A_329, %get3A_330] {strides = array<i32>} : memref<2x8x512xf32, #tpu.memory_space<vmem>>, vector<16xf32>,
          %add3A_332 = arith.addf %get3A_326, %get3A_331 : vector<16xf32>
          %swap3A_333 = arith.index_cast %scan3A_239 : i32 to index
          %swap3A_334 = arith.constant 96 : index
          %swap3A_335 = tpu.vector_load %arg10[%swap3A_333, %swap3A_334] {strides = array<i32>} : memref<8x512xf32, #tpu.memory_space<vmem>>, vector<16xf32>,
          tpu.vector_store %arg10[%swap3A_333, %swap3A_334], %add3A_332 {strides = array<i32>} : memref<8x512xf32, #tpu.memory_space<vmem>>, vector<16xf32>,
          %get3A_336 = arith.constant 0 : i32
          %get3A_337 = arith.index_cast %get3A_336 : i32 to index
          %get3A_338 = arith.index_cast %scan3A_239 : i32 to index
          %get3A_339 = arith.constant 112 : index
          %get3A_340 = tpu.vector_load %arg6[%get3A_337, %get3A_338, %get3A_339] {strides = array<i32>} : memref<2x8x512xf32, #tpu.memory_space<vmem>>, vector<16xf32>,
          %get3A_341 = arith.constant 1 : i32
          %get3A_342 = arith.index_cast %get3A_341 : i32 to index
          %get3A_343 = arith.index_cast %scan3A_239 : i32 to index
          %get3A_344 = arith.constant 112 : index
          %get3A_345 = tpu.vector_load %arg6[%get3A_342, %get3A_343, %get3A_344] {strides = array<i32>} : memref<2x8x512xf32, #tpu.memory_space<vmem>>, vector<16xf32>,
          %add3A_346 = arith.addf %get3A_340, %get3A_345 : vector<16xf32>
          %swap3A_347 = arith.index_cast %scan3A_239 : i32 to index
          %swap3A_348 = arith.constant 112 : index
          %swap3A_349 = tpu.vector_load %arg10[%swap3A_347, %swap3A_348] {strides = array<i32>} : memref<8x512xf32, #tpu.memory_space<vmem>>, vector<16xf32>,
          tpu.vector_store %arg10[%swap3A_347, %swap3A_348], %add3A_346 {strides = array<i32>} : memref<8x512xf32, #tpu.memory_space<vmem>>, vector<16xf32>,
          %get3A_350 = arith.constant 0 : i32
          %get3A_351 = arith.index_cast %get3A_350 : i32 to index
          %get3A_352 = arith.index_cast %scan3A_239 : i32 to index
          %get3A_353 = arith.constant 128 : index
          %get3A_354 = tpu.vector_load %arg6[%get3A_351, %get3A_352, %get3A_353] {strides = array<i32>} : memref<2x8x512xf32, #tpu.memory_space<vmem>>, vector<16xf32>,
          %get3A_355 = arith.constant 1 : i32
          %get3A_356 = arith.index_cast %get3A_355 : i32 to index
          %get3A_357 = arith.index_cast %scan3A_239 : i32 to index
          %get3A_358 = arith.constant 128 : index
          %get3A_359 = tpu.vector_load %arg6[%get3A_356, %get3A_357, %get3A_358] {strides = array<i32>} : memref<2x8x512xf32, #tpu.memory_space<vmem>>, vector<16xf32>,
          %add3A_360 = arith.addf %get3A_354, %get3A_359 : vector<16xf32>
          %swap3A_361 = arith.index_cast %scan3A_239 : i32 to index
          %swap3A_362 = arith.constant 128 : index
          %swap3A_363 = tpu.vector_load %arg10[%swap3A_361, %swap3A_362] {strides = array<i32>} : memref<8x512xf32, #tpu.memory_space<vmem>>, vector<16xf32>,
          tpu.vector_store %arg10[%swap3A_361, %swap3A_362], %add3A_360 {strides = array<i32>} : memref<8x512xf32, #tpu.memory_space<vmem>>, vector<16xf32>,
          %get3A_364 = arith.constant 0 : i32
          %get3A_365 = arith.index_cast %get3A_364 : i32 to index
          %get3A_366 = arith.index_cast %scan3A_239 : i32 to index
          %get3A_367 = arith.constant 144 : index
          %get3A_368 = tpu.vector_load %arg6[%get3A_365, %get3A_366, %get3A_367] {strides = array<i32>} : memref<2x8x512xf32, #tpu.memory_space<vmem>>, vector<16xf32>,
          %get3A_369 = arith.constant 1 : i32
          %get3A_370 = arith.index_cast %get3A_369 : i32 to index
          %get3A_371 = arith.index_cast %scan3A_239 : i32 to index
          %get3A_372 = arith.constant 144 : index
          %get3A_373 = tpu.vector_load %arg6[%get3A_370, %get3A_371, %get3A_372] {strides = array<i32>} : memref<2x8x512xf32, #tpu.memory_space<vmem>>, vector<16xf32>,
          %add3A_374 = arith.addf %get3A_368, %get3A_373 : vector<16xf32>
          %swap3A_375 = arith.index_cast %scan3A_239 : i32 to index
          %swap3A_376 = arith.constant 144 : index
          %swap3A_377 = tpu.vector_load %arg10[%swap3A_375, %swap3A_376] {strides = array<i32>} : memref<8x512xf32, #tpu.memory_space<vmem>>, vector<16xf32>,
          tpu.vector_store %arg10[%swap3A_375, %swap3A_376], %add3A_374 {strides = array<i32>} : memref<8x512xf32, #tpu.memory_space<vmem>>, vector<16xf32>,
          %get3A_378 = arith.constant 0 : i32
          %get3A_379 = arith.index_cast %get3A_378 : i32 to index
          %get3A_380 = arith.index_cast %scan3A_239 : i32 to index
          %get3A_381 = arith.constant 160 : index
          %get3A_382 = tpu.vector_load %arg6[%get3A_379, %get3A_380, %get3A_381] {strides = array<i32>} : memref<2x8x512xf32, #tpu.memory_space<vmem>>, vector<16xf32>,
          %get3A_383 = arith.constant 1 : i32
          %get3A_384 = arith.index_cast %get3A_383 : i32 to index
          %get3A_385 = arith.index_cast %scan3A_239 : i32 to index
          %get3A_386 = arith.constant 160 : index
          %get3A_387 = tpu.vector_load %arg6[%get3A_384, %get3A_385, %get3A_386] {strides = array<i32>} : memref<2x8x512xf32, #tpu.memory_space<vmem>>, vector<16xf32>,
          %add3A_388 = arith.addf %get3A_382, %get3A_387 : vector<16xf32>
          %swap3A_389 = arith.index_cast %scan3A_239 : i32 to index
          %swap3A_390 = arith.constant 160 : index
          %swap3A_391 = tpu.vector_load %arg10[%swap3A_389, %swap3A_390] {strides = array<i32>} : memref<8x512xf32, #tpu.memory_space<vmem>>, vector<16xf32>,
          tpu.vector_store %arg10[%swap3A_389, %swap3A_390], %add3A_388 {strides = array<i32>} : memref<8x512xf32, #tpu.memory_space<vmem>>, vector<16xf32>,
          %get3A_392 = arith.constant 0 : i32
          %get3A_393 = arith.index_cast %get3A_392 : i32 to index
          %get3A_394 = arith.index_cast %scan3A_239 : i32 to index
          %get3A_395 = arith.constant 176 : index
          %get3A_396 = tpu.vector_load %arg6[%get3A_393, %get3A_394, %get3A_395] {strides = array<i32>} : memref<2x8x512xf32, #tpu.memory_space<vmem>>, vector<16xf32>,
          %get3A_397 = arith.constant 1 : i32
          %get3A_398 = arith.index_cast %get3A_397 : i32 to index
          %get3A_399 = arith.index_cast %scan3A_239 : i32 to index
          %get3A_400 = arith.constant 176 : index
          %get3A_401 = tpu.vector_load %arg6[%get3A_398, %get3A_399, %get3A_400] {strides = array<i32>} : memref<2x8x512xf32, #tpu.memory_space<vmem>>, vector<16xf32>,
          %add3A_402 = arith.addf %get3A_396, %get3A_401 : vector<16xf32>
          %swap3A_403 = arith.index_cast %scan3A_239 : i32 to index
          %swap3A_404 = arith.constant 176 : index
          %swap3A_405 = tpu.vector_load %arg10[%swap3A_403, %swap3A_404] {strides = array<i32>} : memref<8x512xf32, #tpu.memory_space<vmem>>, vector<16xf32>,
          tpu.vector_store %arg10[%swap3A_403, %swap3A_404], %add3A_402 {strides = array<i32>} : memref<8x512xf32, #tpu.memory_space<vmem>>, vector<16xf32>,
          %get3A_406 = arith.constant 0 : i32
          %get3A_407 = arith.index_cast %get3A_406 : i32 to index
          %get3A_408 = arith.index_cast %scan3A_239 : i32 to index
          %get3A_409 = arith.constant 192 : index
          %get3A_410 = tpu.vector_load %arg6[%get3A_407, %get3A_408, %get3A_409] {strides = array<i32>} : memref<2x8x512xf32, #tpu.memory_space<vmem>>, vector<16xf32>,
          %get3A_411 = arith.constant 1 : i32
          %get3A_412 = arith.index_cast %get3A_411 : i32 to index
          %get3A_413 = arith.index_cast %scan3A_239 : i32 to index
          %get3A_414 = arith.constant 192 : index
          %get3A_415 = tpu.vector_load %arg6[%get3A_412, %get3A_413, %get3A_414] {strides = array<i32>} : memref<2x8x512xf32, #tpu.memory_space<vmem>>, vector<16xf32>,
          %add3A_416 = arith.addf %get3A_410, %get3A_415 : vector<16xf32>
          %swap3A_417 = arith.index_cast %scan3A_239 : i32 to index
          %swap3A_418 = arith.constant 192 : index
          %swap3A_419 = tpu.vector_load %arg10[%swap3A_417, %swap3A_418] {strides = array<i32>} : memref<8x512xf32, #tpu.memory_space<vmem>>, vector<16xf32>,
          tpu.vector_store %arg10[%swap3A_417, %swap3A_418], %add3A_416 {strides = array<i32>} : memref<8x512xf32, #tpu.memory_space<vmem>>, vector<16xf32>,
          %get3A_420 = arith.constant 0 : i32
          %get3A_421 = arith.index_cast %get3A_420 : i32 to index
          %get3A_422 = arith.index_cast %scan3A_239 : i32 to index
          %get3A_423 = arith.constant 208 : index
          %get3A_424 = tpu.vector_load %arg6[%get3A_421, %get3A_422, %get3A_423] {strides = array<i32>} : memref<2x8x512xf32, #tpu.memory_space<vmem>>, vector<16xf32>,
          %get3A_425 = arith.constant 1 : i32
          %get3A_426 = arith.index_cast %get3A_425 : i32 to index
          %get3A_427 = arith.index_cast %scan3A_239 : i32 to index
          %get3A_428 = arith.constant 208 : index
          %get3A_429 = tpu.vector_load %arg6[%get3A_426, %get3A_427, %get3A_428] {strides = array<i32>} : memref<2x8x512xf32, #tpu.memory_space<vmem>>, vector<16xf32>,
          %add3A_430 = arith.addf %get3A_424, %get3A_429 : vector<16xf32>
          %swap3A_431 = arith.index_cast %scan3A_239 : i32 to index
          %swap3A_432 = arith.constant 208 : index
          %swap3A_433 = tpu.vector_load %arg10[%swap3A_431, %swap3A_432] {strides = array<i32>} : memref<8x512xf32, #tpu.memory_space<vmem>>, vector<16xf32>,
          tpu.vector_store %arg10[%swap3A_431, %swap3A_432], %add3A_430 {strides = array<i32>} : memref<8x512xf32, #tpu.memory_space<vmem>>, vector<16xf32>,
          %get3A_434 = arith.constant 0 : i32
          %get3A_435 = arith.index_cast %get3A_434 : i32 to index
          %get3A_436 = arith.index_cast %scan3A_239 : i32 to index
          %get3A_437 = arith.constant 224 : index
          %get3A_438 = tpu.vector_load %arg6[%get3A_435, %get3A_436, %get3A_437] {strides = array<i32>} : memref<2x8x512xf32, #tpu.memory_space<vmem>>, vector<16xf32>,
          %get3A_439 = arith.constant 1 : i32
          %get3A_440 = arith.index_cast %get3A_439 : i32 to index
          %get3A_441 = arith.index_cast %scan3A_239 : i32 to index
          %get3A_442 = arith.constant 224 : index
          %get3A_443 = tpu.vector_load %arg6[%get3A_440, %get3A_441, %get3A_442] {strides = array<i32>} : memref<2x8x512xf32, #tpu.memory_space<vmem>>, vector<16xf32>,
          %add3A_444 = arith.addf %get3A_438, %get3A_443 : vector<16xf32>
          %swap3A_445 = arith.index_cast %scan3A_239 : i32 to index
          %swap3A_446 = arith.constant 224 : index
          %swap3A_447 = tpu.vector_load %arg10[%swap3A_445, %swap3A_446] {strides = array<i32>} : memref<8x512xf32, #tpu.memory_space<vmem>>, vector<16xf32>,
          tpu.vector_store %arg10[%swap3A_445, %swap3A_446], %add3A_444 {strides = array<i32>} : memref<8x512xf32, #tpu.memory_space<vmem>>, vector<16xf32>,
          %get3A_448 = arith.constant 0 : i32
          %get3A_449 = arith.index_cast %get3A_448 : i32 to index
          %get3A_450 = arith.index_cast %scan3A_239 : i32 to index
          %get3A_451 = arith.constant 240 : index
          %get3A_452 = tpu.vector_load %arg6[%get3A_449, %get3A_450, %get3A_451] {strides = array<i32>} : memref<2x8x512xf32, #tpu.memory_space<vmem>>, vector<16xf32>,
          %get3A_453 = arith.constant 1 : i32
          %get3A_454 = arith.index_cast %get3A_453 : i32 to index
          %get3A_455 = arith.index_cast %scan3A_239 : i32 to index
          %get3A_456 = arith.constant 240 : index
          %get3A_457 = tpu.vector_load %arg6[%get3A_454, %get3A_455, %get3A_456] {strides = array<i32>} : memref<2x8x512xf32, #tpu.memory_space<vmem>>, vector<16xf32>,
          %add3A_458 = arith.addf %get3A_452, %get3A_457 : vector<16xf32>
          %swap3A_459 = arith.index_cast %scan3A_239 : i32 to index
          %swap3A_460 = arith.constant 240 : index
          %swap3A_461 = tpu.vector_load %arg10[%swap3A_459, %swap3A_460] {strides = array<i32>} : memref<8x512xf32, #tpu.memory_space<vmem>>, vector<16xf32>,
          tpu.vector_store %arg10[%swap3A_459, %swap3A_460], %add3A_458 {strides = array<i32>} : memref<8x512xf32, #tpu.memory_space<vmem>>, vector<16xf32>,
          %get3A_462 = arith.constant 0 : i32
          %get3A_463 = arith.index_cast %get3A_462 : i32 to index
          %get3A_464 = arith.index_cast %scan3A_239 : i32 to index
          %get3A_465 = arith.constant 256 : index
          %get3A_466 = tpu.vector_load %arg6[%get3A_463, %get3A_464, %get3A_465] {strides = array<i32>} : memref<2x8x512xf32, #tpu.memory_space<vmem>>, vector<16xf32>,
          %get3A_467 = arith.constant 1 : i32
          %get3A_468 = arith.index_cast %get3A_467 : i32 to index
          %get3A_469 = arith.index_cast %scan3A_239 : i32 to index
          %get3A_470 = arith.constant 256 : index
          %get3A_471 = tpu.vector_load %arg6[%get3A_468, %get3A_469, %get3A_470] {strides = array<i32>} : memref<2x8x512xf32, #tpu.memory_space<vmem>>, vector<16xf32>,
          %add3A_472 = arith.addf %get3A_466, %get3A_471 : vector<16xf32>
          %swap3A_473 = arith.index_cast %scan3A_239 : i32 to index
          %swap3A_474 = arith.constant 256 : index
          %swap3A_475 = tpu.vector_load %arg10[%swap3A_473, %swap3A_474] {strides = array<i32>} : memref<8x512xf32, #tpu.memory_space<vmem>>, vector<16xf32>,
          tpu.vector_store %arg10[%swap3A_473, %swap3A_474], %add3A_472 {strides = array<i32>} : memref<8x512xf32, #tpu.memory_space<vmem>>, vector<16xf32>,
          %get3A_476 = arith.constant 0 : i32
          %get3A_477 = arith.index_cast %get3A_476 : i32 to index
          %get3A_478 = arith.index_cast %scan3A_239 : i32 to index
          %get3A_479 = arith.constant 272 : index
          %get3A_480 = tpu.vector_load %arg6[%get3A_477, %get3A_478, %get3A_479] {strides = array<i32>} : memref<2x8x512xf32, #tpu.memory_space<vmem>>, vector<16xf32>,
          %get3A_481 = arith.constant 1 : i32
          %get3A_482 = arith.index_cast %get3A_481 : i32 to index
          %get3A_483 = arith.index_cast %scan3A_239 : i32 to index
          %get3A_484 = arith.constant 272 : index
          %get3A_485 = tpu.vector_load %arg6[%get3A_482, %get3A_483, %get3A_484] {strides = array<i32>} : memref<2x8x512xf32, #tpu.memory_space<vmem>>, vector<16xf32>,
          %add3A_486 = arith.addf %get3A_480, %get3A_485 : vector<16xf32>
          %swap3A_487 = arith.index_cast %scan3A_239 : i32 to index
          %swap3A_488 = arith.constant 272 : index
          %swap3A_489 = tpu.vector_load %arg10[%swap3A_487, %swap3A_488] {strides = array<i32>} : memref<8x512xf32, #tpu.memory_space<vmem>>, vector<16xf32>,
          tpu.vector_store %arg10[%swap3A_487, %swap3A_488], %add3A_486 {strides = array<i32>} : memref<8x512xf32, #tpu.memory_space<vmem>>, vector<16xf32>,
          %get3A_490 = arith.constant 0 : i32
          %get3A_491 = arith.index_cast %get3A_490 : i32 to index
          %get3A_492 = arith.index_cast %scan3A_239 : i32 to index
          %get3A_493 = arith.constant 288 : index
          %get3A_494 = tpu.vector_load %arg6[%get3A_491, %get3A_492, %get3A_493] {strides = array<i32>} : memref<2x8x512xf32, #tpu.memory_space<vmem>>, vector<16xf32>,
          %get3A_495 = arith.constant 1 : i32
          %get3A_496 = arith.index_cast %get3A_495 : i32 to index
          %get3A_497 = arith.index_cast %scan3A_239 : i32 to index
          %get3A_498 = arith.constant 288 : index
          %get3A_499 = tpu.vector_load %arg6[%get3A_496, %get3A_497, %get3A_498] {strides = array<i32>} : memref<2x8x512xf32, #tpu.memory_space<vmem>>, vector<16xf32>,
          %add3A_500 = arith.addf %get3A_494, %get3A_499 : vector<16xf32>
          %swap3A_501 = arith.index_cast %scan3A_239 : i32 to index
          %swap3A_502 = arith.constant 288 : index
          %swap3A_503 = tpu.vector_load %arg10[%swap3A_501, %swap3A_502] {strides = array<i32>} : memref<8x512xf32, #tpu.memory_space<vmem>>, vector<16xf32>,
          tpu.vector_store %arg10[%swap3A_501, %swap3A_502], %add3A_500 {strides = array<i32>} : memref<8x512xf32, #tpu.memory_space<vmem>>, vector<16xf32>,
          %get3A_504 = arith.constant 0 : i32
          %get3A_505 = arith.index_cast %get3A_504 : i32 to index
          %get3A_506 = arith.index_cast %scan3A_239 : i32 to index
          %get3A_507 = arith.constant 304 : index
          %get3A_508 = tpu.vector_load %arg6[%get3A_505, %get3A_506, %get3A_507] {strides = array<i32>} : memref<2x8x512xf32, #tpu.memory_space<vmem>>, vector<16xf32>,
          %get3A_509 = arith.constant 1 : i32
          %get3A_510 = arith.index_cast %get3A_509 : i32 to index
          %get3A_511 = arith.index_cast %scan3A_239 : i32 to index
          %get3A_512 = arith.constant 304 : index
          %get3A_513 = tpu.vector_load %arg6[%get3A_510, %get3A_511, %get3A_512] {strides = array<i32>} : memref<2x8x512xf32, #tpu.memory_space<vmem>>, vector<16xf32>,
          %add3A_514 = arith.addf %get3A_508, %get3A_513 : vector<16xf32>
          %swap3A_515 = arith.index_cast %scan3A_239 : i32 to index
          %swap3A_516 = arith.constant 304 : index
          %swap3A_517 = tpu.vector_load %arg10[%swap3A_515, %swap3A_516] {strides = array<i32>} : memref<8x512xf32, #tpu.memory_space<vmem>>, vector<16xf32>,
          tpu.vector_store %arg10[%swap3A_515, %swap3A_516], %add3A_514 {strides = array<i32>} : memref<8x512xf32, #tpu.memory_space<vmem>>, vector<16xf32>,
          %get3A_518 = arith.constant 0 : i32
          %get3A_519 = arith.index_cast %get3A_518 : i32 to index
          %get3A_520 = arith.index_cast %scan3A_239 : i32 to index
          %get3A_521 = arith.constant 320 : index
          %get3A_522 = tpu.vector_load %arg6[%get3A_519, %get3A_520, %get3A_521] {strides = array<i32>} : memref<2x8x512xf32, #tpu.memory_space<vmem>>, vector<16xf32>,
          %get3A_523 = arith.constant 1 : i32
          %get3A_524 = arith.index_cast %get3A_523 : i32 to index
          %get3A_525 = arith.index_cast %scan3A_239 : i32 to index
          %get3A_526 = arith.constant 320 : index
          %get3A_527 = tpu.vector_load %arg6[%get3A_524, %get3A_525, %get3A_526] {strides = array<i32>} : memref<2x8x512xf32, #tpu.memory_space<vmem>>, vector<16xf32>,
          %add3A_528 = arith.addf %get3A_522, %get3A_527 : vector<16xf32>
          %swap3A_529 = arith.index_cast %scan3A_239 : i32 to index
          %swap3A_530 = arith.constant 320 : index
          %swap3A_531 = tpu.vector_load %arg10[%swap3A_529, %swap3A_530] {strides = array<i32>} : memref<8x512xf32, #tpu.memory_space<vmem>>, vector<16xf32>,
          tpu.vector_store %arg10[%swap3A_529, %swap3A_530], %add3A_528 {strides = array<i32>} : memref<8x512xf32, #tpu.memory_space<vmem>>, vector<16xf32>,
          %get3A_532 = arith.constant 0 : i32
          %get3A_533 = arith.index_cast %get3A_532 : i32 to index
          %get3A_534 = arith.index_cast %scan3A_239 : i32 to index
          %get3A_535 = arith.constant 336 : index
          %get3A_536 = tpu.vector_load %arg6[%get3A_533, %get3A_534, %get3A_535] {strides = array<i32>} : memref<2x8x512xf32, #tpu.memory_space<vmem>>, vector<16xf32>,
          %get3A_537 = arith.constant 1 : i32
          %get3A_538 = arith.index_cast %get3A_537 : i32 to index
          %get3A_539 = arith.index_cast %scan3A_239 : i32 to index
          %get3A_540 = arith.constant 336 : index
          %get3A_541 = tpu.vector_load %arg6[%get3A_538, %get3A_539, %get3A_540] {strides = array<i32>} : memref<2x8x512xf32, #tpu.memory_space<vmem>>, vector<16xf32>,
          %add3A_542 = arith.addf %get3A_536, %get3A_541 : vector<16xf32>
          %swap3A_543 = arith.index_cast %scan3A_239 : i32 to index
          %swap3A_544 = arith.constant 336 : index
          %swap3A_545 = tpu.vector_load %arg10[%swap3A_543, %swap3A_544] {strides = array<i32>} : memref<8x512xf32, #tpu.memory_space<vmem>>, vector<16xf32>,
          tpu.vector_store %arg10[%swap3A_543, %swap3A_544], %add3A_542 {strides = array<i32>} : memref<8x512xf32, #tpu.memory_space<vmem>>, vector<16xf32>,
          %get3A_546 = arith.constant 0 : i32
          %get3A_547 = arith.index_cast %get3A_546 : i32 to index
          %get3A_548 = arith.index_cast %scan3A_239 : i32 to index
          %get3A_549 = arith.constant 352 : index
          %get3A_550 = tpu.vector_load %arg6[%get3A_547, %get3A_548, %get3A_549] {strides = array<i32>} : memref<2x8x512xf32, #tpu.memory_space<vmem>>, vector<16xf32>,
          %get3A_551 = arith.constant 1 : i32
          %get3A_552 = arith.index_cast %get3A_551 : i32 to index
          %get3A_553 = arith.index_cast %scan3A_239 : i32 to index
          %get3A_554 = arith.constant 352 : index
          %get3A_555 = tpu.vector_load %arg6[%get3A_552, %get3A_553, %get3A_554] {strides = array<i32>} : memref<2x8x512xf32, #tpu.memory_space<vmem>>, vector<16xf32>,
          %add3A_556 = arith.addf %get3A_550, %get3A_555 : vector<16xf32>
          %swap3A_557 = arith.index_cast %scan3A_239 : i32 to index
          %swap3A_558 = arith.constant 352 : index
          %swap3A_559 = tpu.vector_load %arg10[%swap3A_557, %swap3A_558] {strides = array<i32>} : memref<8x512xf32, #tpu.memory_space<vmem>>, vector<16xf32>,
          tpu.vector_store %arg10[%swap3A_557, %swap3A_558], %add3A_556 {strides = array<i32>} : memref<8x512xf32, #tpu.memory_space<vmem>>, vector<16xf32>,
          %get3A_560 = arith.constant 0 : i32
          %get3A_561 = arith.index_cast %get3A_560 : i32 to index
          %get3A_562 = arith.index_cast %scan3A_239 : i32 to index
          %get3A_563 = arith.constant 368 : index
          %get3A_564 = tpu.vector_load %arg6[%get3A_561, %get3A_562, %get3A_563] {strides = array<i32>} : memref<2x8x512xf32, #tpu.memory_space<vmem>>, vector<16xf32>,
          %get3A_565 = arith.constant 1 : i32
          %get3A_566 = arith.index_cast %get3A_565 : i32 to index
          %get3A_567 = arith.index_cast %scan3A_239 : i32 to index
          %get3A_568 = arith.constant 368 : index
          %get3A_569 = tpu.vector_load %arg6[%get3A_566, %get3A_567, %get3A_568] {strides = array<i32>} : memref<2x8x512xf32, #tpu.memory_space<vmem>>, vector<16xf32>,
          %add3A_570 = arith.addf %get3A_564, %get3A_569 : vector<16xf32>
          %swap3A_571 = arith.index_cast %scan3A_239 : i32 to index
          %swap3A_572 = arith.constant 368 : index
          %swap3A_573 = tpu.vector_load %arg10[%swap3A_571, %swap3A_572] {strides = array<i32>} : memref<8x512xf32, #tpu.memory_space<vmem>>, vector<16xf32>,
          tpu.vector_store %arg10[%swap3A_571, %swap3A_572], %add3A_570 {strides = array<i32>} : memref<8x512xf32, #tpu.memory_space<vmem>>, vector<16xf32>,
          %get3A_574 = arith.constant 0 : i32
          %get3A_575 = arith.index_cast %get3A_574 : i32 to index
          %get3A_576 = arith.index_cast %scan3A_239 : i32 to index
          %get3A_577 = arith.constant 384 : index
          %get3A_578 = tpu.vector_load %arg6[%get3A_575, %get3A_576, %get3A_577] {strides = array<i32>} : memref<2x8x512xf32, #tpu.memory_space<vmem>>, vector<16xf32>,
          %get3A_579 = arith.constant 1 : i32
          %get3A_580 = arith.index_cast %get3A_579 : i32 to index
          %get3A_581 = arith.index_cast %scan3A_239 : i32 to index
          %get3A_582 = arith.constant 384 : index
          %get3A_583 = tpu.vector_load %arg6[%get3A_580, %get3A_581, %get3A_582] {strides = array<i32>} : memref<2x8x512xf32, #tpu.memory_space<vmem>>, vector<16xf32>,
          %add3A_584 = arith.addf %get3A_578, %get3A_583 : vector<16xf32>
          %swap3A_585 = arith.index_cast %scan3A_239 : i32 to index
          %swap3A_586 = arith.constant 384 : index
          %swap3A_587 = tpu.vector_load %arg10[%swap3A_585, %swap3A_586] {strides = array<i32>} : memref<8x512xf32, #tpu.memory_space<vmem>>, vector<16xf32>,
          tpu.vector_store %arg10[%swap3A_585, %swap3A_586], %add3A_584 {strides = array<i32>} : memref<8x512xf32, #tpu.memory_space<vmem>>, vector<16xf32>,
          %get3A_588 = arith.constant 0 : i32
          %get3A_589 = arith.index_cast %get3A_588 : i32 to index
          %get3A_590 = arith.index_cast %scan3A_239 : i32 to index
          %get3A_591 = arith.constant 400 : index
          %get3A_592 = tpu.vector_load %arg6[%get3A_589, %get3A_590, %get3A_591] {strides = array<i32>} : memref<2x8x512xf32, #tpu.memory_space<vmem>>, vector<16xf32>,
          %get3A_593 = arith.constant 1 : i32
          %get3A_594 = arith.index_cast %get3A_593 : i32 to index
          %get3A_595 = arith.index_cast %scan3A_239 : i32 to index
          %get3A_596 = arith.constant 400 : index
          %get3A_597 = tpu.vector_load %arg6[%get3A_594, %get3A_595, %get3A_596] {strides = array<i32>} : memref<2x8x512xf32, #tpu.memory_space<vmem>>, vector<16xf32>,
          %add3A_598 = arith.addf %get3A_592, %get3A_597 : vector<16xf32>
          %swap3A_599 = arith.index_cast %scan3A_239 : i32 to index
          %swap3A_600 = arith.constant 400 : index
          %swap3A_601 = tpu.vector_load %arg10[%swap3A_599, %swap3A_600] {strides = array<i32>} : memref<8x512xf32, #tpu.memory_space<vmem>>, vector<16xf32>,
          tpu.vector_store %arg10[%swap3A_599, %swap3A_600], %add3A_598 {strides = array<i32>} : memref<8x512xf32, #tpu.memory_space<vmem>>, vector<16xf32>,
          %get3A_602 = arith.constant 0 : i32
          %get3A_603 = arith.index_cast %get3A_602 : i32 to index
          %get3A_604 = arith.index_cast %scan3A_239 : i32 to index
          %get3A_605 = arith.constant 416 : index
          %get3A_606 = tpu.vector_load %arg6[%get3A_603, %get3A_604, %get3A_605] {strides = array<i32>} : memref<2x8x512xf32, #tpu.memory_space<vmem>>, vector<16xf32>,
          %get3A_607 = arith.constant 1 : i32
          %get3A_608 = arith.index_cast %get3A_607 : i32 to index
          %get3A_609 = arith.index_cast %scan3A_239 : i32 to index
          %get3A_610 = arith.constant 416 : index
          %get3A_611 = tpu.vector_load %arg6[%get3A_608, %get3A_609, %get3A_610] {strides = array<i32>} : memref<2x8x512xf32, #tpu.memory_space<vmem>>, vector<16xf32>,
          %add3A_612 = arith.addf %get3A_606, %get3A_611 : vector<16xf32>
          %swap3A_613 = arith.index_cast %scan3A_239 : i32 to index
          %swap3A_614 = arith.constant 416 : index
          %swap3A_615 = tpu.vector_load %arg10[%swap3A_613, %swap3A_614] {strides = array<i32>} : memref<8x512xf32, #tpu.memory_space<vmem>>, vector<16xf32>,
          tpu.vector_store %arg10[%swap3A_613, %swap3A_614], %add3A_612 {strides = array<i32>} : memref<8x512xf32, #tpu.memory_space<vmem>>, vector<16xf32>,
          %get3A_616 = arith.constant 0 : i32
          %get3A_617 = arith.index_cast %get3A_616 : i32 to index
          %get3A_618 = arith.index_cast %scan3A_239 : i32 to index
          %get3A_619 = arith.constant 432 : index
          %get3A_620 = tpu.vector_load %arg6[%get3A_617, %get3A_618, %get3A_619] {strides = array<i32>} : memref<2x8x512xf32, #tpu.memory_space<vmem>>, vector<16xf32>,
          %get3A_621 = arith.constant 1 : i32
          %get3A_622 = arith.index_cast %get3A_621 : i32 to index
          %get3A_623 = arith.index_cast %scan3A_239 : i32 to index
          %get3A_624 = arith.constant 432 : index
          %get3A_625 = tpu.vector_load %arg6[%get3A_622, %get3A_623, %get3A_624] {strides = array<i32>} : memref<2x8x512xf32, #tpu.memory_space<vmem>>, vector<16xf32>,
          %add3A_626 = arith.addf %get3A_620, %get3A_625 : vector<16xf32>
          %swap3A_627 = arith.index_cast %scan3A_239 : i32 to index
          %swap3A_628 = arith.constant 432 : index
          %swap3A_629 = tpu.vector_load %arg10[%swap3A_627, %swap3A_628] {strides = array<i32>} : memref<8x512xf32, #tpu.memory_space<vmem>>, vector<16xf32>,
          tpu.vector_store %arg10[%swap3A_627, %swap3A_628], %add3A_626 {strides = array<i32>} : memref<8x512xf32, #tpu.memory_space<vmem>>, vector<16xf32>,
          %get3A_630 = arith.constant 0 : i32
          %get3A_631 = arith.index_cast %get3A_630 : i32 to index
          %get3A_632 = arith.index_cast %scan3A_239 : i32 to index
          %get3A_633 = arith.constant 448 : index
          %get3A_634 = tpu.vector_load %arg6[%get3A_631, %get3A_632, %get3A_633] {strides = array<i32>} : memref<2x8x512xf32, #tpu.memory_space<vmem>>, vector<16xf32>,
          %get3A_635 = arith.constant 1 : i32
          %get3A_636 = arith.index_cast %get3A_635 : i32 to index
          %get3A_637 = arith.index_cast %scan3A_239 : i32 to index
          %get3A_638 = arith.constant 448 : index
          %get3A_639 = tpu.vector_load %arg6[%get3A_636, %get3A_637, %get3A_638] {strides = array<i32>} : memref<2x8x512xf32, #tpu.memory_space<vmem>>, vector<16xf32>,
          %add3A_640 = arith.addf %get3A_634, %get3A_639 : vector<16xf32>
          %swap3A_641 = arith.index_cast %scan3A_239 : i32 to index
          %swap3A_642 = arith.constant 448 : index
          %swap3A_643 = tpu.vector_load %arg10[%swap3A_641, %swap3A_642] {strides = array<i32>} : memref<8x512xf32, #tpu.memory_space<vmem>>, vector<16xf32>,
          tpu.vector_store %arg10[%swap3A_641, %swap3A_642], %add3A_640 {strides = array<i32>} : memref<8x512xf32, #tpu.memory_space<vmem>>, vector<16xf32>,
          %get3A_644 = arith.constant 0 : i32
          %get3A_645 = arith.index_cast %get3A_644 : i32 to index
          %get3A_646 = arith.index_cast %scan3A_239 : i32 to index
          %get3A_647 = arith.constant 464 : index
          %get3A_648 = tpu.vector_load %arg6[%get3A_645, %get3A_646, %get3A_647] {strides = array<i32>} : memref<2x8x512xf32, #tpu.memory_space<vmem>>, vector<16xf32>,
          %get3A_649 = arith.constant 1 : i32
          %get3A_650 = arith.index_cast %get3A_649 : i32 to index
          %get3A_651 = arith.index_cast %scan3A_239 : i32 to index
          %get3A_652 = arith.constant 464 : index
          %get3A_653 = tpu.vector_load %arg6[%get3A_650, %get3A_651, %get3A_652] {strides = array<i32>} : memref<2x8x512xf32, #tpu.memory_space<vmem>>, vector<16xf32>,
          %add3A_654 = arith.addf %get3A_648, %get3A_653 : vector<16xf32>
          %swap3A_655 = arith.index_cast %scan3A_239 : i32 to index
          %swap3A_656 = arith.constant 464 : index
          %swap3A_657 = tpu.vector_load %arg10[%swap3A_655, %swap3A_656] {strides = array<i32>} : memref<8x512xf32, #tpu.memory_space<vmem>>, vector<16xf32>,
          tpu.vector_store %arg10[%swap3A_655, %swap3A_656], %add3A_654 {strides = array<i32>} : memref<8x512xf32, #tpu.memory_space<vmem>>, vector<16xf32>,
          %get3A_658 = arith.constant 0 : i32
          %get3A_659 = arith.index_cast %get3A_658 : i32 to index
          %get3A_660 = arith.index_cast %scan3A_239 : i32 to index
          %get3A_661 = arith.constant 480 : index
          %get3A_662 = tpu.vector_load %arg6[%get3A_659, %get3A_660, %get3A_661] {strides = array<i32>} : memref<2x8x512xf32, #tpu.memory_space<vmem>>, vector<16xf32>,
          %get3A_663 = arith.constant 1 : i32
          %get3A_664 = arith.index_cast %get3A_663 : i32 to index
          %get3A_665 = arith.index_cast %scan3A_239 : i32 to index
          %get3A_666 = arith.constant 480 : index
          %get3A_667 = tpu.vector_load %arg6[%get3A_664, %get3A_665, %get3A_666] {strides = array<i32>} : memref<2x8x512xf32, #tpu.memory_space<vmem>>, vector<16xf32>,
          %add3A_668 = arith.addf %get3A_662, %get3A_667 : vector<16xf32>
          %swap3A_669 = arith.index_cast %scan3A_239 : i32 to index
          %swap3A_670 = arith.constant 480 : index
          %swap3A_671 = tpu.vector_load %arg10[%swap3A_669, %swap3A_670] {strides = array<i32>} : memref<8x512xf32, #tpu.memory_space<vmem>>, vector<16xf32>,
          tpu.vector_store %arg10[%swap3A_669, %swap3A_670], %add3A_668 {strides = array<i32>} : memref<8x512xf32, #tpu.memory_space<vmem>>, vector<16xf32>,
          %get3A_672 = arith.constant 0 : i32
          %get3A_673 = arith.index_cast %get3A_672 : i32 to index
          %get3A_674 = arith.index_cast %scan3A_239 : i32 to index
          %get3A_675 = arith.constant 496 : index
          %get3A_676 = tpu.vector_load %arg6[%get3A_673, %get3A_674, %get3A_675] {strides = array<i32>} : memref<2x8x512xf32, #tpu.memory_space<vmem>>, vector<16xf32>,
          %get3A_677 = arith.constant 1 : i32
          %get3A_678 = arith.index_cast %get3A_677 : i32 to index
          %get3A_679 = arith.index_cast %scan3A_239 : i32 to index
          %get3A_680 = arith.constant 496 : index
          %get3A_681 = tpu.vector_load %arg6[%get3A_678, %get3A_679, %get3A_680] {strides = array<i32>} : memref<2x8x512xf32, #tpu.memory_space<vmem>>, vector<16xf32>,
          %add3A_682 = arith.addf %get3A_676, %get3A_681 : vector<16xf32>
          %swap3A_683 = arith.index_cast %scan3A_239 : i32 to index
          %swap3A_684 = arith.constant 496 : index
          %swap3A_685 = tpu.vector_load %arg10[%swap3A_683, %swap3A_684] {strides = array<i32>} : memref<8x512xf32, #tpu.memory_space<vmem>>, vector<16xf32>,
          tpu.vector_store %arg10[%swap3A_683, %swap3A_684], %add3A_682 {strides = array<i32>} : memref<8x512xf32, #tpu.memory_space<vmem>>, vector<16xf32>,
        }
        %scan3A_223 = arith.constant 8 : i32
        %mul3A_224 = arith.constant 32 : i32
        %mul3A_225 = arith.muli %add3A_149, %mul3A_224 : i32
        %add3A_226 = arith.addi %add3A, %mul3A_225 : i32
        %shift_right_logical3A_227 = arith.constant 4 : i32
        %shift_right_logical3A_228 = arith.shrui %add3A_226, %shift_right_logical3A_227 : i32
        %and3A_229 = arith.constant 15 : i32
        %and3A_230 = arith.andi %add3A_226, %and3A_229 : i32
        %mul3A_231 = arith.constant 8 : i32
        %mul3A_232 = arith.muli %and3A_230, %mul3A_231 : i32
        %dma_start3A_233 = arith.constant 0 : i32
        %dma_start3A_234 = tpu.memref_slice %arg3[%shift_right_logical3A_228, %mul3A_232, %dma_start3A_233] : memref<99x128x512xf32, #tpu.memory_space<hbm>> -> memref<1x8x512xf32, #tpu.memory_space<hbm>>
        %dma_start3A_235 = tpu.memref_squeeze %dma_start3A_234 : memref<1x8x512xf32, #tpu.memory_space<hbm>> -> memref<8x512xf32, #tpu.memory_space<hbm>>
        %dma_start3A_236 = arith.constant 0 : i32
        %dma_start3A_237 = tpu.memref_slice %arg3[%shift_right_logical3A_228, %mul3A_232, %dma_start3A_236] : memref<99x128x512xf32, #tpu.memory_space<hbm>> -> memref<1x8x512xf32, #tpu.memory_space<hbm>>
        %dma_start3A_238 = tpu.memref_squeeze %dma_start3A_237 : memref<1x8x512xf32, #tpu.memory_space<hbm>> -> memref<8x512xf32, #tpu.memory_space<hbm>>
        tpu.enqueue_dma source(%arg10 : memref<8x512xf32, #tpu.memory_space<vmem>>) target(%dma_start3A_238 : memref<8x512xf32, #tpu.memory_space<hbm>>) target_semaphore(%arg18 : memref<!tpu.dma_semaphore, #tpu.memory_space<semaphore_mem>>)
      } else {
      }
      %mul3A_182 = arith.constant 4 : i32
      %mul3A_183 = arith.muli %scan3A_76, %mul3A_182 : i32
      %add3A_184 = arith.constant 3 : i32
      %add3A_185 = arith.addi %mul3A_183, %add3A_184 : i32
      %mul3A_186 = arith.constant 32 : i32
      %mul3A_187 = arith.muli %add3A_185, %mul3A_186 : i32
      %add3A_188 = arith.addi %add3A, %mul3A_187 : i32
      %lt3A_189 = arith.constant 1584 : i32
      %lt3A_190 = arith.cmpi slt, %add3A_188, %lt3A_189 : i32
      %sub3A_191 = arith.constant 4 : i32
      %sub3A_192 = arith.subi %add3A_185, %sub3A_191 : i32
      %max3A_193 = arith.constant 0 : i32
      %max3A_194 = arith.maxsi %sub3A_192, %max3A_193 : i32
      %add3A_195 = arith.constant 96 : i32
      %add3A_196 = arith.addi %add3A_188, %add3A_195 : i32
      %lt3A_197 = arith.constant 1584 : i32
      %lt3A_198 = arith.cmpi slt, %add3A_196, %lt3A_197 : i32
      %convert_element_type3A_199 = arith.extui %lt3A_198 : i1 to i32
      %cond3A_200 = arith.constant 0 : i32
      %cond3A_201 = arith.cmpi ne, %convert_element_type3A_199, %cond3A_200 : i32
      scf.if %cond3A_201 {
        %add3A_218 = arith.constant 4 : i32
        %add3A_219 = arith.addi %add3A_185, %add3A_218 : i32
        %sub3A_220 = arith.constant 1 : i32
        %sub3A_221 = arith.subi %add3A_219, %sub3A_220 : i32
        %mul3A_222 = arith.constant 32 : i32
        %mul3A_223 = arith.muli %sub3A_221, %mul3A_222 : i32
        %add3A_224 = arith.addi %add3A, %mul3A_223 : i32
        %shift_right_logical3A_225 = arith.constant 4 : i32
        %shift_right_logical3A_226 = arith.shrui %add3A_224, %shift_right_logical3A_225 : i32
        %and3A_227 = arith.constant 15 : i32
        %and3A_228 = arith.andi %add3A_224, %and3A_227 : i32
        %mul3A_229 = arith.constant 8 : i32
        %mul3A_230 = arith.muli %and3A_228, %mul3A_229 : i32
        %dma_start3A_231 = arith.constant 0 : i32
        %dma_start3A_232 = arith.constant 0 : i32
        %dma_start3A_233 = tpu.memref_slice %arg2[%shift_right_logical3A_226, %dma_start3A_231, %mul3A_230, %dma_start3A_232] : memref<99x2x128x512xf32, #tpu.memory_space<hbm>> -> memref<1x2x8x512xf32, #tpu.memory_space<hbm>>
        %dma_start3A_234 = tpu.memref_squeeze %dma_start3A_233 : memref<1x2x8x512xf32, #tpu.memory_space<hbm>> -> memref<2x8x512xf32, #tpu.memory_space<hbm>>
        %dma_start3A_235 = arith.constant 0 : i32
        %dma_start3A_236 = arith.constant 0 : i32
        %dma_start3A_237 = tpu.memref_slice %arg2[%shift_right_logical3A_226, %dma_start3A_235, %mul3A_230, %dma_start3A_236] : memref<99x2x128x512xf32, #tpu.memory_space<hbm>> -> memref<1x2x8x512xf32, #tpu.memory_space<hbm>>
        %dma_start3A_238 = tpu.memref_squeeze %dma_start3A_237 : memref<1x2x8x512xf32, #tpu.memory_space<hbm>> -> memref<2x8x512xf32, #tpu.memory_space<hbm>>
        tpu.enqueue_dma source(%dma_start3A_238 : memref<2x8x512xf32, #tpu.memory_space<hbm>>) target(%arg6 : memref<2x8x512xf32, #tpu.memory_space<vmem>>) target_semaphore(%arg14 : memref<!tpu.dma_semaphore, #tpu.memory_space<semaphore_mem>>)
      } else {
      }
      %convert_element_type3A_202 = arith.extui %lt3A_190 : i1 to i32
      %cond3A_203 = arith.constant 0 : i32
      %cond3A_204 = arith.cmpi ne, %convert_element_type3A_202, %cond3A_203 : i32
      scf.if %cond3A_204 {
        %mul3A_218 = arith.constant 32 : i32
        %mul3A_219 = arith.muli %add3A_185, %mul3A_218 : i32
        %add3A_220 = arith.addi %add3A, %mul3A_219 : i32
        %shift_right_logical3A_221 = arith.constant 4 : i32
        %shift_right_logical3A_222 = arith.shrui %add3A_220, %shift_right_logical3A_221 : i32
        %and3A_223 = arith.constant 15 : i32
        %and3A_224 = arith.andi %add3A_220, %and3A_223 : i32
        %mul3A_225 = arith.constant 8 : i32
        %mul3A_226 = arith.muli %and3A_224, %mul3A_225 : i32
        %dma_wait3A = arith.constant 0 : i32
        %dma_wait3A_227 = arith.constant 0 : i32
        %dma_wait3A_228 = tpu.memref_slice %arg2[%shift_right_logical3A_222, %dma_wait3A, %mul3A_226, %dma_wait3A_227] : memref<99x2x128x512xf32, #tpu.memory_space<hbm>> -> memref<1x2x8x512xf32, #tpu.memory_space<hbm>>
        %dma_wait3A_229 = tpu.memref_squeeze %dma_wait3A_228 : memref<1x2x8x512xf32, #tpu.memory_space<hbm>> -> memref<2x8x512xf32, #tpu.memory_space<hbm>>
        %dma_wait3A_230 = arith.constant 0 : i32
        %dma_wait3A_231 = arith.constant 0 : i32
        %dma_wait3A_232 = tpu.memref_slice %arg2[%shift_right_logical3A_222, %dma_wait3A_230, %mul3A_226, %dma_wait3A_231] : memref<99x2x128x512xf32, #tpu.memory_space<hbm>> -> memref<1x2x8x512xf32, #tpu.memory_space<hbm>>
        %dma_wait3A_233 = tpu.memref_squeeze %dma_wait3A_232 : memref<1x2x8x512xf32, #tpu.memory_space<hbm>> -> memref<2x8x512xf32, #tpu.memory_space<hbm>>
        tpu.wait_dma2 semaphore(%arg15 : memref<!tpu.dma_semaphore, #tpu.memory_space<semaphore_mem>>) src(%dma_wait3A_233 : memref<2x8x512xf32, #tpu.memory_space<hbm>>) dst(%arg7 : memref<2x8x512xf32, #tpu.memory_space<vmem>>)
      } else {
      }
      %ge3A_205 = arith.constant 4 : i32
      %ge3A_206 = arith.cmpi sge, %add3A_185, %ge3A_205 : i32
      %sub3A_207 = arith.constant 128 : i32
      %sub3A_208 = arith.subi %add3A_188, %sub3A_207 : i32
      %lt3A_209 = arith.constant 1584 : i32
      %lt3A_210 = arith.cmpi slt, %sub3A_208, %lt3A_209 : i32
      %and3A_211 = arith.andi %ge3A_206, %lt3A_210 : i1
      %convert_element_type3A_212 = arith.extui %and3A_211 : i1 to i32
      %cond3A_213 = arith.constant 0 : i32
      %cond3A_214 = arith.cmpi ne, %convert_element_type3A_212, %cond3A_213 : i32
      scf.if %cond3A_214 {
        %mul3A_218 = arith.constant 32 : i32
        %mul3A_219 = arith.muli %max3A_194, %mul3A_218 : i32
        %add3A_220 = arith.addi %add3A, %mul3A_219 : i32
        %shift_right_logical3A_221 = arith.constant 4 : i32
        %shift_right_logical3A_222 = arith.shrui %add3A_220, %shift_right_logical3A_221 : i32
        %and3A_223 = arith.constant 15 : i32
        %and3A_224 = arith.andi %add3A_220, %and3A_223 : i32
        %mul3A_225 = arith.constant 8 : i32
        %mul3A_226 = arith.muli %and3A_224, %mul3A_225 : i32
        %dma_wait3A = arith.constant 0 : i32
        %dma_wait3A_227 = tpu.memref_slice %arg3[%shift_right_logical3A_222, %mul3A_226, %dma_wait3A] : memref<99x128x512xf32, #tpu.memory_space<hbm>> -> memref<1x8x512xf32, #tpu.memory_space<hbm>>
        %dma_wait3A_228 = tpu.memref_squeeze %dma_wait3A_227 : memref<1x8x512xf32, #tpu.memory_space<hbm>> -> memref<8x512xf32, #tpu.memory_space<hbm>>
        %dma_wait3A_229 = arith.constant 0 : i32
        %dma_wait3A_230 = tpu.memref_slice %arg3[%shift_right_logical3A_222, %mul3A_226, %dma_wait3A_229] : memref<99x128x512xf32, #tpu.memory_space<hbm>> -> memref<1x8x512xf32, #tpu.memory_space<hbm>>
        %dma_wait3A_231 = tpu.memref_squeeze %dma_wait3A_230 : memref<1x8x512xf32, #tpu.memory_space<hbm>> -> memref<8x512xf32, #tpu.memory_space<hbm>>
        tpu.wait_dma2 semaphore(%arg19 : memref<!tpu.dma_semaphore, #tpu.memory_space<semaphore_mem>>) src(%arg11 : memref<8x512xf32, #tpu.memory_space<vmem>>) dst(%dma_wait3A_231 : memref<8x512xf32, #tpu.memory_space<hbm>>)
      } else {
      }
      %convert_element_type3A_215 = arith.extui %lt3A_190 : i1 to i32
      %cond3A_216 = arith.constant 0 : i32
      %cond3A_217 = arith.cmpi ne, %convert_element_type3A_215, %cond3A_216 : i32
      scf.if %cond3A_217 {
        %scan3A_218 = arith.constant 0 : i32
        %scan3A_219 = arith.constant 0 : i32
        %scan3A_220 = arith.constant 8 : i32
        %scan3A_221 = arith.addi %scan3A_219, %scan3A_220 : i32
        %scan3A_222 = arith.constant 1 : i32
        scf.for %scan3A_239 = %scan3A_219 to %scan3A_221 step %scan3A_222  : i32 {
          %get3A = arith.constant 0 : i32
          %get3A_240 = arith.index_cast %get3A : i32 to index
          %get3A_241 = arith.index_cast %scan3A_239 : i32 to index
          %get3A_242 = arith.constant 0 : index
          %get3A_243 = tpu.vector_load %arg7[%get3A_240, %get3A_241, %get3A_242] {strides = array<i32>} : memref<2x8x512xf32, #tpu.memory_space<vmem>>, vector<16xf32>,
          %get3A_244 = arith.constant 1 : i32
          %get3A_245 = arith.index_cast %get3A_244 : i32 to index
          %get3A_246 = arith.index_cast %scan3A_239 : i32 to index
          %get3A_247 = arith.constant 0 : index
          %get3A_248 = tpu.vector_load %arg7[%get3A_245, %get3A_246, %get3A_247] {strides = array<i32>} : memref<2x8x512xf32, #tpu.memory_space<vmem>>, vector<16xf32>,
          %add3A_249 = arith.addf %get3A_243, %get3A_248 : vector<16xf32>
          %swap3A = arith.index_cast %scan3A_239 : i32 to index
          %swap3A_250 = arith.constant 0 : index
          %swap3A_251 = tpu.vector_load %arg11[%swap3A, %swap3A_250] {strides = array<i32>} : memref<8x512xf32, #tpu.memory_space<vmem>>, vector<16xf32>,
          tpu.vector_store %arg11[%swap3A, %swap3A_250], %add3A_249 {strides = array<i32>} : memref<8x512xf32, #tpu.memory_space<vmem>>, vector<16xf32>,
          %get3A_252 = arith.constant 0 : i32
          %get3A_253 = arith.index_cast %get3A_252 : i32 to index
          %get3A_254 = arith.index_cast %scan3A_239 : i32 to index
          %get3A_255 = arith.constant 16 : index
          %get3A_256 = tpu.vector_load %arg7[%get3A_253, %get3A_254, %get3A_255] {strides = array<i32>} : memref<2x8x512xf32, #tpu.memory_space<vmem>>, vector<16xf32>,
          %get3A_257 = arith.constant 1 : i32
          %get3A_258 = arith.index_cast %get3A_257 : i32 to index
          %get3A_259 = arith.index_cast %scan3A_239 : i32 to index
          %get3A_260 = arith.constant 16 : index
          %get3A_261 = tpu.vector_load %arg7[%get3A_258, %get3A_259, %get3A_260] {strides = array<i32>} : memref<2x8x512xf32, #tpu.memory_space<vmem>>, vector<16xf32>,
          %add3A_262 = arith.addf %get3A_256, %get3A_261 : vector<16xf32>
          %swap3A_263 = arith.index_cast %scan3A_239 : i32 to index
          %swap3A_264 = arith.constant 16 : index
          %swap3A_265 = tpu.vector_load %arg11[%swap3A_263, %swap3A_264] {strides = array<i32>} : memref<8x512xf32, #tpu.memory_space<vmem>>, vector<16xf32>,
          tpu.vector_store %arg11[%swap3A_263, %swap3A_264], %add3A_262 {strides = array<i32>} : memref<8x512xf32, #tpu.memory_space<vmem>>, vector<16xf32>,
          %get3A_266 = arith.constant 0 : i32
          %get3A_267 = arith.index_cast %get3A_266 : i32 to index
          %get3A_268 = arith.index_cast %scan3A_239 : i32 to index
          %get3A_269 = arith.constant 32 : index
          %get3A_270 = tpu.vector_load %arg7[%get3A_267, %get3A_268, %get3A_269] {strides = array<i32>} : memref<2x8x512xf32, #tpu.memory_space<vmem>>, vector<16xf32>,
          %get3A_271 = arith.constant 1 : i32
          %get3A_272 = arith.index_cast %get3A_271 : i32 to index
          %get3A_273 = arith.index_cast %scan3A_239 : i32 to index
          %get3A_274 = arith.constant 32 : index
          %get3A_275 = tpu.vector_load %arg7[%get3A_272, %get3A_273, %get3A_274] {strides = array<i32>} : memref<2x8x512xf32, #tpu.memory_space<vmem>>, vector<16xf32>,
          %add3A_276 = arith.addf %get3A_270, %get3A_275 : vector<16xf32>
          %swap3A_277 = arith.index_cast %scan3A_239 : i32 to index
          %swap3A_278 = arith.constant 32 : index
          %swap3A_279 = tpu.vector_load %arg11[%swap3A_277, %swap3A_278] {strides = array<i32>} : memref<8x512xf32, #tpu.memory_space<vmem>>, vector<16xf32>,
          tpu.vector_store %arg11[%swap3A_277, %swap3A_278], %add3A_276 {strides = array<i32>} : memref<8x512xf32, #tpu.memory_space<vmem>>, vector<16xf32>,
          %get3A_280 = arith.constant 0 : i32
          %get3A_281 = arith.index_cast %get3A_280 : i32 to index
          %get3A_282 = arith.index_cast %scan3A_239 : i32 to index
          %get3A_283 = arith.constant 48 : index
          %get3A_284 = tpu.vector_load %arg7[%get3A_281, %get3A_282, %get3A_283] {strides = array<i32>} : memref<2x8x512xf32, #tpu.memory_space<vmem>>, vector<16xf32>,
          %get3A_285 = arith.constant 1 : i32
          %get3A_286 = arith.index_cast %get3A_285 : i32 to index
          %get3A_287 = arith.index_cast %scan3A_239 : i32 to index
          %get3A_288 = arith.constant 48 : index
          %get3A_289 = tpu.vector_load %arg7[%get3A_286, %get3A_287, %get3A_288] {strides = array<i32>} : memref<2x8x512xf32, #tpu.memory_space<vmem>>, vector<16xf32>,
          %add3A_290 = arith.addf %get3A_284, %get3A_289 : vector<16xf32>
          %swap3A_291 = arith.index_cast %scan3A_239 : i32 to index
          %swap3A_292 = arith.constant 48 : index
          %swap3A_293 = tpu.vector_load %arg11[%swap3A_291, %swap3A_292] {strides = array<i32>} : memref<8x512xf32, #tpu.memory_space<vmem>>, vector<16xf32>,
          tpu.vector_store %arg11[%swap3A_291, %swap3A_292], %add3A_290 {strides = array<i32>} : memref<8x512xf32, #tpu.memory_space<vmem>>, vector<16xf32>,
          %get3A_294 = arith.constant 0 : i32
          %get3A_295 = arith.index_cast %get3A_294 : i32 to index
          %get3A_296 = arith.index_cast %scan3A_239 : i32 to index
          %get3A_297 = arith.constant 64 : index
          %get3A_298 = tpu.vector_load %arg7[%get3A_295, %get3A_296, %get3A_297] {strides = array<i32>} : memref<2x8x512xf32, #tpu.memory_space<vmem>>, vector<16xf32>,
          %get3A_299 = arith.constant 1 : i32
          %get3A_300 = arith.index_cast %get3A_299 : i32 to index
          %get3A_301 = arith.index_cast %scan3A_239 : i32 to index
          %get3A_302 = arith.constant 64 : index
          %get3A_303 = tpu.vector_load %arg7[%get3A_300, %get3A_301, %get3A_302] {strides = array<i32>} : memref<2x8x512xf32, #tpu.memory_space<vmem>>, vector<16xf32>,
          %add3A_304 = arith.addf %get3A_298, %get3A_303 : vector<16xf32>
          %swap3A_305 = arith.index_cast %scan3A_239 : i32 to index
          %swap3A_306 = arith.constant 64 : index
          %swap3A_307 = tpu.vector_load %arg11[%swap3A_305, %swap3A_306] {strides = array<i32>} : memref<8x512xf32, #tpu.memory_space<vmem>>, vector<16xf32>,
          tpu.vector_store %arg11[%swap3A_305, %swap3A_306], %add3A_304 {strides = array<i32>} : memref<8x512xf32, #tpu.memory_space<vmem>>, vector<16xf32>,
          %get3A_308 = arith.constant 0 : i32
          %get3A_309 = arith.index_cast %get3A_308 : i32 to index
          %get3A_310 = arith.index_cast %scan3A_239 : i32 to index
          %get3A_311 = arith.constant 80 : index
          %get3A_312 = tpu.vector_load %arg7[%get3A_309, %get3A_310, %get3A_311] {strides = array<i32>} : memref<2x8x512xf32, #tpu.memory_space<vmem>>, vector<16xf32>,
          %get3A_313 = arith.constant 1 : i32
          %get3A_314 = arith.index_cast %get3A_313 : i32 to index
          %get3A_315 = arith.index_cast %scan3A_239 : i32 to index
          %get3A_316 = arith.constant 80 : index
          %get3A_317 = tpu.vector_load %arg7[%get3A_314, %get3A_315, %get3A_316] {strides = array<i32>} : memref<2x8x512xf32, #tpu.memory_space<vmem>>, vector<16xf32>,
          %add3A_318 = arith.addf %get3A_312, %get3A_317 : vector<16xf32>
          %swap3A_319 = arith.index_cast %scan3A_239 : i32 to index
          %swap3A_320 = arith.constant 80 : index
          %swap3A_321 = tpu.vector_load %arg11[%swap3A_319, %swap3A_320] {strides = array<i32>} : memref<8x512xf32, #tpu.memory_space<vmem>>, vector<16xf32>,
          tpu.vector_store %arg11[%swap3A_319, %swap3A_320], %add3A_318 {strides = array<i32>} : memref<8x512xf32, #tpu.memory_space<vmem>>, vector<16xf32>,
          %get3A_322 = arith.constant 0 : i32
          %get3A_323 = arith.index_cast %get3A_322 : i32 to index
          %get3A_324 = arith.index_cast %scan3A_239 : i32 to index
          %get3A_325 = arith.constant 96 : index
          %get3A_326 = tpu.vector_load %arg7[%get3A_323, %get3A_324, %get3A_325] {strides = array<i32>} : memref<2x8x512xf32, #tpu.memory_space<vmem>>, vector<16xf32>,
          %get3A_327 = arith.constant 1 : i32
          %get3A_328 = arith.index_cast %get3A_327 : i32 to index
          %get3A_329 = arith.index_cast %scan3A_239 : i32 to index
          %get3A_330 = arith.constant 96 : index
          %get3A_331 = tpu.vector_load %arg7[%get3A_328, %get3A_329, %get3A_330] {strides = array<i32>} : memref<2x8x512xf32, #tpu.memory_space<vmem>>, vector<16xf32>,
          %add3A_332 = arith.addf %get3A_326, %get3A_331 : vector<16xf32>
          %swap3A_333 = arith.index_cast %scan3A_239 : i32 to index
          %swap3A_334 = arith.constant 96 : index
          %swap3A_335 = tpu.vector_load %arg11[%swap3A_333, %swap3A_334] {strides = array<i32>} : memref<8x512xf32, #tpu.memory_space<vmem>>, vector<16xf32>,
          tpu.vector_store %arg11[%swap3A_333, %swap3A_334], %add3A_332 {strides = array<i32>} : memref<8x512xf32, #tpu.memory_space<vmem>>, vector<16xf32>,
          %get3A_336 = arith.constant 0 : i32
          %get3A_337 = arith.index_cast %get3A_336 : i32 to index
          %get3A_338 = arith.index_cast %scan3A_239 : i32 to index
          %get3A_339 = arith.constant 112 : index
          %get3A_340 = tpu.vector_load %arg7[%get3A_337, %get3A_338, %get3A_339] {strides = array<i32>} : memref<2x8x512xf32, #tpu.memory_space<vmem>>, vector<16xf32>,
          %get3A_341 = arith.constant 1 : i32
          %get3A_342 = arith.index_cast %get3A_341 : i32 to index
          %get3A_343 = arith.index_cast %scan3A_239 : i32 to index
          %get3A_344 = arith.constant 112 : index
          %get3A_345 = tpu.vector_load %arg7[%get3A_342, %get3A_343, %get3A_344] {strides = array<i32>} : memref<2x8x512xf32, #tpu.memory_space<vmem>>, vector<16xf32>,
          %add3A_346 = arith.addf %get3A_340, %get3A_345 : vector<16xf32>
          %swap3A_347 = arith.index_cast %scan3A_239 : i32 to index
          %swap3A_348 = arith.constant 112 : index
          %swap3A_349 = tpu.vector_load %arg11[%swap3A_347, %swap3A_348] {strides = array<i32>} : memref<8x512xf32, #tpu.memory_space<vmem>>, vector<16xf32>,
          tpu.vector_store %arg11[%swap3A_347, %swap3A_348], %add3A_346 {strides = array<i32>} : memref<8x512xf32, #tpu.memory_space<vmem>>, vector<16xf32>,
          %get3A_350 = arith.constant 0 : i32
          %get3A_351 = arith.index_cast %get3A_350 : i32 to index
          %get3A_352 = arith.index_cast %scan3A_239 : i32 to index
          %get3A_353 = arith.constant 128 : index
          %get3A_354 = tpu.vector_load %arg7[%get3A_351, %get3A_352, %get3A_353] {strides = array<i32>} : memref<2x8x512xf32, #tpu.memory_space<vmem>>, vector<16xf32>,
          %get3A_355 = arith.constant 1 : i32
          %get3A_356 = arith.index_cast %get3A_355 : i32 to index
          %get3A_357 = arith.index_cast %scan3A_239 : i32 to index
          %get3A_358 = arith.constant 128 : index
          %get3A_359 = tpu.vector_load %arg7[%get3A_356, %get3A_357, %get3A_358] {strides = array<i32>} : memref<2x8x512xf32, #tpu.memory_space<vmem>>, vector<16xf32>,
          %add3A_360 = arith.addf %get3A_354, %get3A_359 : vector<16xf32>
          %swap3A_361 = arith.index_cast %scan3A_239 : i32 to index
          %swap3A_362 = arith.constant 128 : index
          %swap3A_363 = tpu.vector_load %arg11[%swap3A_361, %swap3A_362] {strides = array<i32>} : memref<8x512xf32, #tpu.memory_space<vmem>>, vector<16xf32>,
          tpu.vector_store %arg11[%swap3A_361, %swap3A_362], %add3A_360 {strides = array<i32>} : memref<8x512xf32, #tpu.memory_space<vmem>>, vector<16xf32>,
          %get3A_364 = arith.constant 0 : i32
          %get3A_365 = arith.index_cast %get3A_364 : i32 to index
          %get3A_366 = arith.index_cast %scan3A_239 : i32 to index
          %get3A_367 = arith.constant 144 : index
          %get3A_368 = tpu.vector_load %arg7[%get3A_365, %get3A_366, %get3A_367] {strides = array<i32>} : memref<2x8x512xf32, #tpu.memory_space<vmem>>, vector<16xf32>,
          %get3A_369 = arith.constant 1 : i32
          %get3A_370 = arith.index_cast %get3A_369 : i32 to index
          %get3A_371 = arith.index_cast %scan3A_239 : i32 to index
          %get3A_372 = arith.constant 144 : index
          %get3A_373 = tpu.vector_load %arg7[%get3A_370, %get3A_371, %get3A_372] {strides = array<i32>} : memref<2x8x512xf32, #tpu.memory_space<vmem>>, vector<16xf32>,
          %add3A_374 = arith.addf %get3A_368, %get3A_373 : vector<16xf32>
          %swap3A_375 = arith.index_cast %scan3A_239 : i32 to index
          %swap3A_376 = arith.constant 144 : index
          %swap3A_377 = tpu.vector_load %arg11[%swap3A_375, %swap3A_376] {strides = array<i32>} : memref<8x512xf32, #tpu.memory_space<vmem>>, vector<16xf32>,
          tpu.vector_store %arg11[%swap3A_375, %swap3A_376], %add3A_374 {strides = array<i32>} : memref<8x512xf32, #tpu.memory_space<vmem>>, vector<16xf32>,
          %get3A_378 = arith.constant 0 : i32
          %get3A_379 = arith.index_cast %get3A_378 : i32 to index
          %get3A_380 = arith.index_cast %scan3A_239 : i32 to index
          %get3A_381 = arith.constant 160 : index
          %get3A_382 = tpu.vector_load %arg7[%get3A_379, %get3A_380, %get3A_381] {strides = array<i32>} : memref<2x8x512xf32, #tpu.memory_space<vmem>>, vector<16xf32>,
          %get3A_383 = arith.constant 1 : i32
          %get3A_384 = arith.index_cast %get3A_383 : i32 to index
          %get3A_385 = arith.index_cast %scan3A_239 : i32 to index
          %get3A_386 = arith.constant 160 : index
          %get3A_387 = tpu.vector_load %arg7[%get3A_384, %get3A_385, %get3A_386] {strides = array<i32>} : memref<2x8x512xf32, #tpu.memory_space<vmem>>, vector<16xf32>,
          %add3A_388 = arith.addf %get3A_382, %get3A_387 : vector<16xf32>
          %swap3A_389 = arith.index_cast %scan3A_239 : i32 to index
          %swap3A_390 = arith.constant 160 : index
          %swap3A_391 = tpu.vector_load %arg11[%swap3A_389, %swap3A_390] {strides = array<i32>} : memref<8x512xf32, #tpu.memory_space<vmem>>, vector<16xf32>,
          tpu.vector_store %arg11[%swap3A_389, %swap3A_390], %add3A_388 {strides = array<i32>} : memref<8x512xf32, #tpu.memory_space<vmem>>, vector<16xf32>,
          %get3A_392 = arith.constant 0 : i32
          %get3A_393 = arith.index_cast %get3A_392 : i32 to index
          %get3A_394 = arith.index_cast %scan3A_239 : i32 to index
          %get3A_395 = arith.constant 176 : index
          %get3A_396 = tpu.vector_load %arg7[%get3A_393, %get3A_394, %get3A_395] {strides = array<i32>} : memref<2x8x512xf32, #tpu.memory_space<vmem>>, vector<16xf32>,
          %get3A_397 = arith.constant 1 : i32
          %get3A_398 = arith.index_cast %get3A_397 : i32 to index
          %get3A_399 = arith.index_cast %scan3A_239 : i32 to index
          %get3A_400 = arith.constant 176 : index
          %get3A_401 = tpu.vector_load %arg7[%get3A_398, %get3A_399, %get3A_400] {strides = array<i32>} : memref<2x8x512xf32, #tpu.memory_space<vmem>>, vector<16xf32>,
          %add3A_402 = arith.addf %get3A_396, %get3A_401 : vector<16xf32>
          %swap3A_403 = arith.index_cast %scan3A_239 : i32 to index
          %swap3A_404 = arith.constant 176 : index
          %swap3A_405 = tpu.vector_load %arg11[%swap3A_403, %swap3A_404] {strides = array<i32>} : memref<8x512xf32, #tpu.memory_space<vmem>>, vector<16xf32>,
          tpu.vector_store %arg11[%swap3A_403, %swap3A_404], %add3A_402 {strides = array<i32>} : memref<8x512xf32, #tpu.memory_space<vmem>>, vector<16xf32>,
          %get3A_406 = arith.constant 0 : i32
          %get3A_407 = arith.index_cast %get3A_406 : i32 to index
          %get3A_408 = arith.index_cast %scan3A_239 : i32 to index
          %get3A_409 = arith.constant 192 : index
          %get3A_410 = tpu.vector_load %arg7[%get3A_407, %get3A_408, %get3A_409] {strides = array<i32>} : memref<2x8x512xf32, #tpu.memory_space<vmem>>, vector<16xf32>,
          %get3A_411 = arith.constant 1 : i32
          %get3A_412 = arith.index_cast %get3A_411 : i32 to index
          %get3A_413 = arith.index_cast %scan3A_239 : i32 to index
          %get3A_414 = arith.constant 192 : index
          %get3A_415 = tpu.vector_load %arg7[%get3A_412, %get3A_413, %get3A_414] {strides = array<i32>} : memref<2x8x512xf32, #tpu.memory_space<vmem>>, vector<16xf32>,
          %add3A_416 = arith.addf %get3A_410, %get3A_415 : vector<16xf32>
          %swap3A_417 = arith.index_cast %scan3A_239 : i32 to index
          %swap3A_418 = arith.constant 192 : index
          %swap3A_419 = tpu.vector_load %arg11[%swap3A_417, %swap3A_418] {strides = array<i32>} : memref<8x512xf32, #tpu.memory_space<vmem>>, vector<16xf32>,
          tpu.vector_store %arg11[%swap3A_417, %swap3A_418], %add3A_416 {strides = array<i32>} : memref<8x512xf32, #tpu.memory_space<vmem>>, vector<16xf32>,
          %get3A_420 = arith.constant 0 : i32
          %get3A_421 = arith.index_cast %get3A_420 : i32 to index
          %get3A_422 = arith.index_cast %scan3A_239 : i32 to index
          %get3A_423 = arith.constant 208 : index
          %get3A_424 = tpu.vector_load %arg7[%get3A_421, %get3A_422, %get3A_423] {strides = array<i32>} : memref<2x8x512xf32, #tpu.memory_space<vmem>>, vector<16xf32>,
          %get3A_425 = arith.constant 1 : i32
          %get3A_426 = arith.index_cast %get3A_425 : i32 to index
          %get3A_427 = arith.index_cast %scan3A_239 : i32 to index
          %get3A_428 = arith.constant 208 : index
          %get3A_429 = tpu.vector_load %arg7[%get3A_426, %get3A_427, %get3A_428] {strides = array<i32>} : memref<2x8x512xf32, #tpu.memory_space<vmem>>, vector<16xf32>,
          %add3A_430 = arith.addf %get3A_424, %get3A_429 : vector<16xf32>
          %swap3A_431 = arith.index_cast %scan3A_239 : i32 to index
          %swap3A_432 = arith.constant 208 : index
          %swap3A_433 = tpu.vector_load %arg11[%swap3A_431, %swap3A_432] {strides = array<i32>} : memref<8x512xf32, #tpu.memory_space<vmem>>, vector<16xf32>,
          tpu.vector_store %arg11[%swap3A_431, %swap3A_432], %add3A_430 {strides = array<i32>} : memref<8x512xf32, #tpu.memory_space<vmem>>, vector<16xf32>,
          %get3A_434 = arith.constant 0 : i32
          %get3A_435 = arith.index_cast %get3A_434 : i32 to index
          %get3A_436 = arith.index_cast %scan3A_239 : i32 to index
          %get3A_437 = arith.constant 224 : index
          %get3A_438 = tpu.vector_load %arg7[%get3A_435, %get3A_436, %get3A_437] {strides = array<i32>} : memref<2x8x512xf32, #tpu.memory_space<vmem>>, vector<16xf32>,
          %get3A_439 = arith.constant 1 : i32
          %get3A_440 = arith.index_cast %get3A_439 : i32 to index
          %get3A_441 = arith.index_cast %scan3A_239 : i32 to index
          %get3A_442 = arith.constant 224 : index
          %get3A_443 = tpu.vector_load %arg7[%get3A_440, %get3A_441, %get3A_442] {strides = array<i32>} : memref<2x8x512xf32, #tpu.memory_space<vmem>>, vector<16xf32>,
          %add3A_444 = arith.addf %get3A_438, %get3A_443 : vector<16xf32>
          %swap3A_445 = arith.index_cast %scan3A_239 : i32 to index
          %swap3A_446 = arith.constant 224 : index
          %swap3A_447 = tpu.vector_load %arg11[%swap3A_445, %swap3A_446] {strides = array<i32>} : memref<8x512xf32, #tpu.memory_space<vmem>>, vector<16xf32>,
          tpu.vector_store %arg11[%swap3A_445, %swap3A_446], %add3A_444 {strides = array<i32>} : memref<8x512xf32, #tpu.memory_space<vmem>>, vector<16xf32>,
          %get3A_448 = arith.constant 0 : i32
          %get3A_449 = arith.index_cast %get3A_448 : i32 to index
          %get3A_450 = arith.index_cast %scan3A_239 : i32 to index
          %get3A_451 = arith.constant 240 : index
          %get3A_452 = tpu.vector_load %arg7[%get3A_449, %get3A_450, %get3A_451] {strides = array<i32>} : memref<2x8x512xf32, #tpu.memory_space<vmem>>, vector<16xf32>,
          %get3A_453 = arith.constant 1 : i32
          %get3A_454 = arith.index_cast %get3A_453 : i32 to index
          %get3A_455 = arith.index_cast %scan3A_239 : i32 to index
          %get3A_456 = arith.constant 240 : index
          %get3A_457 = tpu.vector_load %arg7[%get3A_454, %get3A_455, %get3A_456] {strides = array<i32>} : memref<2x8x512xf32, #tpu.memory_space<vmem>>, vector<16xf32>,
          %add3A_458 = arith.addf %get3A_452, %get3A_457 : vector<16xf32>
          %swap3A_459 = arith.index_cast %scan3A_239 : i32 to index
          %swap3A_460 = arith.constant 240 : index
          %swap3A_461 = tpu.vector_load %arg11[%swap3A_459, %swap3A_460] {strides = array<i32>} : memref<8x512xf32, #tpu.memory_space<vmem>>, vector<16xf32>,
          tpu.vector_store %arg11[%swap3A_459, %swap3A_460], %add3A_458 {strides = array<i32>} : memref<8x512xf32, #tpu.memory_space<vmem>>, vector<16xf32>,
          %get3A_462 = arith.constant 0 : i32
          %get3A_463 = arith.index_cast %get3A_462 : i32 to index
          %get3A_464 = arith.index_cast %scan3A_239 : i32 to index
          %get3A_465 = arith.constant 256 : index
          %get3A_466 = tpu.vector_load %arg7[%get3A_463, %get3A_464, %get3A_465] {strides = array<i32>} : memref<2x8x512xf32, #tpu.memory_space<vmem>>, vector<16xf32>,
          %get3A_467 = arith.constant 1 : i32
          %get3A_468 = arith.index_cast %get3A_467 : i32 to index
          %get3A_469 = arith.index_cast %scan3A_239 : i32 to index
          %get3A_470 = arith.constant 256 : index
          %get3A_471 = tpu.vector_load %arg7[%get3A_468, %get3A_469, %get3A_470] {strides = array<i32>} : memref<2x8x512xf32, #tpu.memory_space<vmem>>, vector<16xf32>,
          %add3A_472 = arith.addf %get3A_466, %get3A_471 : vector<16xf32>
          %swap3A_473 = arith.index_cast %scan3A_239 : i32 to index
          %swap3A_474 = arith.constant 256 : index
          %swap3A_475 = tpu.vector_load %arg11[%swap3A_473, %swap3A_474] {strides = array<i32>} : memref<8x512xf32, #tpu.memory_space<vmem>>, vector<16xf32>,
          tpu.vector_store %arg11[%swap3A_473, %swap3A_474], %add3A_472 {strides = array<i32>} : memref<8x512xf32, #tpu.memory_space<vmem>>, vector<16xf32>,
          %get3A_476 = arith.constant 0 : i32
          %get3A_477 = arith.index_cast %get3A_476 : i32 to index
          %get3A_478 = arith.index_cast %scan3A_239 : i32 to index
          %get3A_479 = arith.constant 272 : index
          %get3A_480 = tpu.vector_load %arg7[%get3A_477, %get3A_478, %get3A_479] {strides = array<i32>} : memref<2x8x512xf32, #tpu.memory_space<vmem>>, vector<16xf32>,
          %get3A_481 = arith.constant 1 : i32
          %get3A_482 = arith.index_cast %get3A_481 : i32 to index
          %get3A_483 = arith.index_cast %scan3A_239 : i32 to index
          %get3A_484 = arith.constant 272 : index
          %get3A_485 = tpu.vector_load %arg7[%get3A_482, %get3A_483, %get3A_484] {strides = array<i32>} : memref<2x8x512xf32, #tpu.memory_space<vmem>>, vector<16xf32>,
          %add3A_486 = arith.addf %get3A_480, %get3A_485 : vector<16xf32>
          %swap3A_487 = arith.index_cast %scan3A_239 : i32 to index
          %swap3A_488 = arith.constant 272 : index
          %swap3A_489 = tpu.vector_load %arg11[%swap3A_487, %swap3A_488] {strides = array<i32>} : memref<8x512xf32, #tpu.memory_space<vmem>>, vector<16xf32>,
          tpu.vector_store %arg11[%swap3A_487, %swap3A_488], %add3A_486 {strides = array<i32>} : memref<8x512xf32, #tpu.memory_space<vmem>>, vector<16xf32>,
          %get3A_490 = arith.constant 0 : i32
          %get3A_491 = arith.index_cast %get3A_490 : i32 to index
          %get3A_492 = arith.index_cast %scan3A_239 : i32 to index
          %get3A_493 = arith.constant 288 : index
          %get3A_494 = tpu.vector_load %arg7[%get3A_491, %get3A_492, %get3A_493] {strides = array<i32>} : memref<2x8x512xf32, #tpu.memory_space<vmem>>, vector<16xf32>,
          %get3A_495 = arith.constant 1 : i32
          %get3A_496 = arith.index_cast %get3A_495 : i32 to index
          %get3A_497 = arith.index_cast %scan3A_239 : i32 to index
          %get3A_498 = arith.constant 288 : index
          %get3A_499 = tpu.vector_load %arg7[%get3A_496, %get3A_497, %get3A_498] {strides = array<i32>} : memref<2x8x512xf32, #tpu.memory_space<vmem>>, vector<16xf32>,
          %add3A_500 = arith.addf %get3A_494, %get3A_499 : vector<16xf32>
          %swap3A_501 = arith.index_cast %scan3A_239 : i32 to index
          %swap3A_502 = arith.constant 288 : index
          %swap3A_503 = tpu.vector_load %arg11[%swap3A_501, %swap3A_502] {strides = array<i32>} : memref<8x512xf32, #tpu.memory_space<vmem>>, vector<16xf32>,
          tpu.vector_store %arg11[%swap3A_501, %swap3A_502], %add3A_500 {strides = array<i32>} : memref<8x512xf32, #tpu.memory_space<vmem>>, vector<16xf32>,
          %get3A_504 = arith.constant 0 : i32
          %get3A_505 = arith.index_cast %get3A_504 : i32 to index
          %get3A_506 = arith.index_cast %scan3A_239 : i32 to index
          %get3A_507 = arith.constant 304 : index
          %get3A_508 = tpu.vector_load %arg7[%get3A_505, %get3A_506, %get3A_507] {strides = array<i32>} : memref<2x8x512xf32, #tpu.memory_space<vmem>>, vector<16xf32>,
          %get3A_509 = arith.constant 1 : i32
          %get3A_510 = arith.index_cast %get3A_509 : i32 to index
          %get3A_511 = arith.index_cast %scan3A_239 : i32 to index
          %get3A_512 = arith.constant 304 : index
          %get3A_513 = tpu.vector_load %arg7[%get3A_510, %get3A_511, %get3A_512] {strides = array<i32>} : memref<2x8x512xf32, #tpu.memory_space<vmem>>, vector<16xf32>,
          %add3A_514 = arith.addf %get3A_508, %get3A_513 : vector<16xf32>
          %swap3A_515 = arith.index_cast %scan3A_239 : i32 to index
          %swap3A_516 = arith.constant 304 : index
          %swap3A_517 = tpu.vector_load %arg11[%swap3A_515, %swap3A_516] {strides = array<i32>} : memref<8x512xf32, #tpu.memory_space<vmem>>, vector<16xf32>,
          tpu.vector_store %arg11[%swap3A_515, %swap3A_516], %add3A_514 {strides = array<i32>} : memref<8x512xf32, #tpu.memory_space<vmem>>, vector<16xf32>,
          %get3A_518 = arith.constant 0 : i32
          %get3A_519 = arith.index_cast %get3A_518 : i32 to index
          %get3A_520 = arith.index_cast %scan3A_239 : i32 to index
          %get3A_521 = arith.constant 320 : index
          %get3A_522 = tpu.vector_load %arg7[%get3A_519, %get3A_520, %get3A_521] {strides = array<i32>} : memref<2x8x512xf32, #tpu.memory_space<vmem>>, vector<16xf32>,
          %get3A_523 = arith.constant 1 : i32
          %get3A_524 = arith.index_cast %get3A_523 : i32 to index
          %get3A_525 = arith.index_cast %scan3A_239 : i32 to index
          %get3A_526 = arith.constant 320 : index
          %get3A_527 = tpu.vector_load %arg7[%get3A_524, %get3A_525, %get3A_526] {strides = array<i32>} : memref<2x8x512xf32, #tpu.memory_space<vmem>>, vector<16xf32>,
          %add3A_528 = arith.addf %get3A_522, %get3A_527 : vector<16xf32>
          %swap3A_529 = arith.index_cast %scan3A_239 : i32 to index
          %swap3A_530 = arith.constant 320 : index
          %swap3A_531 = tpu.vector_load %arg11[%swap3A_529, %swap3A_530] {strides = array<i32>} : memref<8x512xf32, #tpu.memory_space<vmem>>, vector<16xf32>,
          tpu.vector_store %arg11[%swap3A_529, %swap3A_530], %add3A_528 {strides = array<i32>} : memref<8x512xf32, #tpu.memory_space<vmem>>, vector<16xf32>,
          %get3A_532 = arith.constant 0 : i32
          %get3A_533 = arith.index_cast %get3A_532 : i32 to index
          %get3A_534 = arith.index_cast %scan3A_239 : i32 to index
          %get3A_535 = arith.constant 336 : index
          %get3A_536 = tpu.vector_load %arg7[%get3A_533, %get3A_534, %get3A_535] {strides = array<i32>} : memref<2x8x512xf32, #tpu.memory_space<vmem>>, vector<16xf32>,
          %get3A_537 = arith.constant 1 : i32
          %get3A_538 = arith.index_cast %get3A_537 : i32 to index
          %get3A_539 = arith.index_cast %scan3A_239 : i32 to index
          %get3A_540 = arith.constant 336 : index
          %get3A_541 = tpu.vector_load %arg7[%get3A_538, %get3A_539, %get3A_540] {strides = array<i32>} : memref<2x8x512xf32, #tpu.memory_space<vmem>>, vector<16xf32>,
          %add3A_542 = arith.addf %get3A_536, %get3A_541 : vector<16xf32>
          %swap3A_543 = arith.index_cast %scan3A_239 : i32 to index
          %swap3A_544 = arith.constant 336 : index
          %swap3A_545 = tpu.vector_load %arg11[%swap3A_543, %swap3A_544] {strides = array<i32>} : memref<8x512xf32, #tpu.memory_space<vmem>>, vector<16xf32>,
          tpu.vector_store %arg11[%swap3A_543, %swap3A_544], %add3A_542 {strides = array<i32>} : memref<8x512xf32, #tpu.memory_space<vmem>>, vector<16xf32>,
          %get3A_546 = arith.constant 0 : i32
          %get3A_547 = arith.index_cast %get3A_546 : i32 to index
          %get3A_548 = arith.index_cast %scan3A_239 : i32 to index
          %get3A_549 = arith.constant 352 : index
          %get3A_550 = tpu.vector_load %arg7[%get3A_547, %get3A_548, %get3A_549] {strides = array<i32>} : memref<2x8x512xf32, #tpu.memory_space<vmem>>, vector<16xf32>,
          %get3A_551 = arith.constant 1 : i32
          %get3A_552 = arith.index_cast %get3A_551 : i32 to index
          %get3A_553 = arith.index_cast %scan3A_239 : i32 to index
          %get3A_554 = arith.constant 352 : index
          %get3A_555 = tpu.vector_load %arg7[%get3A_552, %get3A_553, %get3A_554] {strides = array<i32>} : memref<2x8x512xf32, #tpu.memory_space<vmem>>, vector<16xf32>,
          %add3A_556 = arith.addf %get3A_550, %get3A_555 : vector<16xf32>
          %swap3A_557 = arith.index_cast %scan3A_239 : i32 to index
          %swap3A_558 = arith.constant 352 : index
          %swap3A_559 = tpu.vector_load %arg11[%swap3A_557, %swap3A_558] {strides = array<i32>} : memref<8x512xf32, #tpu.memory_space<vmem>>, vector<16xf32>,
          tpu.vector_store %arg11[%swap3A_557, %swap3A_558], %add3A_556 {strides = array<i32>} : memref<8x512xf32, #tpu.memory_space<vmem>>, vector<16xf32>,
          %get3A_560 = arith.constant 0 : i32
          %get3A_561 = arith.index_cast %get3A_560 : i32 to index
          %get3A_562 = arith.index_cast %scan3A_239 : i32 to index
          %get3A_563 = arith.constant 368 : index
          %get3A_564 = tpu.vector_load %arg7[%get3A_561, %get3A_562, %get3A_563] {strides = array<i32>} : memref<2x8x512xf32, #tpu.memory_space<vmem>>, vector<16xf32>,
          %get3A_565 = arith.constant 1 : i32
          %get3A_566 = arith.index_cast %get3A_565 : i32 to index
          %get3A_567 = arith.index_cast %scan3A_239 : i32 to index
          %get3A_568 = arith.constant 368 : index
          %get3A_569 = tpu.vector_load %arg7[%get3A_566, %get3A_567, %get3A_568] {strides = array<i32>} : memref<2x8x512xf32, #tpu.memory_space<vmem>>, vector<16xf32>,
          %add3A_570 = arith.addf %get3A_564, %get3A_569 : vector<16xf32>
          %swap3A_571 = arith.index_cast %scan3A_239 : i32 to index
          %swap3A_572 = arith.constant 368 : index
          %swap3A_573 = tpu.vector_load %arg11[%swap3A_571, %swap3A_572] {strides = array<i32>} : memref<8x512xf32, #tpu.memory_space<vmem>>, vector<16xf32>,
          tpu.vector_store %arg11[%swap3A_571, %swap3A_572], %add3A_570 {strides = array<i32>} : memref<8x512xf32, #tpu.memory_space<vmem>>, vector<16xf32>,
          %get3A_574 = arith.constant 0 : i32
          %get3A_575 = arith.index_cast %get3A_574 : i32 to index
          %get3A_576 = arith.index_cast %scan3A_239 : i32 to index
          %get3A_577 = arith.constant 384 : index
          %get3A_578 = tpu.vector_load %arg7[%get3A_575, %get3A_576, %get3A_577] {strides = array<i32>} : memref<2x8x512xf32, #tpu.memory_space<vmem>>, vector<16xf32>,
          %get3A_579 = arith.constant 1 : i32
          %get3A_580 = arith.index_cast %get3A_579 : i32 to index
          %get3A_581 = arith.index_cast %scan3A_239 : i32 to index
          %get3A_582 = arith.constant 384 : index
          %get3A_583 = tpu.vector_load %arg7[%get3A_580, %get3A_581, %get3A_582] {strides = array<i32>} : memref<2x8x512xf32, #tpu.memory_space<vmem>>, vector<16xf32>,
          %add3A_584 = arith.addf %get3A_578, %get3A_583 : vector<16xf32>
          %swap3A_585 = arith.index_cast %scan3A_239 : i32 to index
          %swap3A_586 = arith.constant 384 : index
          %swap3A_587 = tpu.vector_load %arg11[%swap3A_585, %swap3A_586] {strides = array<i32>} : memref<8x512xf32, #tpu.memory_space<vmem>>, vector<16xf32>,
          tpu.vector_store %arg11[%swap3A_585, %swap3A_586], %add3A_584 {strides = array<i32>} : memref<8x512xf32, #tpu.memory_space<vmem>>, vector<16xf32>,
          %get3A_588 = arith.constant 0 : i32
          %get3A_589 = arith.index_cast %get3A_588 : i32 to index
          %get3A_590 = arith.index_cast %scan3A_239 : i32 to index
          %get3A_591 = arith.constant 400 : index
          %get3A_592 = tpu.vector_load %arg7[%get3A_589, %get3A_590, %get3A_591] {strides = array<i32>} : memref<2x8x512xf32, #tpu.memory_space<vmem>>, vector<16xf32>,
          %get3A_593 = arith.constant 1 : i32
          %get3A_594 = arith.index_cast %get3A_593 : i32 to index
          %get3A_595 = arith.index_cast %scan3A_239 : i32 to index
          %get3A_596 = arith.constant 400 : index
          %get3A_597 = tpu.vector_load %arg7[%get3A_594, %get3A_595, %get3A_596] {strides = array<i32>} : memref<2x8x512xf32, #tpu.memory_space<vmem>>, vector<16xf32>,
          %add3A_598 = arith.addf %get3A_592, %get3A_597 : vector<16xf32>
          %swap3A_599 = arith.index_cast %scan3A_239 : i32 to index
          %swap3A_600 = arith.constant 400 : index
          %swap3A_601 = tpu.vector_load %arg11[%swap3A_599, %swap3A_600] {strides = array<i32>} : memref<8x512xf32, #tpu.memory_space<vmem>>, vector<16xf32>,
          tpu.vector_store %arg11[%swap3A_599, %swap3A_600], %add3A_598 {strides = array<i32>} : memref<8x512xf32, #tpu.memory_space<vmem>>, vector<16xf32>,
          %get3A_602 = arith.constant 0 : i32
          %get3A_603 = arith.index_cast %get3A_602 : i32 to index
          %get3A_604 = arith.index_cast %scan3A_239 : i32 to index
          %get3A_605 = arith.constant 416 : index
          %get3A_606 = tpu.vector_load %arg7[%get3A_603, %get3A_604, %get3A_605] {strides = array<i32>} : memref<2x8x512xf32, #tpu.memory_space<vmem>>, vector<16xf32>,
          %get3A_607 = arith.constant 1 : i32
          %get3A_608 = arith.index_cast %get3A_607 : i32 to index
          %get3A_609 = arith.index_cast %scan3A_239 : i32 to index
          %get3A_610 = arith.constant 416 : index
          %get3A_611 = tpu.vector_load %arg7[%get3A_608, %get3A_609, %get3A_610] {strides = array<i32>} : memref<2x8x512xf32, #tpu.memory_space<vmem>>, vector<16xf32>,
          %add3A_612 = arith.addf %get3A_606, %get3A_611 : vector<16xf32>
          %swap3A_613 = arith.index_cast %scan3A_239 : i32 to index
          %swap3A_614 = arith.constant 416 : index
          %swap3A_615 = tpu.vector_load %arg11[%swap3A_613, %swap3A_614] {strides = array<i32>} : memref<8x512xf32, #tpu.memory_space<vmem>>, vector<16xf32>,
          tpu.vector_store %arg11[%swap3A_613, %swap3A_614], %add3A_612 {strides = array<i32>} : memref<8x512xf32, #tpu.memory_space<vmem>>, vector<16xf32>,
          %get3A_616 = arith.constant 0 : i32
          %get3A_617 = arith.index_cast %get3A_616 : i32 to index
          %get3A_618 = arith.index_cast %scan3A_239 : i32 to index
          %get3A_619 = arith.constant 432 : index
          %get3A_620 = tpu.vector_load %arg7[%get3A_617, %get3A_618, %get3A_619] {strides = array<i32>} : memref<2x8x512xf32, #tpu.memory_space<vmem>>, vector<16xf32>,
          %get3A_621 = arith.constant 1 : i32
          %get3A_622 = arith.index_cast %get3A_621 : i32 to index
          %get3A_623 = arith.index_cast %scan3A_239 : i32 to index
          %get3A_624 = arith.constant 432 : index
          %get3A_625 = tpu.vector_load %arg7[%get3A_622, %get3A_623, %get3A_624] {strides = array<i32>} : memref<2x8x512xf32, #tpu.memory_space<vmem>>, vector<16xf32>,
          %add3A_626 = arith.addf %get3A_620, %get3A_625 : vector<16xf32>
          %swap3A_627 = arith.index_cast %scan3A_239 : i32 to index
          %swap3A_628 = arith.constant 432 : index
          %swap3A_629 = tpu.vector_load %arg11[%swap3A_627, %swap3A_628] {strides = array<i32>} : memref<8x512xf32, #tpu.memory_space<vmem>>, vector<16xf32>,
          tpu.vector_store %arg11[%swap3A_627, %swap3A_628], %add3A_626 {strides = array<i32>} : memref<8x512xf32, #tpu.memory_space<vmem>>, vector<16xf32>,
          %get3A_630 = arith.constant 0 : i32
          %get3A_631 = arith.index_cast %get3A_630 : i32 to index
          %get3A_632 = arith.index_cast %scan3A_239 : i32 to index
          %get3A_633 = arith.constant 448 : index
          %get3A_634 = tpu.vector_load %arg7[%get3A_631, %get3A_632, %get3A_633] {strides = array<i32>} : memref<2x8x512xf32, #tpu.memory_space<vmem>>, vector<16xf32>,
          %get3A_635 = arith.constant 1 : i32
          %get3A_636 = arith.index_cast %get3A_635 : i32 to index
          %get3A_637 = arith.index_cast %scan3A_239 : i32 to index
          %get3A_638 = arith.constant 448 : index
          %get3A_639 = tpu.vector_load %arg7[%get3A_636, %get3A_637, %get3A_638] {strides = array<i32>} : memref<2x8x512xf32, #tpu.memory_space<vmem>>, vector<16xf32>,
          %add3A_640 = arith.addf %get3A_634, %get3A_639 : vector<16xf32>
          %swap3A_641 = arith.index_cast %scan3A_239 : i32 to index
          %swap3A_642 = arith.constant 448 : index
          %swap3A_643 = tpu.vector_load %arg11[%swap3A_641, %swap3A_642] {strides = array<i32>} : memref<8x512xf32, #tpu.memory_space<vmem>>, vector<16xf32>,
          tpu.vector_store %arg11[%swap3A_641, %swap3A_642], %add3A_640 {strides = array<i32>} : memref<8x512xf32, #tpu.memory_space<vmem>>, vector<16xf32>,
          %get3A_644 = arith.constant 0 : i32
          %get3A_645 = arith.index_cast %get3A_644 : i32 to index
          %get3A_646 = arith.index_cast %scan3A_239 : i32 to index
          %get3A_647 = arith.constant 464 : index
          %get3A_648 = tpu.vector_load %arg7[%get3A_645, %get3A_646, %get3A_647] {strides = array<i32>} : memref<2x8x512xf32, #tpu.memory_space<vmem>>, vector<16xf32>,
          %get3A_649 = arith.constant 1 : i32
          %get3A_650 = arith.index_cast %get3A_649 : i32 to index
          %get3A_651 = arith.index_cast %scan3A_239 : i32 to index
          %get3A_652 = arith.constant 464 : index
          %get3A_653 = tpu.vector_load %arg7[%get3A_650, %get3A_651, %get3A_652] {strides = array<i32>} : memref<2x8x512xf32, #tpu.memory_space<vmem>>, vector<16xf32>,
          %add3A_654 = arith.addf %get3A_648, %get3A_653 : vector<16xf32>
          %swap3A_655 = arith.index_cast %scan3A_239 : i32 to index
          %swap3A_656 = arith.constant 464 : index
          %swap3A_657 = tpu.vector_load %arg11[%swap3A_655, %swap3A_656] {strides = array<i32>} : memref<8x512xf32, #tpu.memory_space<vmem>>, vector<16xf32>,
          tpu.vector_store %arg11[%swap3A_655, %swap3A_656], %add3A_654 {strides = array<i32>} : memref<8x512xf32, #tpu.memory_space<vmem>>, vector<16xf32>,
          %get3A_658 = arith.constant 0 : i32
          %get3A_659 = arith.index_cast %get3A_658 : i32 to index
          %get3A_660 = arith.index_cast %scan3A_239 : i32 to index
          %get3A_661 = arith.constant 480 : index
          %get3A_662 = tpu.vector_load %arg7[%get3A_659, %get3A_660, %get3A_661] {strides = array<i32>} : memref<2x8x512xf32, #tpu.memory_space<vmem>>, vector<16xf32>,
          %get3A_663 = arith.constant 1 : i32
          %get3A_664 = arith.index_cast %get3A_663 : i32 to index
          %get3A_665 = arith.index_cast %scan3A_239 : i32 to index
          %get3A_666 = arith.constant 480 : index
          %get3A_667 = tpu.vector_load %arg7[%get3A_664, %get3A_665, %get3A_666] {strides = array<i32>} : memref<2x8x512xf32, #tpu.memory_space<vmem>>, vector<16xf32>,
          %add3A_668 = arith.addf %get3A_662, %get3A_667 : vector<16xf32>
          %swap3A_669 = arith.index_cast %scan3A_239 : i32 to index
          %swap3A_670 = arith.constant 480 : index
          %swap3A_671 = tpu.vector_load %arg11[%swap3A_669, %swap3A_670] {strides = array<i32>} : memref<8x512xf32, #tpu.memory_space<vmem>>, vector<16xf32>,
          tpu.vector_store %arg11[%swap3A_669, %swap3A_670], %add3A_668 {strides = array<i32>} : memref<8x512xf32, #tpu.memory_space<vmem>>, vector<16xf32>,
          %get3A_672 = arith.constant 0 : i32
          %get3A_673 = arith.index_cast %get3A_672 : i32 to index
          %get3A_674 = arith.index_cast %scan3A_239 : i32 to index
          %get3A_675 = arith.constant 496 : index
          %get3A_676 = tpu.vector_load %arg7[%get3A_673, %get3A_674, %get3A_675] {strides = array<i32>} : memref<2x8x512xf32, #tpu.memory_space<vmem>>, vector<16xf32>,
          %get3A_677 = arith.constant 1 : i32
          %get3A_678 = arith.index_cast %get3A_677 : i32 to index
          %get3A_679 = arith.index_cast %scan3A_239 : i32 to index
          %get3A_680 = arith.constant 496 : index
          %get3A_681 = tpu.vector_load %arg7[%get3A_678, %get3A_679, %get3A_680] {strides = array<i32>} : memref<2x8x512xf32, #tpu.memory_space<vmem>>, vector<16xf32>,
          %add3A_682 = arith.addf %get3A_676, %get3A_681 : vector<16xf32>
          %swap3A_683 = arith.index_cast %scan3A_239 : i32 to index
          %swap3A_684 = arith.constant 496 : index
          %swap3A_685 = tpu.vector_load %arg11[%swap3A_683, %swap3A_684] {strides = array<i32>} : memref<8x512xf32, #tpu.memory_space<vmem>>, vector<16xf32>,
          tpu.vector_store %arg11[%swap3A_683, %swap3A_684], %add3A_682 {strides = array<i32>} : memref<8x512xf32, #tpu.memory_space<vmem>>, vector<16xf32>,
        }
        %scan3A_223 = arith.constant 8 : i32
        %mul3A_224 = arith.constant 32 : i32
        %mul3A_225 = arith.muli %add3A_185, %mul3A_224 : i32
        %add3A_226 = arith.addi %add3A, %mul3A_225 : i32
        %shift_right_logical3A_227 = arith.constant 4 : i32
        %shift_right_logical3A_228 = arith.shrui %add3A_226, %shift_right_logical3A_227 : i32
        %and3A_229 = arith.constant 15 : i32
        %and3A_230 = arith.andi %add3A_226, %and3A_229 : i32
        %mul3A_231 = arith.constant 8 : i32
        %mul3A_232 = arith.muli %and3A_230, %mul3A_231 : i32
        %dma_start3A_233 = arith.constant 0 : i32
        %dma_start3A_234 = tpu.memref_slice %arg3[%shift_right_logical3A_228, %mul3A_232, %dma_start3A_233] : memref<99x128x512xf32, #tpu.memory_space<hbm>> -> memref<1x8x512xf32, #tpu.memory_space<hbm>>
        %dma_start3A_235 = tpu.memref_squeeze %dma_start3A_234 : memref<1x8x512xf32, #tpu.memory_space<hbm>> -> memref<8x512xf32, #tpu.memory_space<hbm>>
        %dma_start3A_236 = arith.constant 0 : i32
        %dma_start3A_237 = tpu.memref_slice %arg3[%shift_right_logical3A_228, %mul3A_232, %dma_start3A_236] : memref<99x128x512xf32, #tpu.memory_space<hbm>> -> memref<1x8x512xf32, #tpu.memory_space<hbm>>
        %dma_start3A_238 = tpu.memref_squeeze %dma_start3A_237 : memref<1x8x512xf32, #tpu.memory_space<hbm>> -> memref<8x512xf32, #tpu.memory_space<hbm>>
        tpu.enqueue_dma source(%arg11 : memref<8x512xf32, #tpu.memory_space<vmem>>) target(%dma_start3A_238 : memref<8x512xf32, #tpu.memory_space<hbm>>) target_semaphore(%arg19 : memref<!tpu.dma_semaphore, #tpu.memory_space<semaphore_mem>>)
      } else {
      }
    }
    %scan3A_50 = arith.constant 13 : i32
    %add3A_51 = arith.constant 1536 : i32
    %add3A_52 = arith.addi %add3A, %add3A_51 : i32
    %lt3A = arith.constant 1584 : i32
    %lt3A_53 = arith.cmpi slt, %add3A_52, %lt3A : i32
    %convert_element_type3A = arith.extui %lt3A_53 : i1 to i32
    %cond3A = arith.constant 0 : i32
    %cond3A_54 = arith.cmpi ne, %convert_element_type3A, %cond3A : i32
    scf.if %cond3A_54 {
      %add3A_76 = arith.constant 1536 : i32
      %add3A_77 = arith.addi %add3A, %add3A_76 : i32
      %shift_right_logical3A_78 = arith.constant 4 : i32
      %shift_right_logical3A_79 = arith.shrui %add3A_77, %shift_right_logical3A_78 : i32
      %and3A_80 = arith.constant 15 : i32
      %and3A_81 = arith.andi %add3A_77, %and3A_80 : i32
      %mul3A_82 = arith.constant 8 : i32
      %mul3A_83 = arith.muli %and3A_81, %mul3A_82 : i32
      %dma_wait3A = arith.constant 0 : i32
      %dma_wait3A_84 = tpu.memref_slice %arg3[%shift_right_logical3A_79, %mul3A_83, %dma_wait3A] : memref<99x128x512xf32, #tpu.memory_space<hbm>> -> memref<1x8x512xf32, #tpu.memory_space<hbm>>
      %dma_wait3A_85 = tpu.memref_squeeze %dma_wait3A_84 : memref<1x8x512xf32, #tpu.memory_space<hbm>> -> memref<8x512xf32, #tpu.memory_space<hbm>>
      %dma_wait3A_86 = arith.constant 0 : i32
      %dma_wait3A_87 = tpu.memref_slice %arg3[%shift_right_logical3A_79, %mul3A_83, %dma_wait3A_86] : memref<99x128x512xf32, #tpu.memory_space<hbm>> -> memref<1x8x512xf32, #tpu.memory_space<hbm>>
      %dma_wait3A_88 = tpu.memref_squeeze %dma_wait3A_87 : memref<1x8x512xf32, #tpu.memory_space<hbm>> -> memref<8x512xf32, #tpu.memory_space<hbm>>
      tpu.wait_dma2 semaphore(%arg16 : memref<!tpu.dma_semaphore, #tpu.memory_space<semaphore_mem>>) src(%arg8 : memref<8x512xf32, #tpu.memory_space<vmem>>) dst(%dma_wait3A_88 : memref<8x512xf32, #tpu.memory_space<hbm>>)
    } else {
    }
    %add3A_55 = arith.constant 1568 : i32
    %add3A_56 = arith.addi %add3A, %add3A_55 : i32
    %lt3A_57 = arith.constant 1584 : i32
    %lt3A_58 = arith.cmpi slt, %add3A_56, %lt3A_57 : i32
    %convert_element_type3A_59 = arith.extui %lt3A_58 : i1 to i32
    %cond3A_60 = arith.constant 0 : i32
    %cond3A_61 = arith.cmpi ne, %convert_element_type3A_59, %cond3A_60 : i32
    scf.if %cond3A_61 {
      %add3A_76 = arith.constant 1568 : i32
      %add3A_77 = arith.addi %add3A, %add3A_76 : i32
      %shift_right_logical3A_78 = arith.constant 4 : i32
      %shift_right_logical3A_79 = arith.shrui %add3A_77, %shift_right_logical3A_78 : i32
      %and3A_80 = arith.constant 15 : i32
      %and3A_81 = arith.andi %add3A_77, %and3A_80 : i32
      %mul3A_82 = arith.constant 8 : i32
      %mul3A_83 = arith.muli %and3A_81, %mul3A_82 : i32
      %dma_wait3A = arith.constant 0 : i32
      %dma_wait3A_84 = tpu.memref_slice %arg3[%shift_right_logical3A_79, %mul3A_83, %dma_wait3A] : memref<99x128x512xf32, #tpu.memory_space<hbm>> -> memref<1x8x512xf32, #tpu.memory_space<hbm>>
      %dma_wait3A_85 = tpu.memref_squeeze %dma_wait3A_84 : memref<1x8x512xf32, #tpu.memory_space<hbm>> -> memref<8x512xf32, #tpu.memory_space<hbm>>
      %dma_wait3A_86 = arith.constant 0 : i32
      %dma_wait3A_87 = tpu.memref_slice %arg3[%shift_right_logical3A_79, %mul3A_83, %dma_wait3A_86] : memref<99x128x512xf32, #tpu.memory_space<hbm>> -> memref<1x8x512xf32, #tpu.memory_space<hbm>>
      %dma_wait3A_88 = tpu.memref_squeeze %dma_wait3A_87 : memref<1x8x512xf32, #tpu.memory_space<hbm>> -> memref<8x512xf32, #tpu.memory_space<hbm>>
      tpu.wait_dma2 semaphore(%arg17 : memref<!tpu.dma_semaphore, #tpu.memory_space<semaphore_mem>>) src(%arg9 : memref<8x512xf32, #tpu.memory_space<vmem>>) dst(%dma_wait3A_88 : memref<8x512xf32, #tpu.memory_space<hbm>>)
    } else {
    }
    %add3A_62 = arith.constant 1600 : i32
    %add3A_63 = arith.addi %add3A, %add3A_62 : i32
    %lt3A_64 = arith.constant 1584 : i32
    %lt3A_65 = arith.cmpi slt, %add3A_63, %lt3A_64 : i32
    %convert_element_type3A_66 = arith.extui %lt3A_65 : i1 to i32
    %cond3A_67 = arith.constant 0 : i32
    %cond3A_68 = arith.cmpi ne, %convert_element_type3A_66, %cond3A_67 : i32
    scf.if %cond3A_68 {
      %add3A_76 = arith.constant 1600 : i32
      %add3A_77 = arith.addi %add3A, %add3A_76 : i32
      %shift_right_logical3A_78 = arith.constant 4 : i32
      %shift_right_logical3A_79 = arith.shrui %add3A_77, %shift_right_logical3A_78 : i32
      %and3A_80 = arith.constant 15 : i32
      %and3A_81 = arith.andi %add3A_77, %and3A_80 : i32
      %mul3A_82 = arith.constant 8 : i32
      %mul3A_83 = arith.muli %and3A_81, %mul3A_82 : i32
      %dma_wait3A = arith.constant 0 : i32
      %dma_wait3A_84 = tpu.memref_slice %arg3[%shift_right_logical3A_79, %mul3A_83, %dma_wait3A] : memref<99x128x512xf32, #tpu.memory_space<hbm>> -> memref<1x8x512xf32, #tpu.memory_space<hbm>>
      %dma_wait3A_85 = tpu.memref_squeeze %dma_wait3A_84 : memref<1x8x512xf32, #tpu.memory_space<hbm>> -> memref<8x512xf32, #tpu.memory_space<hbm>>
      %dma_wait3A_86 = arith.constant 0 : i32
      %dma_wait3A_87 = tpu.memref_slice %arg3[%shift_right_logical3A_79, %mul3A_83, %dma_wait3A_86] : memref<99x128x512xf32, #tpu.memory_space<hbm>> -> memref<1x8x512xf32, #tpu.memory_space<hbm>>
      %dma_wait3A_88 = tpu.memref_squeeze %dma_wait3A_87 : memref<1x8x512xf32, #tpu.memory_space<hbm>> -> memref<8x512xf32, #tpu.memory_space<hbm>>
      tpu.wait_dma2 semaphore(%arg18 : memref<!tpu.dma_semaphore, #tpu.memory_space<semaphore_mem>>) src(%arg10 : memref<8x512xf32, #tpu.memory_space<vmem>>) dst(%dma_wait3A_88 : memref<8x512xf32, #tpu.memory_space<hbm>>)
    } else {
    }
    %add3A_69 = arith.constant 1632 : i32
    %add3A_70 = arith.addi %add3A, %add3A_69 : i32
    %lt3A_71 = arith.constant 1584 : i32
    %lt3A_72 = arith.cmpi slt, %add3A_70, %lt3A_71 : i32
    %convert_element_type3A_73 = arith.extui %lt3A_72 : i1 to i32
    %cond3A_74 = arith.constant 0 : i32
    %cond3A_75 = arith.cmpi ne, %convert_element_type3A_73, %cond3A_74 : i32
    scf.if %cond3A_75 {
      %add3A_76 = arith.constant 1632 : i32
      %add3A_77 = arith.addi %add3A, %add3A_76 : i32
      %shift_right_logical3A_78 = arith.constant 4 : i32
      %shift_right_logical3A_79 = arith.shrui %add3A_77, %shift_right_logical3A_78 : i32
      %and3A_80 = arith.constant 15 : i32
      %and3A_81 = arith.andi %add3A_77, %and3A_80 : i32
      %mul3A_82 = arith.constant 8 : i32
      %mul3A_83 = arith.muli %and3A_81, %mul3A_82 : i32
      %dma_wait3A = arith.constant 0 : i32
      %dma_wait3A_84 = tpu.memref_slice %arg3[%shift_right_logical3A_79, %mul3A_83, %dma_wait3A] : memref<99x128x512xf32, #tpu.memory_space<hbm>> -> memref<1x8x512xf32, #tpu.memory_space<hbm>>
      %dma_wait3A_85 = tpu.memref_squeeze %dma_wait3A_84 : memref<1x8x512xf32, #tpu.memory_space<hbm>> -> memref<8x512xf32, #tpu.memory_space<hbm>>
      %dma_wait3A_86 = arith.constant 0 : i32
      %dma_wait3A_87 = tpu.memref_slice %arg3[%shift_right_logical3A_79, %mul3A_83, %dma_wait3A_86] : memref<99x128x512xf32, #tpu.memory_space<hbm>> -> memref<1x8x512xf32, #tpu.memory_space<hbm>>
      %dma_wait3A_88 = tpu.memref_squeeze %dma_wait3A_87 : memref<1x8x512xf32, #tpu.memory_space<hbm>> -> memref<8x512xf32, #tpu.memory_space<hbm>>
      tpu.wait_dma2 semaphore(%arg19 : memref<!tpu.dma_semaphore, #tpu.memory_space<semaphore_mem>>) src(%arg11 : memref<8x512xf32, #tpu.memory_space<vmem>>) dst(%dma_wait3A_88 : memref<8x512xf32, #tpu.memory_space<hbm>>)
    } else {
    }
    return
  }
}

</mosaic_0001>

<sc_bundles>
// kernel: kernel.3.cloned.1.call-start
scs
__scs_entry_jumppad:
0x0: {  	(pc) =	sbr.rel $0x88, $3  }
0x1: {  	(tag) =	ssettag $0x0;
	lr =	simm.s32 $0x1  }
0x2: {  	[smem:$0x3FA0] =	sst lr;
	_ =	strace $0xD0000000  }
0x3: {  	_ = 	snop  }
0x4: {  	_ = 	snop  }
0x5: {  	_ = 	snop  }
0x6: {  	_ = 	snop  }
0x7: {  	_ = 	snop  }
__scs_overlays_trampoline_lowered:
0x8: {  	[smem:$0x3FAF] =	sst s0  }
0x9: {  	[smem:$0x3FB0] =	sst s1  }
0xa: {  	[smem:$0x3FB1] =	sst s2  }
0xb: {  	[smem:$0x3FB2] =	sst s3  }
0xc: {  	[smem:$0x3FB3] =	sst s4  }
0xd: {  	[smem:$0x3FB4] =	sst s5  }
0xe: {  	[smem:$0x3FB5] =	sst s6  }
0xf: {  	[smem:$0x3FB6] =	sst s7  }
0x10: {  	[smem:$0x3FB7] =	sst s8  }
0x11: {  	[smem:$0x3FB8] =	sst s9;
	s0 =	simm.s32 @!p0 $0x0  }
0x12: {  	s1 =	sld [smem:$0x3F9E];
	s0 =	simm.s32 @p0 $0x1  }
0x13: {  	[smem:$0x3FB9] =	sst s0;
	s0 =	simm.s32 @!p1 $0x0  }
0x14: {  	s2 =	sld [smem:$0x3F9D];
	s0 =	simm.s32 @p1 $0x1  }
0x15: {  	[smem:$0x3FBA] =	sst s0;
	s0 =	simm.s32 @!p2 $0x0  }
0x16: {  	s3 =	sld [smem:$0x3FDB];
	s0 =	simm.s32 @p2 $0x1  }
0x17: {  	s4 =	simm.s32 $0x1BF5;
	[smem:$0x3FBC] =	sst s0  }
0x18: {  	s0 =	sld [smem:$0x3F9F];
	_ =	swait.ge [sflag:s4], $0x0  }
0x19: {  	s7 =	sld [smem:$0x3FA0]  }
0x1a: {  	s8 =	sadd.s32 $0xFFFFE003, lr  }
0x1b: {  	s9 =	sadd.s32 $0xFFFFFEF7, lr;
	s5 =	simm.s32 $0xFFFFFFFF;
	p2 =	slt.u32 s8, $0xFFFFF086  }
0x1c: {  	p1 =	slt.u32 s9, $0xF7A;
	s5 =	simm.s32 @!p2 $0x0  }
0x1d: {  	s5 =	simm.s32 @p1 $0x1;
	p0 =	seq.s32 s7, s2  }
0x1e: {  	s7 =	smul.u32 @!p0 $0xF7A, s2;
	p2 =	seq.s32 @!p0 s5, $0x0  }
0x1f: {  	s9 =	smul.u32 $0xF7A, s1;
	s8 =	simm.s32 @!p0 $0x1BF5;
	p2 =	por !p2, p0  }
0x20: {  	[sflag:s8] =	ssyncset.s32 @!p0 $0xFFFFF086;
	s6 =	sadd.s32 @!p0 s3, s7;
	s7 =	simm.s32 @!p0 $0x108  }
0x21: {  	s3 =	sadd.s32 s3, s9;
	s6 =	sadd.s32 @!p0 $0x88, s6;
	s7 =	simm.s32 @p2 $0x1082  }
0x22: {  	[simem:s7], [sflag:s8] =	dma.local @!p0 [hbm:s6], $0xF7A  }
0x23: {  	s9 =	sor.u32 $0xD0000000, s2;
	s6 =	simm.s32 $0x108;
	_ =	swait.ge @!p0 [sflag:s8], $0x0  }
0x24: {  	s3 =	sadd.s32 $0x88, s3;
	s6 =	simm.s32 @!p1 $0x1082;
	[sflag:s4] =	ssyncset.s32 $0xFFFFF086  }
0x25: {  	[simem:s6], [sflag:s4] =	dma.local [hbm:s3], $0xF7A  }
0x26: {  	[smem:$0x3FA0] =	sst s1;
	(tag) =	ssettag s2;
	_ =	strace s9  }
0x27: {  	s1 =	sld [smem:$0x3FB0]  }
0x28: {  	s2 =	sld [smem:$0x3FB1]  }
0x29: {  	s4 =	sld [smem:$0x3FB3]  }
0x2a: {  	p0 =	seq.s32 s5, $0x0;
	s5 =	sld [smem:$0x3FB4]  }
0x2b: {  	s6 =	sld [smem:$0x3FB5]  }
0x2c: {  	s7 =	sld [smem:$0x3FB6]  }
0x2d: {  	s3 =	simm.s32 $0x108;
	s8 =	sld [smem:$0x3FB7]  }
0x2e: {  	s3 =	simm.s32 @!p0 $0x1082;
	s9 =	sld [smem:$0x3FB8]  }
0x2f: {  	lr =	sadd.s32 s0, s3;
	s0 =	sld [smem:$0x3FAF]  }
0x30: {  	s3 =	sld [smem:$0x3FB2]  }
0x31: {  	[smem:$0x3FBB] =	sst s10  }
0x32: {  	s10 =	sld [smem:$0x3FB9];
	_ =	sdelay $0x3  }
0x33: {  	p0 =	seq.s32 s10, $0x1;
	s10 =	sld [smem:$0x3FBB];
	_ =	sdelay $0x3  }
0x34: {  	[smem:$0x3FBB] =	sst s10  }
0x35: {  	s10 =	sld [smem:$0x3FBA];
	_ =	sdelay $0x3  }
0x36: {  	p1 =	seq.s32 s10, $0x1;
	s10 =	sld [smem:$0x3FBB];
	_ =	sdelay $0x3  }
0x37: {  	[smem:$0x3FBB] =	sst s10  }
0x38: {  	s10 =	sld [smem:$0x3FBC]  }
0x39: {  	_ = 	snop;
	(pc) =	sbr.ind lr, $3  }
0x3a: {  	_ = 	snop  }
0x3b: {  	_ = 	snop  }
0x3c: {  	p2 =	seq.s32 s10, $0x1;
	s10 =	sld [smem:$0x3FBB]  }
0x3d: {  	_ =	shalt  }
0x3e: {  	_ =	shalt  }
0x3f: {  	_ =	shalt  }
0x40: {  	_ =	shalt  }
0x41: {  	_ =	shalt  }
0x42: {  	_ =	shalt  }
0x43: {  	_ =	shalt  }
0x44: {  	_ =	shalt  }
0x45: {  	_ =	shalt  }
0x46: {  	_ =	shalt  }
0x47: {  	_ =	shalt  }
0x48: {  	_ =	shalt  }
0x49: {  	_ =	shalt  }
0x4a: {  	_ =	shalt  }
0x4b: {  	_ =	shalt  }
0x4c: {  	_ =	shalt  }
0x4d: {  	_ =	shalt  }
0x4e: {  	_ =	shalt  }
0x4f: {  	_ =	shalt  }
0x50: {  	_ =	shalt  }
0x51: {  	_ =	shalt  }
0x52: {  	_ =	shalt  }
0x53: {  	_ =	shalt  }
0x54: {  	_ =	shalt  }
0x55: {  	_ =	shalt  }
0x56: {  	_ =	shalt  }
0x57: {  	_ =	shalt  }
0x58: {  	_ =	shalt  }
0x59: {  	_ =	shalt  }
0x5a: {  	_ =	shalt  }
0x5b: {  	_ =	shalt  }
0x5c: {  	_ =	shalt  }
0x5d: {  	_ =	shalt  }
0x5e: {  	_ =	shalt  }
0x5f: {  	_ =	shalt  }
0x60: {  	_ =	shalt  }
0x61: {  	_ =	shalt  }
0x62: {  	_ =	shalt  }
0x63: {  	_ =	shalt  }
0x64: {  	_ =	shalt  }
0x65: {  	_ =	shalt  }
0x66: {  	_ =	shalt  }
0x67: {  	_ =	shalt  }
0x68: {  	_ =	shalt  }
0x69: {  	_ =	shalt  }
0x6a: {  	_ =	shalt  }
0x6b: {  	_ =	shalt  }
0x6c: {  	_ =	shalt  }
0x6d: {  	_ =	shalt  }
0x6e: {  	_ =	shalt  }
0x6f: {  	_ =	shalt  }
0x70: {  	_ =	shalt  }
0x71: {  	_ =	shalt  }
0x72: {  	_ =	shalt  }
0x73: {  	_ =	shalt  }
0x74: {  	_ =	shalt  }
0x75: {  	_ =	shalt  }
0x76: {  	_ =	shalt  }
0x77: {  	_ =	shalt  }
0x78: {  	_ =	shalt  }
0x79: {  	_ =	shalt  }
0x7a: {  	_ =	shalt  }
0x7b: {  	_ =	shalt  }
0x7c: {  	_ =	shalt  }
0x7d: {  	_ =	shalt  }
0x7e: {  	_ =	shalt  }
0x7f: {  	_ =	shalt  }
0x80: {  	_ =	shalt  }
0x81: {  	_ =	shalt  }
0x82: {  	_ =	shalt  }
0x83: {  	_ =	shalt  }
0x84: {  	_ =	shalt  }
0x85: {  	_ =	shalt  }
0x86: {  	_ =	shalt  }
0x87: {  	_ =	shalt  }
.Lfunc_end0:
.L_simem_size_0:
called_computation_lowered:
.L_overlay_start_0:
0x88: {  	s2 =	sld [smem:$0x3FD9]  }
0x89: {  	s3 =	sld [smem:$0x3FFE];
	_ =	sdelay $0x1  }
0x8a: {  	s1 =	srdreg.scid  }
0x8b: {  	s0 =	sand.u32 $0x1, s1  }
0x8c: {  	s18 =	sshll.u32 s0, $0xA;
	s2 =	sadd.s32 s3, s2  }
0x8d: {  	s2 =	sadd.s32 s2, s18  }
0x8e: {  	[smem:$0x3FC7] =	sst s2  }
0x8f: {  	_ = 	snop  }
0x90: {  	s2 =	sld [smem:$0x3FC9]  }
0x91: {  	s19 =	sld [smem:$0x3FD0];
	(tm) =	ssettm $0x1  }
0x92: {  	s4 =	sld [smem:$0x3FFB];
	_ =	sdelay $0x3  }
0x93: {  	_ =	strace s4  }
0x94: {  	s4 =	sld [smem:$0x3FFC];
	_ =	sdelay $0x3  }
0x95: {  	_ =	strace s4  }
0x96: {  	s4 =	sld [smem:$0x3FFD];
	_ =	sdelay $0x3  }
0x97: {  	_ =	strace s4  }
0x98: {  	_ =	strace $0x8FFFFFFF  }
0x99: {  	s20 =	sld [smem:$0x3FDB];
	_ =	sdelay $0x1  }
0x9a: {  	s5 =	simm.s32 $_scs_section_size  }
0x9b: {  	s6 =	simm.s32 $_size__tile_overlayer_lowered;
	s7 =	simm.s32 $_tile_overlayer_lowered  }
0x9c: {  	s23 =	simm.s32 $0x1BFF;
	s22 =	sshll.u32 s7, $0x1;
	s4 =	sadd.s32 s5, s20  }
0x9d: {  	s8 =	simm.s32 $0x0;
	s21 =	sshll.u32 s6, $0x1;
	s6 =	sadd.s32 s22, s4  }
0x9e: {  	[timem:s8], [sflag:s23] =	dma.local [hbm:s6], s21  }
0x9f: {  	_ =	swait.ge [sflag:s23], s21  }
0xa0: {  	s5 =	ssub.s32 $0x0, s21;
	[sflag:s23] =	ssyncset.done $0x0  }
0xa1: {  	[sflag:s23] =	ssyncadd.s32 s5;
	_ =	sdelay $0x1  }
0xa2: {  	s24 =	simm.s32 $0x1B8B  }
0xa3: {  	_ =	swait.ge [sflag:s24], $0x1  }
0xa4: {  	[sflag:s24] =	ssyncset.done $0x0  }
0xa5: {  	s25 =	simm.s32 $0x1B8E;
	[sflag:s24] =	ssyncadd.s32 $0xFFFFFFFF  }
0xa6: {  	s26 =	simm.s32 $execute0_lowered;
	[smem:$0x3FD2] =	sst s25  }
0xa7: {  	s5 =	sshll.u32 s26, $0x1;
	_ =	strace $0x80000046;
	[dreg:$0x1] =	wrdreg $0xFFFFFFFF  }
0xa8: {  	s28 =	simm.s32 $_size_execute0_lowered;
	s4 =	sadd.s32 s4, s5;
	[dreg:$0x0] =	wrdreg $0x0  }
0xa9: {  	s5 =	sshll.u32 s28, $0x1;
	[dreg:$0x2] =	wrdreg s4  }
0xaa: {  	[dreg:$0x3] =	wrdreg s5  }
0xab: {  	[dreg:$0x4] =	wrdreg $0xC0  }
0xac: {  	_ =	task [dreg:s8], $0x5FFFF  }
0xad: {  	[dreg:$0x1] =	wrdreg $0xFFFFFFFF  }
0xae: {  	[dreg:$0x0] =	wrdreg $0x60  }
0xaf: {  	[dreg:$0x2] =	wrdreg s2  }
0xb0: {  	[dreg:$0x3] =	wrdreg s19  }
0xb1: {  	[dreg:$0x4] =	wrdreg $0x9  }
0xb2: {  	_ =	task.clear_ibuf [dreg:s8], $0x5FFFF;
	_ =	strace $0x90000046  }
0xb3: {  	s29 =	simm.s32 $0x9;
	_ =	strace $0x80000048  }
0xb4: {  	_ =	swait.ge [sflag:s29], $0x1  }
0xb5: {  	[sflag:s29] =	ssyncadd.s32 $0xFFFFFFFF  }
0xb6: {  	_ =	strace $0x90000048  }
0xb7: {  	_ =	sfence  }
0xb8: {  	s30 =	sld [smem:$0x0];
	_ =	sdelay $0x2  }
0xb9: {  	s31 =	sshll.u32 s1, $0xD;
	s1 =	sshrl.u32 s1, $0x2  }
0xba: {  	s3 =	sand.u32 $0x4000, s31;
	s1 =	sadd.s32 s1, s30  }
0xbb: {  	s0 =	sor.u32 s3, s0;
	s1 =	sshll.u32 s1, $0x11  }
0xbc: {  	s0 =	sor.u32 s1, s0  }
0xbd: {  	s0 =	sadd.s32 $0x8F2B, s0  }
0xbe: {  	[sflag:s0] =	ssyncadd.remote.s32 $0x1  }
0xbf: {  	_ =	sfence.sel $0xFFFF  }
0xc0: {  	[dreg:$0x0] =	wrdreg $0xFFFFFFFF;
	(pc) =	sbr.abs _section_cstart, $3  }
0xc1: {  	[dreg:$0x1] =	wrdreg $0xFFFFFFFF  }
0xc2: {  	_ =	task.clear_ibuf [dreg:s8], $0x2FFFF;
	_ =	strace $0x9FFFFFFF  }
0xc3: {  	(tm) =	ssettm $0x7FFFFFFF  }
tec
execute0_lowered:
.L_overlay_start_1:
0x0: {  	(tag) =	ssettag $0x1  }
0x1: {  	s0 =	srdreg.scid  }
0x2: {  	s26 =	stileid.u32;
	s1 =	rddreg [dreg:$0x0]  }
0x3: {  	s6 =	rddreg [dreg:$0x1];
	s4 =	simm.s32 $0x0;
	s14 =	simm.s32 $0x1000  }
0x4: {  	s15 =	simm.s32 $0x10000;
	s16 =	simm.s32 $0x2000;
	s17 =	simm.s32 $0x4000  }
0x5: {  	s18 =	simm.s32 $0x1;
	s19 =	simm.s32 $0x8000;
	s20 =	simm.s32 $0x2  }
0x6: {  	s21 =	simm.s32 $0x9000;
	s22 =	simm.s32 $0x3;
	s23 =	simm.s32 $0xA000  }
0x7: {  	s24 =	simm.s32 $0x4;
	s25 =	simm.s32 $0xB000;
	s28 =	simm.s32 $0x0  }
0x8: {  	s0 =	sand.u32 $0x1, s0;
	s2 =	sshll.u32 s26, $0x1;
	s5 =	sshll.u32 s26, $0xB  }
0x9: {  	[smem:$0x7FF] =	sst s4;
	p0 =	sgt.u32 s26, $0x7;
	s3 =	sor.u32 s0, s2  }
0xa: {  	s26 =	simm.s32 $0x5;
	s5 =	sand.u32 $0x4000, s5;
	s7 =	sshll.u32 s3, $0x9  }
0xb: {  	s0 =	ssub.s32 $0x2, s0;
	_ =	strace $0x80000047;
	s7 =	sand.u32 $0x1E00, s7  }
.Ltmp0:
0xc: {  	s9 =	sor.u32 $0xA0, s2;
	s5 =	sor.u32 s5, s7;
	(pc) =	sbr.rel .LBB2_1-.Ltmp0, $4  }
0xd: {  	s10 =	sor.u32 $0xC0, s2;
	s8 =	sshrl.u32 s0, $0x1;
	s5 =	sadd.s32 s1, s5  }
0xe: {  	s0 =	ssub.s32 s0, s8;
	s8 =	sor.u32 $0x80, s2;
	s30 =	sadd.s32 $0x8000, s5  }
0xf: {  	s11 =	sadd.s32 s1, s7;
	s31 =	sadd.s32 $0x10000, s5;
	[dreg:$0x3] =	wrdreg s30  }
0x10: {  	s12 =	sadd.s32 s6, s7;
	s13 =	smax.u32 s0, $0x1;
	[dreg:$0x4] =	wrdreg s31  }
.LBB2_29:
0x11: {  	s28 =	sadd.s32 $0x1, s28  }
0x12: {  	_ =	swait.ge [sflag:s26], $0x1000;
	p1 =	sne.s32 s28, s13  }
.Ltmp1:
0x13: {  	[sflag:s26] =	ssyncset.done $0x0;
	(pc) =	sbr.rel @!p1 .LBB2_30-.Ltmp1, $4  }
0x14: {  	s0 =	simm.s32 @!p0 $0x6;
	[sflag:s26] =	ssyncadd.s32 $0xFFFFF000  }
0x15: {  	_ =	swait.ge @!p0 [sflag:s0], $0x1000  }
0x16: {  	[sflag:s0] =	ssyncset.done @!p0 $0x0  }
0x17: {  	[sflag:s0] =	ssyncadd.s32 @!p0 $0xFFFFF000  }
.LBB2_1:
0x18: {  	[tilespmem:s4], [sflag:$0x1] =	stream.strided.gather [hbm4b:s5+s14], $0x2000, s15, s14, $0x38;
	[tilespmem:$0xC000] =	vst v63  }
.Ltmp2:
0x19: {  	_ = 	snop;
	(pc) =	sbr.rel .LBB2_2-.Ltmp2, $4  }
0x1a: {  	s0 =	rddreg [dreg:$0x3]  }
0x1b: {  	[tilespmem:s16], [sflag:$0x2] =	stream.strided.gather [hbm4b:s0+s14], $0x2000, s15, s14, $0x38;
	[tilespmem:$0xC000] =	vst v63  }
0x1c: {  	s31 =	rddreg [dreg:$0x4];
	s29 =	simm.s32 $0x0  }
0x1d: {  	[tilespmem:s17], [sflag:$0x3] =	stream.strided.gather [hbm4b:s31+s14], $0x2000, s15, s14, $0x38;
	[tilespmem:$0xC000] =	vst v63  }
.LBB2_28:
0x1e: {  	s29 =	sadd.s32 $0x1, s29  }
0x1f: {  	p1 =	sne.s32 s29, $0xD  }
.Ltmp3:
0x20: {  	_ = 	snop;
	(pc) =	sbr.rel @!p1 .LBB2_29-.Ltmp3, $1  }
0x21: {  	_ =	sdelay $0x3  }
.LBB2_2:
0x22: {  	s30 =	sshll.u32 s29, $0x7  }
0x23: {  	s31 =	sor.u32 s3, s30  }
0x24: {  	p1 =	sgt.u32 s31, $0x5CF  }
0x25: {  	s0 =	sor.u32 @!p1 s2, s30  }
0x26: {  	s0 =	sshll.u32 @!p1 s0, $0xA  }
0x27: {  	s0 =	sand.u32 @!p1 $0x1E4000, s0  }
0x28: {  	s1 =	simm.s32 @!p1 $0x1000;
	s0 =	sadd.s32 @!p1 s0, s11  }
0x29: {  	s6 =	simm.s32 @!p1 $0x10000;
	s7 =	simm.s32 @!p1 $0x6000;
	s0 =	sadd.s32 @!p1 $0x18000, s0  }
0x2a: {  	[tilespmem:s7], [sflag:$0x4] =	stream.strided.gather @!p1 [hbm4b:s0+s1], $0x2000, s6, s1, $0x38;
	[tilespmem:$0xC000] =	vst v63  }
0x2b: {  	_ =	swait.ge [sflag:s18], $0x2000  }
0x2c: {  	p1 =	seq.s32 s29, $0x0;
	[sflag:s18] =	ssyncset.done $0x0  }
0x2d: {  	s0 =	simm.s32 @!p1 $0x5;
	[sflag:s18] =	ssyncadd.s32 $0xFFFFE000  }
0x2e: {  	_ =	swait.ge @!p1 [sflag:s0], $0x1000  }
0x2f: {  	[sflag:s0] =	ssyncset.done @!p1 $0x0  }
0x30: {  	s1 =	simm.s32 $0xFFFFFC00;
	[sflag:s0] =	ssyncadd.s32 @!p1 $0xFFFFF000  }
0x31: {  	v0 =	vld [tilespmem:s1+$0x1070]  }
0x32: {  	v1 =	vld [tilespmem:s1+$0x2070]  }
0x33: {  	v2 =	vld [tilespmem:s1+$0x400]  }
0x34: {  	v3 =	vld [tilespmem:s1+$0x1400]  }
0x35: {  	v4 =	vld [tilespmem:s1+$0x410]  }
0x36: {  	v5 =	vld [tilespmem:s1+$0x1410]  }
0x37: {  	v6 =	vld [tilespmem:s1+$0x420]  }
0x38: {  	v7 =	vld [tilespmem:s1+$0x430];
	v0 =	vadd.f32 v1, v0  }
0x39: {  	v1 =	vld [tilespmem:s1+$0x1420]  }
0x3a: {  	v2 =	vadd.f32 v3, v2;
	[tilespmem:s1+$0x9070] =	vst v0;
	v0 =	vld [tilespmem:s1+$0x1430]  }
0x3b: {  	v3 =	vld [tilespmem:s1+$0x440]  }
0x3c: {  	[tilespmem:s1+$0x8400] =	vst v2;
	v2 =	vadd.f32 v5, v4;
	v4 =	vld [tilespmem:s1+$0x1440]  }
0x3d: {  	v5 =	vld [tilespmem:s1+$0x1450]  }
0x3e: {  	[tilespmem:s1+$0x8410] =	vst v2;
	v2 =	vld [tilespmem:s1+$0x450];
	v1 =	vadd.f32 v1, v6  }
0x3f: {  	v6 =	vld [tilespmem:s1+$0x1460];
	v0 =	vadd.f32 v0, v7  }
0x40: {  	[tilespmem:s1+$0x8420] =	vst v1;
	v1 =	vld [tilespmem:s1+$0x460]  }
0x41: {  	[tilespmem:s1+$0x8430] =	vst v0;
	v0 =	vadd.f32 v4, v3;
	v3 =	vld [tilespmem:s1+$0x470]  }
0x42: {  	v4 =	vld [tilespmem:s1+$0x1470]  }
0x43: {  	[tilespmem:s1+$0x8440] =	vst v0;
	v0 =	vadd.f32 v5, v2;
	v2 =	vld [tilespmem:s1+$0x800]  }
0x44: {  	v5 =	vld [tilespmem:s1+$0x1800]  }
0x45: {  	[tilespmem:s1+$0x8450] =	vst v0;
	v0 =	vadd.f32 v6, v1;
	v1 =	vld [tilespmem:s1+$0x810]  }
0x46: {  	v6 =	vld [tilespmem:s1+$0x1810]  }
0x47: {  	[tilespmem:s1+$0x8460] =	vst v0;
	v0 =	vadd.f32 v4, v3;
	v3 =	vld [tilespmem:s1+$0x820]  }
0x48: {  	v4 =	vld [tilespmem:s1+$0x1820]  }
0x49: {  	[tilespmem:s1+$0x8470] =	vst v0;
	v0 =	vadd.f32 v5, v2;
	v2 =	vld [tilespmem:s1+$0x830]  }
0x4a: {  	v5 =	vld [tilespmem:s1+$0x1830]  }
0x4b: {  	[tilespmem:s1+$0x8800] =	vst v0;
	v0 =	vadd.f32 v6, v1;
	v1 =	vld [tilespmem:s1+$0x840]  }
0x4c: {  	v6 =	vld [tilespmem:s1+$0x1840]  }
0x4d: {  	[tilespmem:s1+$0x8810] =	vst v0;
	v0 =	vadd.f32 v4, v3;
	v3 =	vld [tilespmem:s1+$0x850]  }
0x4e: {  	v4 =	vld [tilespmem:s1+$0x1850]  }
0x4f: {  	[tilespmem:s1+$0x8820] =	vst v0;
	v0 =	vadd.f32 v5, v2;
	v2 =	vld [tilespmem:s1+$0x860]  }
0x50: {  	v5 =	vld [tilespmem:s1+$0x1860]  }
0x51: {  	[tilespmem:s1+$0x8830] =	vst v0;
	v0 =	vadd.f32 v6, v1;
	v1 =	vld [tilespmem:s1+$0x870]  }
0x52: {  	v6 =	vld [tilespmem:s1+$0x1870]  }
0x53: {  	[tilespmem:s1+$0x8840] =	vst v0;
	v0 =	vadd.f32 v4, v3;
	v3 =	vld [tilespmem:s1+$0xC00]  }
0x54: {  	v4 =	vld [tilespmem:s1+$0x1C00]  }
0x55: {  	[tilespmem:s1+$0x8850] =	vst v0;
	v0 =	vadd.f32 v5, v2;
	v2 =	vld [tilespmem:s1+$0xC10]  }
0x56: {  	v5 =	vld [tilespmem:s1+$0x1C10]  }
0x57: {  	[tilespmem:s1+$0x8860] =	vst v0;
	v0 =	vadd.f32 v6, v1;
	v1 =	vld [tilespmem:s1+$0xC20]  }
0x58: {  	v6 =	vld [tilespmem:s1+$0x1C20]  }
0x59: {  	[tilespmem:s1+$0x8870] =	vst v0;
	v0 =	vadd.f32 v4, v3;
	v3 =	vld [tilespmem:s1+$0xC30]  }
0x5a: {  	v4 =	vld [tilespmem:s1+$0x1C30]  }
0x5b: {  	[tilespmem:s1+$0x8C00] =	vst v0;
	v0 =	vadd.f32 v5, v2;
	v2 =	vld [tilespmem:s1+$0xC40]  }
0x5c: {  	v5 =	vld [tilespmem:s1+$0x1C40]  }
0x5d: {  	[tilespmem:s1+$0x8C10] =	vst v0;
	v0 =	vadd.f32 v6, v1;
	v1 =	vld [tilespmem:s1+$0xC50]  }
0x5e: {  	v6 =	vld [tilespmem:s1+$0x1C50]  }
0x5f: {  	[tilespmem:s1+$0x8C20] =	vst v0;
	v0 =	vadd.f32 v4, v3;
	v3 =	vld [tilespmem:s1+$0xC60]  }
0x60: {  	v4 =	vld [tilespmem:s1+$0x1C60]  }
0x61: {  	[tilespmem:s1+$0x8C30] =	vst v0;
	v0 =	vadd.f32 v5, v2;
	v2 =	vld [tilespmem:s1+$0xC70]  }
0x62: {  	v5 =	vld [tilespmem:s1+$0x1C70]  }
0x63: {  	[tilespmem:s1+$0x8C40] =	vst v0;
	v0 =	vadd.f32 v6, v1;
	v1 =	vld [tilespmem:s1+$0x1000]  }
0x64: {  	v6 =	vld [tilespmem:s1+$0x2000]  }
0x65: {  	[tilespmem:s1+$0x8C50] =	vst v0;
	v0 =	vadd.f32 v4, v3;
	v3 =	vld [tilespmem:s1+$0x1010]  }
0x66: {  	v4 =	vld [tilespmem:s1+$0x2010]  }
0x67: {  	[tilespmem:s1+$0x8C60] =	vst v0;
	v0 =	vadd.f32 v5, v2;
	v2 =	vld [tilespmem:s1+$0x1020]  }
0x68: {  	v5 =	vld [tilespmem:s1+$0x2020]  }
0x69: {  	[tilespmem:s1+$0x8C70] =	vst v0;
	v0 =	vadd.f32 v6, v1;
	v1 =	vld [tilespmem:s1+$0x1030]  }
0x6a: {  	v6 =	vld [tilespmem:s1+$0x2030]  }
0x6b: {  	v8 =	vld [tilespmem:s1+$0x2040]  }
0x6c: {  	v7 =	vld [tilespmem:s1+$0x1040];
	[tilespmem:s1+$0x9000] =	vst v0;
	v0 =	vadd.f32 v4, v3  }
0x6d: {  	v3 =	vld [tilespmem:s1+$0x2050]  }
0x6e: {  	[tilespmem:s1+$0x9010] =	vst v0;
	v0 =	vadd.f32 v5, v2;
	v2 =	vld [tilespmem:s1+$0x1050]  }
0x6f: {  	v4 =	vld [tilespmem:s1+$0x2060];
	v5 =	vadd.f32 v6, v1  }
0x70: {  	s6 =	simm.s32 $0xFFFFFC80;
	[tilespmem:s1+$0x9020] =	vst v0;
	v0 =	vld [tilespmem:s1+$0x1060]  }
0x71: {  	s0 =	simm.s32 $0xFFFFF400;
	v1 =	vld [tilespmem:s6+$0x1070];
	[tilespmem:s1+$0x9030] =	vst v5;
	v5 =	vadd.f32 v8, v7  }
.LBB2_3:
0x72: {  	p2 =	sne.s32 s0, $0xFFFFFE00;
	v6 =	vld [tilespmem:s6+$0x2070]  }
0x73: {  	v7 =	vld [tilespmem:s6+$0x400];
	[tilespmem:s1+$0x9040] =	vst v5;
	v2 =	vadd.f32 v3, v2  }
0x74: {  	v3 =	vld [tilespmem:s6+$0x1400]  }
0x75: {  	v5 =	vld [tilespmem:s6+$0x410];
	[tilespmem:s1+$0x9050] =	vst v2;
	v0 =	vadd.f32 v4, v0  }
0x76: {  	v2 =	vld [tilespmem:s6+$0x1410]  }
0x77: {  	v4 =	vld [tilespmem:s6+$0x420];
	v1 =	vadd.f32 v6, v1;
	[tilespmem:s1+$0x9060] =	vst v0;
	s1 =	smov.u32 s6  }
0x78: {  	v0 =	vld [tilespmem:s1+$0x1420]  }
0x79: {  	v3 =	vadd.f32 v3, v7;
	v6 =	vld [tilespmem:s1+$0x430];
	[tilespmem:s1+$0x9070] =	vst v1  }
0x7a: {  	v1 =	vld [tilespmem:s1+$0x1430]  }
0x7b: {  	[tilespmem:s1+$0x8400] =	vst v3;
	v2 =	vadd.f32 v2, v5;
	v3 =	vld [tilespmem:s1+$0x440]  }
0x7c: {  	v5 =	vld [tilespmem:s1+$0x1440]  }
0x7d: {  	[tilespmem:s1+$0x8410] =	vst v2;
	v0 =	vadd.f32 v0, v4;
	v2 =	vld [tilespmem:s1+$0x450]  }
0x7e: {  	v4 =	vld [tilespmem:s1+$0x1450]  }
0x7f: {  	[tilespmem:s1+$0x8420] =	vst v0;
	v0 =	vadd.f32 v1, v6;
	v1 =	vld [tilespmem:s1+$0x460]  }
0x80: {  	v6 =	vld [tilespmem:s1+$0x1460]  }
0x81: {  	[tilespmem:s1+$0x8430] =	vst v0;
	v0 =	vadd.f32 v5, v3;
	v3 =	vld [tilespmem:s1+$0x470]  }
0x82: {  	v5 =	vld [tilespmem:s1+$0x1470]  }
0x83: {  	[tilespmem:s1+$0x8440] =	vst v0;
	v0 =	vadd.f32 v4, v2;
	v2 =	vld [tilespmem:s1+$0x800]  }
0x84: {  	v4 =	vld [tilespmem:s1+$0x1800]  }
0x85: {  	[tilespmem:s1+$0x8450] =	vst v0;
	v0 =	vadd.f32 v6, v1;
	v1 =	vld [tilespmem:s1+$0x810]  }
0x86: {  	v6 =	vld [tilespmem:s1+$0x1810]  }
0x87: {  	[tilespmem:s1+$0x8460] =	vst v0;
	v0 =	vadd.f32 v5, v3;
	v3 =	vld [tilespmem:s1+$0x820]  }
0x88: {  	v5 =	vld [tilespmem:s1+$0x1820]  }
0x89: {  	[tilespmem:s1+$0x8470] =	vst v0;
	v0 =	vadd.f32 v4, v2;
	v2 =	vld [tilespmem:s1+$0x830]  }
0x8a: {  	v4 =	vld [tilespmem:s1+$0x1830]  }
0x8b: {  	[tilespmem:s1+$0x8800] =	vst v0;
	v0 =	vadd.f32 v6, v1;
	v1 =	vld [tilespmem:s1+$0x840]  }
0x8c: {  	v6 =	vld [tilespmem:s1+$0x1840]  }
0x8d: {  	[tilespmem:s1+$0x8810] =	vst v0;
	v0 =	vadd.f32 v5, v3;
	v3 =	vld [tilespmem:s1+$0x850]  }
0x8e: {  	v5 =	vld [tilespmem:s1+$0x1850]  }
0x8f: {  	[tilespmem:s1+$0x8820] =	vst v0;
	v0 =	vadd.f32 v4, v2;
	v2 =	vld [tilespmem:s1+$0x860]  }
0x90: {  	v4 =	vld [tilespmem:s1+$0x1860]  }
0x91: {  	[tilespmem:s1+$0x8830] =	vst v0;
	v0 =	vadd.f32 v6, v1;
	v1 =	vld [tilespmem:s1+$0x870]  }
0x92: {  	v6 =	vld [tilespmem:s1+$0x1870]  }
0x93: {  	[tilespmem:s1+$0x8840] =	vst v0;
	v0 =	vadd.f32 v5, v3;
	v3 =	vld [tilespmem:s1+$0xC00]  }
0x94: {  	v5 =	vld [tilespmem:s1+$0x1C00]  }
0x95: {  	[tilespmem:s1+$0x8850] =	vst v0;
	v0 =	vadd.f32 v4, v2;
	v2 =	vld [tilespmem:s1+$0xC10]  }
0x96: {  	v4 =	vld [tilespmem:s1+$0x1C10]  }
0x97: {  	[tilespmem:s1+$0x8860] =	vst v0;
	v0 =	vadd.f32 v6, v1;
	v1 =	vld [tilespmem:s1+$0xC20]  }
0x98: {  	v6 =	vld [tilespmem:s1+$0x1C20]  }
0x99: {  	[tilespmem:s1+$0x8870] =	vst v0;
	v0 =	vadd.f32 v5, v3;
	v3 =	vld [tilespmem:s1+$0xC30]  }
0x9a: {  	v5 =	vld [tilespmem:s1+$0x1C30]  }
0x9b: {  	[tilespmem:s1+$0x8C00] =	vst v0;
	v0 =	vadd.f32 v4, v2;
	v2 =	vld [tilespmem:s1+$0xC40]  }
0x9c: {  	v4 =	vld [tilespmem:s1+$0x1C40]  }
0x9d: {  	[tilespmem:s1+$0x8C10] =	vst v0;
	v0 =	vadd.f32 v6, v1;
	v1 =	vld [tilespmem:s1+$0xC50]  }
0x9e: {  	v6 =	vld [tilespmem:s1+$0x1C50]  }
0x9f: {  	[tilespmem:s1+$0x8C20] =	vst v0;
	v0 =	vadd.f32 v5, v3;
	v3 =	vld [tilespmem:s1+$0xC60]  }
0xa0: {  	v5 =	vld [tilespmem:s1+$0x1C60]  }
0xa1: {  	[tilespmem:s1+$0x8C30] =	vst v0;
	v0 =	vadd.f32 v4, v2;
	v2 =	vld [tilespmem:s1+$0xC70]  }
0xa2: {  	v4 =	vld [tilespmem:s1+$0x1C70]  }
0xa3: {  	[tilespmem:s1+$0x8C40] =	vst v0;
	v0 =	vadd.f32 v6, v1;
	v1 =	vld [tilespmem:s1+$0x1000]  }
0xa4: {  	v6 =	vld [tilespmem:s1+$0x2000]  }
0xa5: {  	[tilespmem:s1+$0x8C50] =	vst v0;
	v0 =	vadd.f32 v5, v3;
	v3 =	vld [tilespmem:s1+$0x1010]  }
0xa6: {  	v5 =	vld [tilespmem:s1+$0x2010]  }
0xa7: {  	[tilespmem:s1+$0x8C60] =	vst v0;
	v0 =	vadd.f32 v4, v2;
	v2 =	vld [tilespmem:s1+$0x1020]  }
0xa8: {  	v4 =	vld [tilespmem:s1+$0x2020]  }
0xa9: {  	[tilespmem:s1+$0x8C70] =	vst v0;
	v0 =	vadd.f32 v6, v1;
	v1 =	vld [tilespmem:s1+$0x1030]  }
0xaa: {  	v6 =	vld [tilespmem:s1+$0x2030]  }
0xab: {  	[tilespmem:s1+$0x9000] =	vst v0;
	v0 =	vadd.f32 v5, v3;
	v5 =	vld [tilespmem:s1+$0x1040]  }
0xac: {  	v7 =	vld [tilespmem:s1+$0x2040]  }
.Ltmp4:
0xad: {  	[tilespmem:s1+$0x9010] =	vst v0;
	v0 =	vadd.f32 v4, v2;
	v2 =	vld [tilespmem:s1+$0x1050];
	(pc) =	sbr.rel @p2 .LBB2_3-.Ltmp4, $4  }
0xae: {  	v3 =	vld [tilespmem:s1+$0x2050]  }
0xaf: {  	[tilespmem:s1+$0x9020] =	vst v0;
	v6 =	vadd.f32 v6, v1;
	v0 =	vld [tilespmem:s1+$0x1060]  }
0xb0: {  	s6 =	sshra.s32 s0, $0x2;
	v4 =	vld [tilespmem:s1+$0x2060]  }
0xb1: {  	s0 =	sadd.s32 $0x200, s0;
	v1 =	vld [tilespmem:s6+$0x1070];
	[tilespmem:s1+$0x9030] =	vst v6;
	v5 =	vadd.f32 v7, v5  }
0xb2: {  	v6 =	vld [tilespmem:s6+$0x2070]  }
0xb3: {  	v7 =	vld [tilespmem:s6+$0x400];
	[tilespmem:s1+$0x9040] =	vst v5;
	v2 =	vadd.f32 v3, v2  }
0xb4: {  	v35 =	vld [tilespmem:s6+$0x1400]  }
0xb5: {  	v5 =	vld [tilespmem:s6+$0x410];
	[tilespmem:s1+$0x9050] =	vst v2;
	v0 =	vadd.f32 v4, v0  }
0xb6: {  	v2 =	vld [tilespmem:s6+$0x1410]  }
0xb7: {  	v36 =	vld [tilespmem:s6+$0x420];
	[tilespmem:s1+$0x9060] =	vst v0  }
0xb8: {  	v38 =	vld [tilespmem:s6+$0x1420]  }
0xb9: {  	v39 =	vld [tilespmem:s6+$0x430]  }
0xba: {  	v40 =	vld [tilespmem:s6+$0x1430]  }
0xbb: {  	v41 =	vld [tilespmem:s6+$0x440]  }
0xbc: {  	v42 =	vld [tilespmem:s6+$0x1440]  }
0xbd: {  	v43 =	vld [tilespmem:s6+$0x450]  }
0xbe: {  	v44 =	vld [tilespmem:s6+$0x1450]  }
0xbf: {  	v45 =	vld [tilespmem:s6+$0x460]  }
0xc0: {  	v46 =	vld [tilespmem:s6+$0x1460]  }
0xc1: {  	v48 =	vld [tilespmem:s6+$0x470]  }
0xc2: {  	v49 =	vld [tilespmem:s6+$0x1470]  }
0xc3: {  	v51 =	vld [tilespmem:s6+$0x800]  }
0xc4: {  	v52 =	vld [tilespmem:s6+$0x1800]  }
0xc5: {  	v54 =	vld [tilespmem:s6+$0x810]  }
0xc6: {  	v55 =	vld [tilespmem:s6+$0x1810]  }
0xc7: {  	v57 =	vld [tilespmem:s6+$0x820]  }
0xc8: {  	v58 =	vld [tilespmem:s6+$0x1820]  }
0xc9: {  	v60 =	vld [tilespmem:s6+$0x830]  }
0xca: {  	v61 =	vld [tilespmem:s6+$0x1830]  }
0xcb: {  	v63 =	vld [tilespmem:s6+$0x840]  }
0xcc: {  	v9 =	vld [tilespmem:s6+$0x1840]  }
0xcd: {  	v11 =	vld [tilespmem:s6+$0x850]  }
0xce: {  	v12 =	vld [tilespmem:s6+$0x1850]  }
0xcf: {  	v14 =	vld [tilespmem:s6+$0x860]  }
0xd0: {  	v15 =	vld [tilespmem:s6+$0x1860]  }
0xd1: {  	v17 =	vld [tilespmem:s6+$0x870]  }
0xd2: {  	v18 =	vld [tilespmem:s6+$0x1870]  }
0xd3: {  	v20 =	vld [tilespmem:s6+$0xC00]  }
0xd4: {  	v21 =	vld [tilespmem:s6+$0x1C00]  }
0xd5: {  	v23 =	vld [tilespmem:s6+$0xC10]  }
0xd6: {  	v37 =	vadd.f32 v6, v1;
	v24 =	vld [tilespmem:s6+$0x1C10]  }
0xd7: {  	v26 =	vld [tilespmem:s6+$0xC20];
	v3 =	vadd.f32 v35, v7  }
0xd8: {  	v27 =	vld [tilespmem:s6+$0x1C20];
	[tilespmem:s6+$0x9070] =	vst v37;
	v2 =	vadd.f32 v2, v5  }
0xd9: {  	v29 =	vld [tilespmem:s6+$0xC30];
	[tilespmem:s6+$0x8400] =	vst v3;
	v1 =	vadd.f32 v38, v36  }
0xda: {  	v30 =	vld [tilespmem:s6+$0x1C30];
	[tilespmem:s6+$0x8410] =	vst v2;
	v0 =	vadd.f32 v40, v39  }
0xdb: {  	v32 =	vld [tilespmem:s6+$0xC40];
	v47 =	vadd.f32 v42, v41;
	[tilespmem:s6+$0x8420] =	vst v1  }
0xdc: {  	v33 =	vld [tilespmem:s6+$0x1C40];
	v50 =	vadd.f32 v44, v43;
	[tilespmem:s6+$0x8430] =	vst v0  }
0xdd: {  	v35 =	vld [tilespmem:s6+$0xC50];
	v53 =	vadd.f32 v46, v45;
	[tilespmem:s6+$0x8440] =	vst v47  }
0xde: {  	v56 =	vadd.f32 v49, v48;
	v36 =	vld [tilespmem:s6+$0x1C50];
	[tilespmem:s6+$0x8450] =	vst v50  }
0xdf: {  	v59 =	vadd.f32 v52, v51;
	v38 =	vld [tilespmem:s6+$0xC60];
	[tilespmem:s6+$0x8460] =	vst v53  }
0xe0: {  	v62 =	vadd.f32 v55, v54;
	v39 =	vld [tilespmem:s6+$0x1C60];
	[tilespmem:s6+$0x8470] =	vst v56  }
0xe1: {  	v10 =	vadd.f32 v58, v57;
	v41 =	vld [tilespmem:s6+$0xC70];
	[tilespmem:s6+$0x8800] =	vst v59  }
0xe2: {  	v13 =	vadd.f32 v61, v60;
	v42 =	vld [tilespmem:s6+$0x1C70];
	[tilespmem:s6+$0x8810] =	vst v62  }
0xe3: {  	v16 =	vadd.f32 v9, v63;
	v44 =	vld [tilespmem:s6+$0x1000];
	[tilespmem:s6+$0x8820] =	vst v10  }
0xe4: {  	v19 =	vadd.f32 v12, v11;
	v45 =	vld [tilespmem:s6+$0x2000];
	[tilespmem:s6+$0x8830] =	vst v13  }
0xe5: {  	v22 =	vadd.f32 v15, v14;
	v48 =	vld [tilespmem:s6+$0x2010];
	[tilespmem:s6+$0x8840] =	vst v16  }
0xe6: {  	v25 =	vadd.f32 v18, v17;
	v51 =	vld [tilespmem:s6+$0x2020];
	[tilespmem:s6+$0x8850] =	vst v19  }
0xe7: {  	v28 =	vadd.f32 v21, v20;
	v54 =	vld [tilespmem:s6+$0x2030];
	[tilespmem:s6+$0x8860] =	vst v22  }
0xe8: {  	v31 =	vadd.f32 v24, v23;
	v57 =	vld [tilespmem:s6+$0x2040];
	[tilespmem:s6+$0x8870] =	vst v25  }
0xe9: {  	v34 =	vadd.f32 v27, v26;
	v60 =	vld [tilespmem:s6+$0x2050];
	[tilespmem:s6+$0x8C00] =	vst v28  }
0xea: {  	v37 =	vadd.f32 v30, v29;
	v61 =	vld [tilespmem:s6+$0x1060];
	[tilespmem:s6+$0x8C10] =	vst v31  }
0xeb: {  	v40 =	vadd.f32 v33, v32;
	[tilespmem:s6+$0x8C20] =	vst v34;
	v47 =	vld [tilespmem:s6+$0x1010]  }
0xec: {  	[tilespmem:s6+$0x8C30] =	vst v37;
	v50 =	vld [tilespmem:s6+$0x1020];
	v43 =	vadd.f32 v36, v35  }
0xed: {  	[tilespmem:s6+$0x8C40] =	vst v40;
	v53 =	vld [tilespmem:s6+$0x1030];
	v46 =	vadd.f32 v39, v38  }
0xee: {  	v56 =	vld [tilespmem:s6+$0x1040];
	v49 =	vadd.f32 v42, v41;
	[tilespmem:s6+$0x8C50] =	vst v43  }
0xef: {  	v59 =	vld [tilespmem:s6+$0x1050];
	v52 =	vadd.f32 v45, v44;
	[tilespmem:s6+$0x8C60] =	vst v46  }
0xf0: {  	v62 =	vld [tilespmem:s6+$0x2060];
	[tilespmem:s6+$0x8C70] =	vst v49;
	v55 =	vadd.f32 v48, v47  }
0xf1: {  	[tilespmem:s6+$0x9000] =	vst v52;
	v58 =	vadd.f32 v51, v50  }
0xf2: {  	s1 =	sor.u32 $0x20, s31;
	v1 =	vadd.f32 v54, v53;
	[tilespmem:s6+$0x9010] =	vst v55  }
0xf3: {  	p2 =	sgt.u32 s1, $0x5CF;
	v3 =	vadd.f32 v57, v56;
	[tilespmem:s6+$0x9020] =	vst v58  }
.Ltmp5:
0xf4: {  	v63 =	vadd.f32 v60, v59;
	[tilespmem:s6+$0x9030] =	vst v1;
	(pc) =	sbr.rel @p2 .LBB2_6-.Ltmp5, $4  }
0xf5: {  	s0 =	sshll.u32 s31, $0x9;
	v0 =	vadd.f32 v62, v61;
	[tilespmem:s6+$0x9040] =	vst v3  }
0xf6: {  	s0 =	sand.u32 $0xF2000, s0;
	[tilespmem:s6+$0x9050] =	vst v63  }
0xf7: {  	s0 =	sadd.s32 s0, s12;
	[tilespmem:s6+$0x9060] =	vst v0  }
0xf8: {  	[hbm4b:s0+s4] =	stream.linear.scatter [tilespmem:s19], [sflag:$0x5], $0x1000, $0x38;
	[tilespmem:$0xC000] =	vst v63  }
.Ltmp6:
0xf9: {  	s0 =	sadd.s32 s8, s30;
	(pc) =	sbr.rel .LBB2_7-.Ltmp6, $4  }
0xfa: {  	s0 =	sshll.u32 s0, $0xA  }
0xfb: {  	s0 =	sand.u32 $0x3E4000, s0  }
0xfc: {  	s0 =	sadd.s32 s0, s11  }
0xfd: {  	[tilespmem:s4], [sflag:$0x1] =	stream.strided.gather [hbm4b:s0+s14], $0x2000, s15, s14, $0x38;
	[tilespmem:$0xC000] =	vst v63  }
.LBB2_6:
0xfe: {  	p2 =	sgt.u32 s1, $0x62F  }
.Ltmp7:
0xff: {  	_ = 	snop;
	(pc) =	sbr.rel @p2 .LBB2_8-.Ltmp7, $1  }
0x100: {  	_ =	sdelay $0x3  }
.LBB2_7:
0x101: {  	_ =	swait.ge [sflag:s20], $0x2000  }
0x102: {  	[sflag:s20] =	ssyncset.done $0x0  }
0x103: {  	[sflag:s20] =	ssyncadd.s32 $0xFFFFE000  }
.LBB2_8:
0x104: {  	p2 =	sgt.u32 s1, $0x62F  }
.Ltmp8:
0x105: {  	_ = 	snop;
	(pc) =	sbr.rel @p2 .LBB2_12-.Ltmp8, $4  }
0x106: {  	s0 =	simm.s32 @!p1 $0x6  }
0x107: {  	_ =	swait.ge @!p1 [sflag:s0], $0x1000  }
0x108: {  	[sflag:s0] =	ssyncset.done @!p1 $0x0  }
0x109: {  	[sflag:s0] =	ssyncadd.s32 @!p1 $0xFFFFF000  }
0x10a: {  	s0 =	simm.s32 $0xFFFFFC00  }
0x10b: {  	v0 =	vld [tilespmem:s0+$0x3070]  }
0x10c: {  	v1 =	vld [tilespmem:s0+$0x4070]  }
0x10d: {  	v2 =	vld [tilespmem:s0+$0x2400]  }
0x10e: {  	v3 =	vld [tilespmem:s0+$0x3400]  }
0x10f: {  	v4 =	vld [tilespmem:s0+$0x2410]  }
0x110: {  	v5 =	vld [tilespmem:s0+$0x3410]  }
0x111: {  	v6 =	vld [tilespmem:s0+$0x2420]  }
0x112: {  	v7 =	vld [tilespmem:s0+$0x2430];
	v0 =	vadd.f32 v1, v0  }
0x113: {  	v1 =	vld [tilespmem:s0+$0x3420]  }
0x114: {  	v2 =	vadd.f32 v3, v2;
	[tilespmem:s0+$0xA070] =	vst v0;
	v0 =	vld [tilespmem:s0+$0x3430]  }
0x115: {  	v3 =	vld [tilespmem:s0+$0x2440]  }
0x116: {  	[tilespmem:s0+$0x9400] =	vst v2;
	v2 =	vadd.f32 v5, v4;
	v4 =	vld [tilespmem:s0+$0x3440]  }
0x117: {  	v5 =	vld [tilespmem:s0+$0x3450]  }
0x118: {  	[tilespmem:s0+$0x9410] =	vst v2;
	v2 =	vld [tilespmem:s0+$0x2450];
	v1 =	vadd.f32 v1, v6  }
0x119: {  	v6 =	vld [tilespmem:s0+$0x3460];
	v0 =	vadd.f32 v0, v7  }
0x11a: {  	[tilespmem:s0+$0x9420] =	vst v1;
	v1 =	vld [tilespmem:s0+$0x2460]  }
0x11b: {  	[tilespmem:s0+$0x9430] =	vst v0;
	v0 =	vadd.f32 v4, v3;
	v3 =	vld [tilespmem:s0+$0x2470]  }
0x11c: {  	v4 =	vld [tilespmem:s0+$0x3470]  }
0x11d: {  	[tilespmem:s0+$0x9440] =	vst v0;
	v0 =	vadd.f32 v5, v2;
	v2 =	vld [tilespmem:s0+$0x2800]  }
0x11e: {  	v5 =	vld [tilespmem:s0+$0x3800]  }
0x11f: {  	[tilespmem:s0+$0x9450] =	vst v0;
	v0 =	vadd.f32 v6, v1;
	v1 =	vld [tilespmem:s0+$0x2810]  }
0x120: {  	v6 =	vld [tilespmem:s0+$0x3810]  }
0x121: {  	[tilespmem:s0+$0x9460] =	vst v0;
	v0 =	vadd.f32 v4, v3;
	v3 =	vld [tilespmem:s0+$0x2820]  }
0x122: {  	v4 =	vld [tilespmem:s0+$0x3820]  }
0x123: {  	[tilespmem:s0+$0x9470] =	vst v0;
	v0 =	vadd.f32 v5, v2;
	v2 =	vld [tilespmem:s0+$0x2830]  }
0x124: {  	v5 =	vld [tilespmem:s0+$0x3830]  }
0x125: {  	[tilespmem:s0+$0x9800] =	vst v0;
	v0 =	vadd.f32 v6, v1;
	v1 =	vld [tilespmem:s0+$0x2840]  }
0x126: {  	v6 =	vld [tilespmem:s0+$0x3840]  }
0x127: {  	[tilespmem:s0+$0x9810] =	vst v0;
	v0 =	vadd.f32 v4, v3;
	v3 =	vld [tilespmem:s0+$0x2850]  }
0x128: {  	v4 =	vld [tilespmem:s0+$0x3850]  }
0x129: {  	[tilespmem:s0+$0x9820] =	vst v0;
	v0 =	vadd.f32 v5, v2;
	v2 =	vld [tilespmem:s0+$0x2860]  }
0x12a: {  	v5 =	vld [tilespmem:s0+$0x3860]  }
0x12b: {  	[tilespmem:s0+$0x9830] =	vst v0;
	v0 =	vadd.f32 v6, v1;
	v1 =	vld [tilespmem:s0+$0x2870]  }
0x12c: {  	v6 =	vld [tilespmem:s0+$0x3870]  }
0x12d: {  	[tilespmem:s0+$0x9840] =	vst v0;
	v0 =	vadd.f32 v4, v3;
	v3 =	vld [tilespmem:s0+$0x2C00]  }
0x12e: {  	v4 =	vld [tilespmem:s0+$0x3C00]  }
0x12f: {  	[tilespmem:s0+$0x9850] =	vst v0;
	v0 =	vadd.f32 v5, v2;
	v2 =	vld [tilespmem:s0+$0x2C10]  }
0x130: {  	v5 =	vld [tilespmem:s0+$0x3C10]  }
0x131: {  	[tilespmem:s0+$0x9860] =	vst v0;
	v0 =	vadd.f32 v6, v1;
	v1 =	vld [tilespmem:s0+$0x2C20]  }
0x132: {  	v6 =	vld [tilespmem:s0+$0x3C20]  }
0x133: {  	[tilespmem:s0+$0x9870] =	vst v0;
	v0 =	vadd.f32 v4, v3;
	v3 =	vld [tilespmem:s0+$0x2C30]  }
0x134: {  	v4 =	vld [tilespmem:s0+$0x3C30]  }
0x135: {  	[tilespmem:s0+$0x9C00] =	vst v0;
	v0 =	vadd.f32 v5, v2;
	v2 =	vld [tilespmem:s0+$0x2C40]  }
0x136: {  	v5 =	vld [tilespmem:s0+$0x3C40]  }
0x137: {  	[tilespmem:s0+$0x9C10] =	vst v0;
	v0 =	vadd.f32 v6, v1;
	v1 =	vld [tilespmem:s0+$0x2C50]  }
0x138: {  	v6 =	vld [tilespmem:s0+$0x3C50]  }
0x139: {  	[tilespmem:s0+$0x9C20] =	vst v0;
	v0 =	vadd.f32 v4, v3;
	v3 =	vld [tilespmem:s0+$0x2C60]  }
0x13a: {  	v4 =	vld [tilespmem:s0+$0x3C60]  }
0x13b: {  	[tilespmem:s0+$0x9C30] =	vst v0;
	v0 =	vadd.f32 v5, v2;
	v2 =	vld [tilespmem:s0+$0x2C70]  }
0x13c: {  	v5 =	vld [tilespmem:s0+$0x3C70]  }
0x13d: {  	[tilespmem:s0+$0x9C40] =	vst v0;
	v0 =	vadd.f32 v6, v1;
	v1 =	vld [tilespmem:s0+$0x3000]  }
0x13e: {  	v6 =	vld [tilespmem:s0+$0x4000]  }
0x13f: {  	[tilespmem:s0+$0x9C50] =	vst v0;
	v0 =	vadd.f32 v4, v3;
	v3 =	vld [tilespmem:s0+$0x3010]  }
0x140: {  	v4 =	vld [tilespmem:s0+$0x4010]  }
0x141: {  	[tilespmem:s0+$0x9C60] =	vst v0;
	v0 =	vadd.f32 v5, v2;
	v2 =	vld [tilespmem:s0+$0x3020]  }
0x142: {  	v5 =	vld [tilespmem:s0+$0x4020]  }
0x143: {  	[tilespmem:s0+$0x9C70] =	vst v0;
	v0 =	vadd.f32 v6, v1;
	v1 =	vld [tilespmem:s0+$0x3030]  }
0x144: {  	v6 =	vld [tilespmem:s0+$0x4030]  }
0x145: {  	v8 =	vld [tilespmem:s0+$0x4040]  }
0x146: {  	v7 =	vld [tilespmem:s0+$0x3040];
	[tilespmem:s0+$0xA000] =	vst v0;
	v0 =	vadd.f32 v4, v3  }
0x147: {  	v3 =	vld [tilespmem:s0+$0x4050]  }
0x148: {  	[tilespmem:s0+$0xA010] =	vst v0;
	v0 =	vadd.f32 v5, v2;
	v2 =	vld [tilespmem:s0+$0x3050]  }
0x149: {  	v4 =	vld [tilespmem:s0+$0x4060];
	v5 =	vadd.f32 v6, v1  }
0x14a: {  	s7 =	simm.s32 $0xFFFFFC80;
	[tilespmem:s0+$0xA020] =	vst v0;
	v0 =	vld [tilespmem:s0+$0x3060]  }
0x14b: {  	s6 =	simm.s32 $0xFFFFF400;
	v1 =	vld [tilespmem:s7+$0x3070];
	[tilespmem:s0+$0xA030] =	vst v5;
	v5 =	vadd.f32 v8, v7  }
.LBB2_10:
0x14c: {  	p2 =	sne.s32 s6, $0xFFFFFE00;
	v6 =	vld [tilespmem:s7+$0x4070]  }
0x14d: {  	v7 =	vld [tilespmem:s7+$0x2400];
	[tilespmem:s0+$0xA040] =	vst v5;
	v2 =	vadd.f32 v3, v2  }
0x14e: {  	v3 =	vld [tilespmem:s7+$0x3400]  }
0x14f: {  	v5 =	vld [tilespmem:s7+$0x2410];
	[tilespmem:s0+$0xA050] =	vst v2;
	v0 =	vadd.f32 v4, v0  }
0x150: {  	v2 =	vld [tilespmem:s7+$0x3410]  }
0x151: {  	v4 =	vld [tilespmem:s7+$0x2420];
	v1 =	vadd.f32 v6, v1;
	[tilespmem:s0+$0xA060] =	vst v0;
	s0 =	smov.u32 s7  }
0x152: {  	v0 =	vld [tilespmem:s0+$0x3420]  }
0x153: {  	v3 =	vadd.f32 v3, v7;
	v6 =	vld [tilespmem:s0+$0x2430];
	[tilespmem:s0+$0xA070] =	vst v1  }
0x154: {  	v1 =	vld [tilespmem:s0+$0x3430]  }
0x155: {  	[tilespmem:s0+$0x9400] =	vst v3;
	v2 =	vadd.f32 v2, v5;
	v3 =	vld [tilespmem:s0+$0x2440]  }
0x156: {  	v5 =	vld [tilespmem:s0+$0x3440]  }
0x157: {  	[tilespmem:s0+$0x9410] =	vst v2;
	v0 =	vadd.f32 v0, v4;
	v2 =	vld [tilespmem:s0+$0x2450]  }
0x158: {  	v4 =	vld [tilespmem:s0+$0x3450]  }
0x159: {  	[tilespmem:s0+$0x9420] =	vst v0;
	v0 =	vadd.f32 v1, v6;
	v1 =	vld [tilespmem:s0+$0x2460]  }
0x15a: {  	v6 =	vld [tilespmem:s0+$0x3460]  }
0x15b: {  	[tilespmem:s0+$0x9430] =	vst v0;
	v0 =	vadd.f32 v5, v3;
	v3 =	vld [tilespmem:s0+$0x2470]  }
0x15c: {  	v5 =	vld [tilespmem:s0+$0x3470]  }
0x15d: {  	[tilespmem:s0+$0x9440] =	vst v0;
	v0 =	vadd.f32 v4, v2;
	v2 =	vld [tilespmem:s0+$0x2800]  }
0x15e: {  	v4 =	vld [tilespmem:s0+$0x3800]  }
0x15f: {  	[tilespmem:s0+$0x9450] =	vst v0;
	v0 =	vadd.f32 v6, v1;
	v1 =	vld [tilespmem:s0+$0x2810]  }
0x160: {  	v6 =	vld [tilespmem:s0+$0x3810]  }
0x161: {  	[tilespmem:s0+$0x9460] =	vst v0;
	v0 =	vadd.f32 v5, v3;
	v3 =	vld [tilespmem:s0+$0x2820]  }
0x162: {  	v5 =	vld [tilespmem:s0+$0x3820]  }
0x163: {  	[tilespmem:s0+$0x9470] =	vst v0;
	v0 =	vadd.f32 v4, v2;
	v2 =	vld [tilespmem:s0+$0x2830]  }
0x164: {  	v4 =	vld [tilespmem:s0+$0x3830]  }
0x165: {  	[tilespmem:s0+$0x9800] =	vst v0;
	v0 =	vadd.f32 v6, v1;
	v1 =	vld [tilespmem:s0+$0x2840]  }
0x166: {  	v6 =	vld [tilespmem:s0+$0x3840]  }
0x167: {  	[tilespmem:s0+$0x9810] =	vst v0;
	v0 =	vadd.f32 v5, v3;
	v3 =	vld [tilespmem:s0+$0x2850]  }
0x168: {  	v5 =	vld [tilespmem:s0+$0x3850]  }
0x169: {  	[tilespmem:s0+$0x9820] =	vst v0;
	v0 =	vadd.f32 v4, v2;
	v2 =	vld [tilespmem:s0+$0x2860]  }
0x16a: {  	v4 =	vld [tilespmem:s0+$0x3860]  }
0x16b: {  	[tilespmem:s0+$0x9830] =	vst v0;
	v0 =	vadd.f32 v6, v1;
	v1 =	vld [tilespmem:s0+$0x2870]  }
0x16c: {  	v6 =	vld [tilespmem:s0+$0x3870]  }
0x16d: {  	[tilespmem:s0+$0x9840] =	vst v0;
	v0 =	vadd.f32 v5, v3;
	v3 =	vld [tilespmem:s0+$0x2C00]  }
0x16e: {  	v5 =	vld [tilespmem:s0+$0x3C00]  }
0x16f: {  	[tilespmem:s0+$0x9850] =	vst v0;
	v0 =	vadd.f32 v4, v2;
	v2 =	vld [tilespmem:s0+$0x2C10]  }
0x170: {  	v4 =	vld [tilespmem:s0+$0x3C10]  }
0x171: {  	[tilespmem:s0+$0x9860] =	vst v0;
	v0 =	vadd.f32 v6, v1;
	v1 =	vld [tilespmem:s0+$0x2C20]  }
0x172: {  	v6 =	vld [tilespmem:s0+$0x3C20]  }
0x173: {  	[tilespmem:s0+$0x9870] =	vst v0;
	v0 =	vadd.f32 v5, v3;
	v3 =	vld [tilespmem:s0+$0x2C30]  }
0x174: {  	v5 =	vld [tilespmem:s0+$0x3C30]  }
0x175: {  	[tilespmem:s0+$0x9C00] =	vst v0;
	v0 =	vadd.f32 v4, v2;
	v2 =	vld [tilespmem:s0+$0x2C40]  }
0x176: {  	v4 =	vld [tilespmem:s0+$0x3C40]  }
0x177: {  	[tilespmem:s0+$0x9C10] =	vst v0;
	v0 =	vadd.f32 v6, v1;
	v1 =	vld [tilespmem:s0+$0x2C50]  }
0x178: {  	v6 =	vld [tilespmem:s0+$0x3C50]  }
0x179: {  	[tilespmem:s0+$0x9C20] =	vst v0;
	v0 =	vadd.f32 v5, v3;
	v3 =	vld [tilespmem:s0+$0x2C60]  }
0x17a: {  	v5 =	vld [tilespmem:s0+$0x3C60]  }
0x17b: {  	[tilespmem:s0+$0x9C30] =	vst v0;
	v0 =	vadd.f32 v4, v2;
	v2 =	vld [tilespmem:s0+$0x2C70]  }
0x17c: {  	v4 =	vld [tilespmem:s0+$0x3C70]  }
0x17d: {  	[tilespmem:s0+$0x9C40] =	vst v0;
	v0 =	vadd.f32 v6, v1;
	v1 =	vld [tilespmem:s0+$0x3000]  }
0x17e: {  	v6 =	vld [tilespmem:s0+$0x4000]  }
0x17f: {  	[tilespmem:s0+$0x9C50] =	vst v0;
	v0 =	vadd.f32 v5, v3;
	v3 =	vld [tilespmem:s0+$0x3010]  }
0x180: {  	v5 =	vld [tilespmem:s0+$0x4010]  }
0x181: {  	[tilespmem:s0+$0x9C60] =	vst v0;
	v0 =	vadd.f32 v4, v2;
	v2 =	vld [tilespmem:s0+$0x3020]  }
0x182: {  	v4 =	vld [tilespmem:s0+$0x4020]  }
0x183: {  	[tilespmem:s0+$0x9C70] =	vst v0;
	v0 =	vadd.f32 v6, v1;
	v1 =	vld [tilespmem:s0+$0x3030]  }
0x184: {  	v6 =	vld [tilespmem:s0+$0x4030]  }
0x185: {  	[tilespmem:s0+$0xA000] =	vst v0;
	v0 =	vadd.f32 v5, v3;
	v5 =	vld [tilespmem:s0+$0x3040]  }
0x186: {  	v7 =	vld [tilespmem:s0+$0x4040]  }
.Ltmp9:
0x187: {  	[tilespmem:s0+$0xA010] =	vst v0;
	v0 =	vadd.f32 v4, v2;
	v2 =	vld [tilespmem:s0+$0x3050];
	(pc) =	sbr.rel @p2 .LBB2_10-.Ltmp9, $4  }
0x188: {  	v3 =	vld [tilespmem:s0+$0x4050]  }
0x189: {  	[tilespmem:s0+$0xA020] =	vst v0;
	v6 =	vadd.f32 v6, v1;
	v0 =	vld [tilespmem:s0+$0x3060]  }
0x18a: {  	s7 =	sshra.s32 s6, $0x2;
	v4 =	vld [tilespmem:s0+$0x4060]  }
0x18b: {  	s6 =	sadd.s32 $0x200, s6;
	v1 =	vld [tilespmem:s7+$0x3070];
	[tilespmem:s0+$0xA030] =	vst v6;
	v5 =	vadd.f32 v7, v5  }
0x18c: {  	v6 =	vld [tilespmem:s7+$0x4070]  }
0x18d: {  	v7 =	vld [tilespmem:s7+$0x2400];
	[tilespmem:s0+$0xA040] =	vst v5;
	v2 =	vadd.f32 v3, v2  }
0x18e: {  	v35 =	vld [tilespmem:s7+$0x3400]  }
0x18f: {  	v5 =	vld [tilespmem:s7+$0x2410];
	[tilespmem:s0+$0xA050] =	vst v2;
	v0 =	vadd.f32 v4, v0  }
0x190: {  	v2 =	vld [tilespmem:s7+$0x3410]  }
0x191: {  	v36 =	vld [tilespmem:s7+$0x2420];
	[tilespmem:s0+$0xA060] =	vst v0  }
0x192: {  	v38 =	vld [tilespmem:s7+$0x3420]  }
0x193: {  	v39 =	vld [tilespmem:s7+$0x2430]  }
0x194: {  	v40 =	vld [tilespmem:s7+$0x3430]  }
0x195: {  	v41 =	vld [tilespmem:s7+$0x2440]  }
0x196: {  	v42 =	vld [tilespmem:s7+$0x3440]  }
0x197: {  	v43 =	vld [tilespmem:s7+$0x2450]  }
0x198: {  	v44 =	vld [tilespmem:s7+$0x3450]  }
0x199: {  	v45 =	vld [tilespmem:s7+$0x2460]  }
0x19a: {  	v46 =	vld [tilespmem:s7+$0x3460]  }
0x19b: {  	v48 =	vld [tilespmem:s7+$0x2470]  }
0x19c: {  	v49 =	vld [tilespmem:s7+$0x3470]  }
0x19d: {  	v51 =	vld [tilespmem:s7+$0x2800]  }
0x19e: {  	v52 =	vld [tilespmem:s7+$0x3800]  }
0x19f: {  	v54 =	vld [tilespmem:s7+$0x2810]  }
0x1a0: {  	v55 =	vld [tilespmem:s7+$0x3810]  }
0x1a1: {  	v57 =	vld [tilespmem:s7+$0x2820]  }
0x1a2: {  	v58 =	vld [tilespmem:s7+$0x3820]  }
0x1a3: {  	v60 =	vld [tilespmem:s7+$0x2830]  }
0x1a4: {  	v61 =	vld [tilespmem:s7+$0x3830]  }
0x1a5: {  	v63 =	vld [tilespmem:s7+$0x2840]  }
0x1a6: {  	v9 =	vld [tilespmem:s7+$0x3840]  }
0x1a7: {  	v11 =	vld [tilespmem:s7+$0x2850]  }
0x1a8: {  	v12 =	vld [tilespmem:s7+$0x3850]  }
0x1a9: {  	v14 =	vld [tilespmem:s7+$0x2860]  }
0x1aa: {  	v15 =	vld [tilespmem:s7+$0x3860]  }
0x1ab: {  	v17 =	vld [tilespmem:s7+$0x2870]  }
0x1ac: {  	v18 =	vld [tilespmem:s7+$0x3870]  }
0x1ad: {  	v20 =	vld [tilespmem:s7+$0x2C00]  }
0x1ae: {  	v21 =	vld [tilespmem:s7+$0x3C00]  }
0x1af: {  	v23 =	vld [tilespmem:s7+$0x2C10]  }
0x1b0: {  	v37 =	vadd.f32 v6, v1;
	v24 =	vld [tilespmem:s7+$0x3C10]  }
0x1b1: {  	v26 =	vld [tilespmem:s7+$0x2C20];
	v3 =	vadd.f32 v35, v7  }
0x1b2: {  	v27 =	vld [tilespmem:s7+$0x3C20];
	[tilespmem:s7+$0xA070] =	vst v37;
	v2 =	vadd.f32 v2, v5  }
0x1b3: {  	v29 =	vld [tilespmem:s7+$0x2C30];
	[tilespmem:s7+$0x9400] =	vst v3;
	v1 =	vadd.f32 v38, v36  }
0x1b4: {  	v30 =	vld [tilespmem:s7+$0x3C30];
	[tilespmem:s7+$0x9410] =	vst v2;
	v0 =	vadd.f32 v40, v39  }
0x1b5: {  	v32 =	vld [tilespmem:s7+$0x2C40];
	v47 =	vadd.f32 v42, v41;
	[tilespmem:s7+$0x9420] =	vst v1  }
0x1b6: {  	v33 =	vld [tilespmem:s7+$0x3C40];
	v50 =	vadd.f32 v44, v43;
	[tilespmem:s7+$0x9430] =	vst v0  }
0x1b7: {  	v35 =	vld [tilespmem:s7+$0x2C50];
	v53 =	vadd.f32 v46, v45;
	[tilespmem:s7+$0x9440] =	vst v47  }
0x1b8: {  	v56 =	vadd.f32 v49, v48;
	v36 =	vld [tilespmem:s7+$0x3C50];
	[tilespmem:s7+$0x9450] =	vst v50  }
0x1b9: {  	v59 =	vadd.f32 v52, v51;
	v38 =	vld [tilespmem:s7+$0x2C60];
	[tilespmem:s7+$0x9460] =	vst v53  }
0x1ba: {  	v62 =	vadd.f32 v55, v54;
	v39 =	vld [tilespmem:s7+$0x3C60];
	[tilespmem:s7+$0x9470] =	vst v56  }
0x1bb: {  	v10 =	vadd.f32 v58, v57;
	v41 =	vld [tilespmem:s7+$0x2C70];
	[tilespmem:s7+$0x9800] =	vst v59  }
0x1bc: {  	v13 =	vadd.f32 v61, v60;
	v42 =	vld [tilespmem:s7+$0x3C70];
	[tilespmem:s7+$0x9810] =	vst v62  }
0x1bd: {  	v16 =	vadd.f32 v9, v63;
	v44 =	vld [tilespmem:s7+$0x3000];
	[tilespmem:s7+$0x9820] =	vst v10  }
0x1be: {  	v19 =	vadd.f32 v12, v11;
	v45 =	vld [tilespmem:s7+$0x4000];
	[tilespmem:s7+$0x9830] =	vst v13  }
0x1bf: {  	v22 =	vadd.f32 v15, v14;
	v48 =	vld [tilespmem:s7+$0x4010];
	[tilespmem:s7+$0x9840] =	vst v16  }
0x1c0: {  	v25 =	vadd.f32 v18, v17;
	v51 =	vld [tilespmem:s7+$0x4020];
	[tilespmem:s7+$0x9850] =	vst v19  }
0x1c1: {  	v28 =	vadd.f32 v21, v20;
	v54 =	vld [tilespmem:s7+$0x4030];
	[tilespmem:s7+$0x9860] =	vst v22  }
0x1c2: {  	v31 =	vadd.f32 v24, v23;
	v57 =	vld [tilespmem:s7+$0x4040];
	[tilespmem:s7+$0x9870] =	vst v25  }
0x1c3: {  	v34 =	vadd.f32 v27, v26;
	v60 =	vld [tilespmem:s7+$0x4050];
	[tilespmem:s7+$0x9C00] =	vst v28  }
0x1c4: {  	v37 =	vadd.f32 v30, v29;
	v61 =	vld [tilespmem:s7+$0x3060];
	[tilespmem:s7+$0x9C10] =	vst v31  }
0x1c5: {  	v40 =	vadd.f32 v33, v32;
	[tilespmem:s7+$0x9C20] =	vst v34;
	v47 =	vld [tilespmem:s7+$0x3010]  }
0x1c6: {  	[tilespmem:s7+$0x9C30] =	vst v37;
	v50 =	vld [tilespmem:s7+$0x3020];
	v43 =	vadd.f32 v36, v35  }
0x1c7: {  	[tilespmem:s7+$0x9C40] =	vst v40;
	v53 =	vld [tilespmem:s7+$0x3030];
	v46 =	vadd.f32 v39, v38  }
0x1c8: {  	v56 =	vld [tilespmem:s7+$0x3040];
	v49 =	vadd.f32 v42, v41;
	[tilespmem:s7+$0x9C50] =	vst v43  }
0x1c9: {  	v59 =	vld [tilespmem:s7+$0x3050];
	v52 =	vadd.f32 v45, v44;
	[tilespmem:s7+$0x9C60] =	vst v46  }
0x1ca: {  	v62 =	vld [tilespmem:s7+$0x4060];
	[tilespmem:s7+$0x9C70] =	vst v49;
	v55 =	vadd.f32 v48, v47  }
0x1cb: {  	[tilespmem:s7+$0xA000] =	vst v52;
	v58 =	vadd.f32 v51, v50  }
0x1cc: {  	v1 =	vadd.f32 v54, v53;
	[tilespmem:s7+$0xA010] =	vst v55  }
0x1cd: {  	v3 =	vadd.f32 v57, v56;
	[tilespmem:s7+$0xA020] =	vst v58  }
0x1ce: {  	v63 =	vadd.f32 v60, v59;
	[tilespmem:s7+$0xA030] =	vst v1  }
0x1cf: {  	s6 =	sshll.u32 s1, $0x9;
	v0 =	vadd.f32 v62, v61;
	[tilespmem:s7+$0xA040] =	vst v3  }
0x1d0: {  	s0 =	sand.u32 $0xF6000, s6;
	[tilespmem:s7+$0xA050] =	vst v63  }
0x1d1: {  	s0 =	sadd.s32 s0, s12;
	[tilespmem:s7+$0xA060] =	vst v0  }
0x1d2: {  	[hbm4b:s0+s4] =	stream.linear.scatter [tilespmem:s21], [sflag:$0x6], $0x1000, $0x38;
	[tilespmem:$0xC000] =	vst v63  }
.LBB2_12:
0x1d3: {  	s1 =	sor.u32 $0x40, s31  }
0x1d4: {  	p2 =	sgt.u32 s1, $0x5CF  }
.Ltmp10:
0x1d5: {  	_ = 	snop;
	(pc) =	sbr.rel @p2 .LBB2_14-.Ltmp10, $1  }
0x1d6: {  	_ =	sdelay $0x3  }
.Ltmp11:
0x1d7: {  	s0 =	sadd.s32 s9, s30;
	(pc) =	sbr.rel .LBB2_15-.Ltmp11, $4  }
0x1d8: {  	s0 =	sshll.u32 s0, $0xA  }
0x1d9: {  	s0 =	sand.u32 $0x3EC000, s0  }
0x1da: {  	s0 =	sadd.s32 s0, s11  }
0x1db: {  	[tilespmem:s16], [sflag:$0x2] =	stream.strided.gather [hbm4b:s0+s14], $0x2000, s15, s14, $0x38;
	[tilespmem:$0xC000] =	vst v63  }
.LBB2_14:
0x1dc: {  	p2 =	sgt.u32 s1, $0x62F  }
.Ltmp12:
0x1dd: {  	_ = 	snop;
	(pc) =	sbr.rel @p2 .LBB2_16-.Ltmp12, $1  }
0x1de: {  	_ =	sdelay $0x3  }
.LBB2_15:
0x1df: {  	_ =	swait.ge [sflag:s22], $0x2000  }
0x1e0: {  	[sflag:s22] =	ssyncset.done $0x0  }
0x1e1: {  	[sflag:s22] =	ssyncadd.s32 $0xFFFFE000  }
.LBB2_16:
0x1e2: {  	p2 =	sgt.u32 s1, $0x62F  }
.Ltmp13:
0x1e3: {  	_ = 	snop;
	(pc) =	sbr.rel @p2 .LBB2_20-.Ltmp13, $4  }
0x1e4: {  	s0 =	simm.s32 @!p1 $0x7  }
0x1e5: {  	_ =	swait.ge @!p1 [sflag:s0], $0x1000  }
0x1e6: {  	[sflag:s0] =	ssyncset.done @!p1 $0x0  }
0x1e7: {  	[sflag:s0] =	ssyncadd.s32 @!p1 $0xFFFFF000  }
0x1e8: {  	s0 =	simm.s32 $0xFFFFFC00  }
0x1e9: {  	v0 =	vld [tilespmem:s0+$0x5070]  }
0x1ea: {  	v1 =	vld [tilespmem:s0+$0x6070]  }
0x1eb: {  	v2 =	vld [tilespmem:s0+$0x4400]  }
0x1ec: {  	v3 =	vld [tilespmem:s0+$0x5400]  }
0x1ed: {  	v4 =	vld [tilespmem:s0+$0x4410]  }
0x1ee: {  	v5 =	vld [tilespmem:s0+$0x5410]  }
0x1ef: {  	v6 =	vld [tilespmem:s0+$0x4420]  }
0x1f0: {  	v7 =	vld [tilespmem:s0+$0x4430];
	v0 =	vadd.f32 v1, v0  }
0x1f1: {  	v1 =	vld [tilespmem:s0+$0x5420]  }
0x1f2: {  	v2 =	vadd.f32 v3, v2;
	[tilespmem:s0+$0xB070] =	vst v0;
	v0 =	vld [tilespmem:s0+$0x5430]  }
0x1f3: {  	v3 =	vld [tilespmem:s0+$0x4440]  }
0x1f4: {  	[tilespmem:s0+$0xA400] =	vst v2;
	v2 =	vadd.f32 v5, v4;
	v4 =	vld [tilespmem:s0+$0x5440]  }
0x1f5: {  	v5 =	vld [tilespmem:s0+$0x5450]  }
0x1f6: {  	[tilespmem:s0+$0xA410] =	vst v2;
	v2 =	vld [tilespmem:s0+$0x4450];
	v1 =	vadd.f32 v1, v6  }
0x1f7: {  	v6 =	vld [tilespmem:s0+$0x5460];
	v0 =	vadd.f32 v0, v7  }
0x1f8: {  	[tilespmem:s0+$0xA420] =	vst v1;
	v1 =	vld [tilespmem:s0+$0x4460]  }
0x1f9: {  	[tilespmem:s0+$0xA430] =	vst v0;
	v0 =	vadd.f32 v4, v3;
	v3 =	vld [tilespmem:s0+$0x4470]  }
0x1fa: {  	v4 =	vld [tilespmem:s0+$0x5470]  }
0x1fb: {  	[tilespmem:s0+$0xA440] =	vst v0;
	v0 =	vadd.f32 v5, v2;
	v2 =	vld [tilespmem:s0+$0x4800]  }
0x1fc: {  	v5 =	vld [tilespmem:s0+$0x5800]  }
0x1fd: {  	[tilespmem:s0+$0xA450] =	vst v0;
	v0 =	vadd.f32 v6, v1;
	v1 =	vld [tilespmem:s0+$0x4810]  }
0x1fe: {  	v6 =	vld [tilespmem:s0+$0x5810]  }
0x1ff: {  	[tilespmem:s0+$0xA460] =	vst v0;
	v0 =	vadd.f32 v4, v3;
	v3 =	vld [tilespmem:s0+$0x4820]  }
0x200: {  	v4 =	vld [tilespmem:s0+$0x5820]  }
0x201: {  	[tilespmem:s0+$0xA470] =	vst v0;
	v0 =	vadd.f32 v5, v2;
	v2 =	vld [tilespmem:s0+$0x4830]  }
0x202: {  	v5 =	vld [tilespmem:s0+$0x5830]  }
0x203: {  	[tilespmem:s0+$0xA800] =	vst v0;
	v0 =	vadd.f32 v6, v1;
	v1 =	vld [tilespmem:s0+$0x4840]  }
0x204: {  	v6 =	vld [tilespmem:s0+$0x5840]  }
0x205: {  	[tilespmem:s0+$0xA810] =	vst v0;
	v0 =	vadd.f32 v4, v3;
	v3 =	vld [tilespmem:s0+$0x4850]  }
0x206: {  	v4 =	vld [tilespmem:s0+$0x5850]  }
0x207: {  	[tilespmem:s0+$0xA820] =	vst v0;
	v0 =	vadd.f32 v5, v2;
	v2 =	vld [tilespmem:s0+$0x4860]  }
0x208: {  	v5 =	vld [tilespmem:s0+$0x5860]  }
0x209: {  	[tilespmem:s0+$0xA830] =	vst v0;
	v0 =	vadd.f32 v6, v1;
	v1 =	vld [tilespmem:s0+$0x4870]  }
0x20a: {  	v6 =	vld [tilespmem:s0+$0x5870]  }
0x20b: {  	[tilespmem:s0+$0xA840] =	vst v0;
	v0 =	vadd.f32 v4, v3;
	v3 =	vld [tilespmem:s0+$0x4C00]  }
0x20c: {  	v4 =	vld [tilespmem:s0+$0x5C00]  }
0x20d: {  	[tilespmem:s0+$0xA850] =	vst v0;
	v0 =	vadd.f32 v5, v2;
	v2 =	vld [tilespmem:s0+$0x4C10]  }
0x20e: {  	v5 =	vld [tilespmem:s0+$0x5C10]  }
0x20f: {  	[tilespmem:s0+$0xA860] =	vst v0;
	v0 =	vadd.f32 v6, v1;
	v1 =	vld [tilespmem:s0+$0x4C20]  }
0x210: {  	v6 =	vld [tilespmem:s0+$0x5C20]  }
0x211: {  	[tilespmem:s0+$0xA870] =	vst v0;
	v0 =	vadd.f32 v4, v3;
	v3 =	vld [tilespmem:s0+$0x4C30]  }
0x212: {  	v4 =	vld [tilespmem:s0+$0x5C30]  }
0x213: {  	[tilespmem:s0+$0xAC00] =	vst v0;
	v0 =	vadd.f32 v5, v2;
	v2 =	vld [tilespmem:s0+$0x4C40]  }
0x214: {  	v5 =	vld [tilespmem:s0+$0x5C40]  }
0x215: {  	[tilespmem:s0+$0xAC10] =	vst v0;
	v0 =	vadd.f32 v6, v1;
	v1 =	vld [tilespmem:s0+$0x4C50]  }
0x216: {  	v6 =	vld [tilespmem:s0+$0x5C50]  }
0x217: {  	[tilespmem:s0+$0xAC20] =	vst v0;
	v0 =	vadd.f32 v4, v3;
	v3 =	vld [tilespmem:s0+$0x4C60]  }
0x218: {  	v4 =	vld [tilespmem:s0+$0x5C60]  }
0x219: {  	[tilespmem:s0+$0xAC30] =	vst v0;
	v0 =	vadd.f32 v5, v2;
	v2 =	vld [tilespmem:s0+$0x4C70]  }
0x21a: {  	v5 =	vld [tilespmem:s0+$0x5C70]  }
0x21b: {  	[tilespmem:s0+$0xAC40] =	vst v0;
	v0 =	vadd.f32 v6, v1;
	v1 =	vld [tilespmem:s0+$0x5000]  }
0x21c: {  	v6 =	vld [tilespmem:s0+$0x6000]  }
0x21d: {  	[tilespmem:s0+$0xAC50] =	vst v0;
	v0 =	vadd.f32 v4, v3;
	v3 =	vld [tilespmem:s0+$0x5010]  }
0x21e: {  	v4 =	vld [tilespmem:s0+$0x6010]  }
0x21f: {  	[tilespmem:s0+$0xAC60] =	vst v0;
	v0 =	vadd.f32 v5, v2;
	v2 =	vld [tilespmem:s0+$0x5020]  }
0x220: {  	v5 =	vld [tilespmem:s0+$0x6020]  }
0x221: {  	[tilespmem:s0+$0xAC70] =	vst v0;
	v0 =	vadd.f32 v6, v1;
	v1 =	vld [tilespmem:s0+$0x5030]  }
0x222: {  	v6 =	vld [tilespmem:s0+$0x6030]  }
0x223: {  	v8 =	vld [tilespmem:s0+$0x6040]  }
0x224: {  	v7 =	vld [tilespmem:s0+$0x5040];
	[tilespmem:s0+$0xB000] =	vst v0;
	v0 =	vadd.f32 v4, v3  }
0x225: {  	v3 =	vld [tilespmem:s0+$0x6050]  }
0x226: {  	[tilespmem:s0+$0xB010] =	vst v0;
	v0 =	vadd.f32 v5, v2;
	v2 =	vld [tilespmem:s0+$0x5050]  }
0x227: {  	v4 =	vld [tilespmem:s0+$0x6060];
	v5 =	vadd.f32 v6, v1  }
0x228: {  	s7 =	simm.s32 $0xFFFFFC80;
	[tilespmem:s0+$0xB020] =	vst v0;
	v0 =	vld [tilespmem:s0+$0x5060]  }
0x229: {  	s6 =	simm.s32 $0xFFFFF400;
	v1 =	vld [tilespmem:s7+$0x5070];
	[tilespmem:s0+$0xB030] =	vst v5;
	v5 =	vadd.f32 v8, v7  }
.LBB2_18:
0x22a: {  	p2 =	sne.s32 s6, $0xFFFFFE00;
	v6 =	vld [tilespmem:s7+$0x6070]  }
0x22b: {  	v7 =	vld [tilespmem:s7+$0x4400];
	[tilespmem:s0+$0xB040] =	vst v5;
	v2 =	vadd.f32 v3, v2  }
0x22c: {  	v3 =	vld [tilespmem:s7+$0x5400]  }
0x22d: {  	v5 =	vld [tilespmem:s7+$0x4410];
	[tilespmem:s0+$0xB050] =	vst v2;
	v0 =	vadd.f32 v4, v0  }
0x22e: {  	v2 =	vld [tilespmem:s7+$0x5410]  }
0x22f: {  	v4 =	vld [tilespmem:s7+$0x4420];
	v1 =	vadd.f32 v6, v1;
	[tilespmem:s0+$0xB060] =	vst v0;
	s0 =	smov.u32 s7  }
0x230: {  	v0 =	vld [tilespmem:s0+$0x5420]  }
0x231: {  	v3 =	vadd.f32 v3, v7;
	v6 =	vld [tilespmem:s0+$0x4430];
	[tilespmem:s0+$0xB070] =	vst v1  }
0x232: {  	v1 =	vld [tilespmem:s0+$0x5430]  }
0x233: {  	[tilespmem:s0+$0xA400] =	vst v3;
	v2 =	vadd.f32 v2, v5;
	v3 =	vld [tilespmem:s0+$0x4440]  }
0x234: {  	v5 =	vld [tilespmem:s0+$0x5440]  }
0x235: {  	[tilespmem:s0+$0xA410] =	vst v2;
	v0 =	vadd.f32 v0, v4;
	v2 =	vld [tilespmem:s0+$0x4450]  }
0x236: {  	v4 =	vld [tilespmem:s0+$0x5450]  }
0x237: {  	[tilespmem:s0+$0xA420] =	vst v0;
	v0 =	vadd.f32 v1, v6;
	v1 =	vld [tilespmem:s0+$0x4460]  }
0x238: {  	v6 =	vld [tilespmem:s0+$0x5460]  }
0x239: {  	[tilespmem:s0+$0xA430] =	vst v0;
	v0 =	vadd.f32 v5, v3;
	v3 =	vld [tilespmem:s0+$0x4470]  }
0x23a: {  	v5 =	vld [tilespmem:s0+$0x5470]  }
0x23b: {  	[tilespmem:s0+$0xA440] =	vst v0;
	v0 =	vadd.f32 v4, v2;
	v2 =	vld [tilespmem:s0+$0x4800]  }
0x23c: {  	v4 =	vld [tilespmem:s0+$0x5800]  }
0x23d: {  	[tilespmem:s0+$0xA450] =	vst v0;
	v0 =	vadd.f32 v6, v1;
	v1 =	vld [tilespmem:s0+$0x4810]  }
0x23e: {  	v6 =	vld [tilespmem:s0+$0x5810]  }
0x23f: {  	[tilespmem:s0+$0xA460] =	vst v0;
	v0 =	vadd.f32 v5, v3;
	v3 =	vld [tilespmem:s0+$0x4820]  }
0x240: {  	v5 =	vld [tilespmem:s0+$0x5820]  }
0x241: {  	[tilespmem:s0+$0xA470] =	vst v0;
	v0 =	vadd.f32 v4, v2;
	v2 =	vld [tilespmem:s0+$0x4830]  }
0x242: {  	v4 =	vld [tilespmem:s0+$0x5830]  }
0x243: {  	[tilespmem:s0+$0xA800] =	vst v0;
	v0 =	vadd.f32 v6, v1;
	v1 =	vld [tilespmem:s0+$0x4840]  }
0x244: {  	v6 =	vld [tilespmem:s0+$0x5840]  }
0x245: {  	[tilespmem:s0+$0xA810] =	vst v0;
	v0 =	vadd.f32 v5, v3;
	v3 =	vld [tilespmem:s0+$0x4850]  }
0x246: {  	v5 =	vld [tilespmem:s0+$0x5850]  }
0x247: {  	[tilespmem:s0+$0xA820] =	vst v0;
	v0 =	vadd.f32 v4, v2;
	v2 =	vld [tilespmem:s0+$0x4860]  }
0x248: {  	v4 =	vld [tilespmem:s0+$0x5860]  }
0x249: {  	[tilespmem:s0+$0xA830] =	vst v0;
	v0 =	vadd.f32 v6, v1;
	v1 =	vld [tilespmem:s0+$0x4870]  }
0x24a: {  	v6 =	vld [tilespmem:s0+$0x5870]  }
0x24b: {  	[tilespmem:s0+$0xA840] =	vst v0;
	v0 =	vadd.f32 v5, v3;
	v3 =	vld [tilespmem:s0+$0x4C00]  }
0x24c: {  	v5 =	vld [tilespmem:s0+$0x5C00]  }
0x24d: {  	[tilespmem:s0+$0xA850] =	vst v0;
	v0 =	vadd.f32 v4, v2;
	v2 =	vld [tilespmem:s0+$0x4C10]  }
0x24e: {  	v4 =	vld [tilespmem:s0+$0x5C10]  }
0x24f: {  	[tilespmem:s0+$0xA860] =	vst v0;
	v0 =	vadd.f32 v6, v1;
	v1 =	vld [tilespmem:s0+$0x4C20]  }
0x250: {  	v6 =	vld [tilespmem:s0+$0x5C20]  }
0x251: {  	[tilespmem:s0+$0xA870] =	vst v0;
	v0 =	vadd.f32 v5, v3;
	v3 =	vld [tilespmem:s0+$0x4C30]  }
0x252: {  	v5 =	vld [tilespmem:s0+$0x5C30]  }
0x253: {  	[tilespmem:s0+$0xAC00] =	vst v0;
	v0 =	vadd.f32 v4, v2;
	v2 =	vld [tilespmem:s0+$0x4C40]  }
0x254: {  	v4 =	vld [tilespmem:s0+$0x5C40]  }
0x255: {  	[tilespmem:s0+$0xAC10] =	vst v0;
	v0 =	vadd.f32 v6, v1;
	v1 =	vld [tilespmem:s0+$0x4C50]  }
0x256: {  	v6 =	vld [tilespmem:s0+$0x5C50]  }
0x257: {  	[tilespmem:s0+$0xAC20] =	vst v0;
	v0 =	vadd.f32 v5, v3;
	v3 =	vld [tilespmem:s0+$0x4C60]  }
0x258: {  	v5 =	vld [tilespmem:s0+$0x5C60]  }
0x259: {  	[tilespmem:s0+$0xAC30] =	vst v0;
	v0 =	vadd.f32 v4, v2;
	v2 =	vld [tilespmem:s0+$0x4C70]  }
0x25a: {  	v4 =	vld [tilespmem:s0+$0x5C70]  }
0x25b: {  	[tilespmem:s0+$0xAC40] =	vst v0;
	v0 =	vadd.f32 v6, v1;
	v1 =	vld [tilespmem:s0+$0x5000]  }
0x25c: {  	v6 =	vld [tilespmem:s0+$0x6000]  }
0x25d: {  	[tilespmem:s0+$0xAC50] =	vst v0;
	v0 =	vadd.f32 v5, v3;
	v3 =	vld [tilespmem:s0+$0x5010]  }
0x25e: {  	v5 =	vld [tilespmem:s0+$0x6010]  }
0x25f: {  	[tilespmem:s0+$0xAC60] =	vst v0;
	v0 =	vadd.f32 v4, v2;
	v2 =	vld [tilespmem:s0+$0x5020]  }
0x260: {  	v4 =	vld [tilespmem:s0+$0x6020]  }
0x261: {  	[tilespmem:s0+$0xAC70] =	vst v0;
	v0 =	vadd.f32 v6, v1;
	v1 =	vld [tilespmem:s0+$0x5030]  }
0x262: {  	v6 =	vld [tilespmem:s0+$0x6030]  }
0x263: {  	[tilespmem:s0+$0xB000] =	vst v0;
	v0 =	vadd.f32 v5, v3;
	v5 =	vld [tilespmem:s0+$0x5040]  }
0x264: {  	v7 =	vld [tilespmem:s0+$0x6040]  }
.Ltmp14:
0x265: {  	[tilespmem:s0+$0xB010] =	vst v0;
	v0 =	vadd.f32 v4, v2;
	v2 =	vld [tilespmem:s0+$0x5050];
	(pc) =	sbr.rel @p2 .LBB2_18-.Ltmp14, $4  }
0x266: {  	v3 =	vld [tilespmem:s0+$0x6050]  }
0x267: {  	[tilespmem:s0+$0xB020] =	vst v0;
	v6 =	vadd.f32 v6, v1;
	v0 =	vld [tilespmem:s0+$0x5060]  }
0x268: {  	s7 =	sshra.s32 s6, $0x2;
	v4 =	vld [tilespmem:s0+$0x6060]  }
0x269: {  	s6 =	sadd.s32 $0x200, s6;
	v1 =	vld [tilespmem:s7+$0x5070];
	[tilespmem:s0+$0xB030] =	vst v6;
	v5 =	vadd.f32 v7, v5  }
0x26a: {  	v6 =	vld [tilespmem:s7+$0x6070]  }
0x26b: {  	v7 =	vld [tilespmem:s7+$0x4400];
	[tilespmem:s0+$0xB040] =	vst v5;
	v2 =	vadd.f32 v3, v2  }
0x26c: {  	v35 =	vld [tilespmem:s7+$0x5400]  }
0x26d: {  	v5 =	vld [tilespmem:s7+$0x4410];
	[tilespmem:s0+$0xB050] =	vst v2;
	v0 =	vadd.f32 v4, v0  }
0x26e: {  	v2 =	vld [tilespmem:s7+$0x5410]  }
0x26f: {  	v36 =	vld [tilespmem:s7+$0x4420];
	[tilespmem:s0+$0xB060] =	vst v0  }
0x270: {  	v38 =	vld [tilespmem:s7+$0x5420]  }
0x271: {  	v39 =	vld [tilespmem:s7+$0x4430]  }
0x272: {  	v40 =	vld [tilespmem:s7+$0x5430]  }
0x273: {  	v41 =	vld [tilespmem:s7+$0x4440]  }
0x274: {  	v42 =	vld [tilespmem:s7+$0x5440]  }
0x275: {  	v43 =	vld [tilespmem:s7+$0x4450]  }
0x276: {  	v44 =	vld [tilespmem:s7+$0x5450]  }
0x277: {  	v45 =	vld [tilespmem:s7+$0x4460]  }
0x278: {  	v46 =	vld [tilespmem:s7+$0x5460]  }
0x279: {  	v48 =	vld [tilespmem:s7+$0x4470]  }
0x27a: {  	v49 =	vld [tilespmem:s7+$0x5470]  }
0x27b: {  	v51 =	vld [tilespmem:s7+$0x4800]  }
0x27c: {  	v52 =	vld [tilespmem:s7+$0x5800]  }
0x27d: {  	v54 =	vld [tilespmem:s7+$0x4810]  }
0x27e: {  	v55 =	vld [tilespmem:s7+$0x5810]  }
0x27f: {  	v57 =	vld [tilespmem:s7+$0x4820]  }
0x280: {  	v58 =	vld [tilespmem:s7+$0x5820]  }
0x281: {  	v60 =	vld [tilespmem:s7+$0x4830]  }
0x282: {  	v61 =	vld [tilespmem:s7+$0x5830]  }
0x283: {  	v63 =	vld [tilespmem:s7+$0x4840]  }
0x284: {  	v9 =	vld [tilespmem:s7+$0x5840]  }
0x285: {  	v11 =	vld [tilespmem:s7+$0x4850]  }
0x286: {  	v12 =	vld [tilespmem:s7+$0x5850]  }
0x287: {  	v14 =	vld [tilespmem:s7+$0x4860]  }
0x288: {  	v15 =	vld [tilespmem:s7+$0x5860]  }
0x289: {  	v17 =	vld [tilespmem:s7+$0x4870]  }
0x28a: {  	v18 =	vld [tilespmem:s7+$0x5870]  }
0x28b: {  	v20 =	vld [tilespmem:s7+$0x4C00]  }
0x28c: {  	v21 =	vld [tilespmem:s7+$0x5C00]  }
0x28d: {  	v23 =	vld [tilespmem:s7+$0x4C10]  }
0x28e: {  	v37 =	vadd.f32 v6, v1;
	v24 =	vld [tilespmem:s7+$0x5C10]  }
0x28f: {  	v26 =	vld [tilespmem:s7+$0x4C20];
	v3 =	vadd.f32 v35, v7  }
0x290: {  	v27 =	vld [tilespmem:s7+$0x5C20];
	[tilespmem:s7+$0xB070] =	vst v37;
	v2 =	vadd.f32 v2, v5  }
0x291: {  	v29 =	vld [tilespmem:s7+$0x4C30];
	[tilespmem:s7+$0xA400] =	vst v3;
	v1 =	vadd.f32 v38, v36  }
0x292: {  	v30 =	vld [tilespmem:s7+$0x5C30];
	[tilespmem:s7+$0xA410] =	vst v2;
	v0 =	vadd.f32 v40, v39  }
0x293: {  	v32 =	vld [tilespmem:s7+$0x4C40];
	v47 =	vadd.f32 v42, v41;
	[tilespmem:s7+$0xA420] =	vst v1  }
0x294: {  	v33 =	vld [tilespmem:s7+$0x5C40];
	v50 =	vadd.f32 v44, v43;
	[tilespmem:s7+$0xA430] =	vst v0  }
0x295: {  	v35 =	vld [tilespmem:s7+$0x4C50];
	v53 =	vadd.f32 v46, v45;
	[tilespmem:s7+$0xA440] =	vst v47  }
0x296: {  	v56 =	vadd.f32 v49, v48;
	v36 =	vld [tilespmem:s7+$0x5C50];
	[tilespmem:s7+$0xA450] =	vst v50  }
0x297: {  	v59 =	vadd.f32 v52, v51;
	v38 =	vld [tilespmem:s7+$0x4C60];
	[tilespmem:s7+$0xA460] =	vst v53  }
0x298: {  	v62 =	vadd.f32 v55, v54;
	v39 =	vld [tilespmem:s7+$0x5C60];
	[tilespmem:s7+$0xA470] =	vst v56  }
0x299: {  	v10 =	vadd.f32 v58, v57;
	v41 =	vld [tilespmem:s7+$0x4C70];
	[tilespmem:s7+$0xA800] =	vst v59  }
0x29a: {  	v13 =	vadd.f32 v61, v60;
	v42 =	vld [tilespmem:s7+$0x5C70];
	[tilespmem:s7+$0xA810] =	vst v62  }
0x29b: {  	v16 =	vadd.f32 v9, v63;
	v44 =	vld [tilespmem:s7+$0x5000];
	[tilespmem:s7+$0xA820] =	vst v10  }
0x29c: {  	v19 =	vadd.f32 v12, v11;
	v45 =	vld [tilespmem:s7+$0x6000];
	[tilespmem:s7+$0xA830] =	vst v13  }
0x29d: {  	v22 =	vadd.f32 v15, v14;
	v48 =	vld [tilespmem:s7+$0x6010];
	[tilespmem:s7+$0xA840] =	vst v16  }
0x29e: {  	v25 =	vadd.f32 v18, v17;
	v51 =	vld [tilespmem:s7+$0x6020];
	[tilespmem:s7+$0xA850] =	vst v19  }
0x29f: {  	v28 =	vadd.f32 v21, v20;
	v54 =	vld [tilespmem:s7+$0x6030];
	[tilespmem:s7+$0xA860] =	vst v22  }
0x2a0: {  	v31 =	vadd.f32 v24, v23;
	v57 =	vld [tilespmem:s7+$0x6040];
	[tilespmem:s7+$0xA870] =	vst v25  }
0x2a1: {  	v34 =	vadd.f32 v27, v26;
	v60 =	vld [tilespmem:s7+$0x6050];
	[tilespmem:s7+$0xAC00] =	vst v28  }
0x2a2: {  	v37 =	vadd.f32 v30, v29;
	v61 =	vld [tilespmem:s7+$0x5060];
	[tilespmem:s7+$0xAC10] =	vst v31  }
0x2a3: {  	v40 =	vadd.f32 v33, v32;
	[tilespmem:s7+$0xAC20] =	vst v34;
	v47 =	vld [tilespmem:s7+$0x5010]  }
0x2a4: {  	[tilespmem:s7+$0xAC30] =	vst v37;
	v50 =	vld [tilespmem:s7+$0x5020];
	v43 =	vadd.f32 v36, v35  }
0x2a5: {  	[tilespmem:s7+$0xAC40] =	vst v40;
	v53 =	vld [tilespmem:s7+$0x5030];
	v46 =	vadd.f32 v39, v38  }
0x2a6: {  	v56 =	vld [tilespmem:s7+$0x5040];
	v49 =	vadd.f32 v42, v41;
	[tilespmem:s7+$0xAC50] =	vst v43  }
0x2a7: {  	v59 =	vld [tilespmem:s7+$0x5050];
	v52 =	vadd.f32 v45, v44;
	[tilespmem:s7+$0xAC60] =	vst v46  }
0x2a8: {  	v62 =	vld [tilespmem:s7+$0x6060];
	[tilespmem:s7+$0xAC70] =	vst v49;
	v55 =	vadd.f32 v48, v47  }
0x2a9: {  	[tilespmem:s7+$0xB000] =	vst v52;
	v58 =	vadd.f32 v51, v50  }
0x2aa: {  	v1 =	vadd.f32 v54, v53;
	[tilespmem:s7+$0xB010] =	vst v55  }
0x2ab: {  	v3 =	vadd.f32 v57, v56;
	[tilespmem:s7+$0xB020] =	vst v58  }
0x2ac: {  	v63 =	vadd.f32 v60, v59;
	[tilespmem:s7+$0xB030] =	vst v1  }
0x2ad: {  	s6 =	sshll.u32 s1, $0x9;
	v0 =	vadd.f32 v62, v61;
	[tilespmem:s7+$0xB040] =	vst v3  }
0x2ae: {  	s0 =	sand.u32 $0xFA000, s6;
	[tilespmem:s7+$0xB050] =	vst v63  }
0x2af: {  	s0 =	sadd.s32 s0, s12;
	[tilespmem:s7+$0xB060] =	vst v0  }
0x2b0: {  	[hbm4b:s0+s4] =	stream.linear.scatter [tilespmem:s23], [sflag:$0x7], $0x1000, $0x38;
	[tilespmem:$0xC000] =	vst v63  }
.LBB2_20:
0x2b1: {  	s1 =	sor.u32 $0x60, s31  }
0x2b2: {  	p2 =	sgt.u32 s1, $0x5CF  }
.Ltmp15:
0x2b3: {  	_ = 	snop;
	(pc) =	sbr.rel @p2 .LBB2_22-.Ltmp15, $1  }
0x2b4: {  	_ =	sdelay $0x3  }
.Ltmp16:
0x2b5: {  	s0 =	sadd.s32 s10, s30;
	(pc) =	sbr.rel .LBB2_23-.Ltmp16, $4  }
0x2b6: {  	s0 =	sshll.u32 s0, $0xA  }
0x2b7: {  	s0 =	sand.u32 $0x3F4000, s0  }
0x2b8: {  	s0 =	sadd.s32 s0, s11  }
0x2b9: {  	[tilespmem:s17], [sflag:$0x3] =	stream.strided.gather [hbm4b:s0+s14], $0x2000, s15, s14, $0x38;
	[tilespmem:$0xC000] =	vst v63  }
.LBB2_22:
0x2ba: {  	p2 =	sgt.u32 s1, $0x62F  }
.Ltmp17:
0x2bb: {  	_ = 	snop;
	(pc) =	sbr.rel @p2 .LBB2_24-.Ltmp17, $1  }
0x2bc: {  	_ =	sdelay $0x3  }
.LBB2_23:
0x2bd: {  	_ =	swait.ge [sflag:s24], $0x2000  }
0x2be: {  	[sflag:s24] =	ssyncset.done $0x0  }
0x2bf: {  	[sflag:s24] =	ssyncadd.s32 $0xFFFFE000  }
.LBB2_24:
0x2c0: {  	p2 =	sgt.u32 s1, $0x62F  }
.Ltmp18:
0x2c1: {  	_ = 	snop;
	(pc) =	sbr.rel @p2 .LBB2_28-.Ltmp18, $4  }
0x2c2: {  	s0 =	simm.s32 @!p1 $0x8  }
0x2c3: {  	_ =	swait.ge @!p1 [sflag:s0], $0x1000  }
0x2c4: {  	[sflag:s0] =	ssyncset.done @!p1 $0x0  }
0x2c5: {  	[sflag:s0] =	ssyncadd.s32 @!p1 $0xFFFFF000  }
0x2c6: {  	s0 =	simm.s32 $0xFFFFFC00  }
0x2c7: {  	v0 =	vld [tilespmem:s0+$0x7070]  }
0x2c8: {  	v1 =	vld [tilespmem:s0+$0x8070]  }
0x2c9: {  	v2 =	vld [tilespmem:s0+$0x6400]  }
0x2ca: {  	v3 =	vld [tilespmem:s0+$0x7400]  }
0x2cb: {  	v4 =	vld [tilespmem:s0+$0x6410]  }
0x2cc: {  	v5 =	vld [tilespmem:s0+$0x7410]  }
0x2cd: {  	v6 =	vld [tilespmem:s0+$0x6420]  }
0x2ce: {  	v7 =	vld [tilespmem:s0+$0x6430];
	v0 =	vadd.f32 v1, v0  }
0x2cf: {  	v1 =	vld [tilespmem:s0+$0x7420]  }
0x2d0: {  	v2 =	vadd.f32 v3, v2;
	[tilespmem:s0+$0xC070] =	vst v0;
	v0 =	vld [tilespmem:s0+$0x7430]  }
0x2d1: {  	v3 =	vld [tilespmem:s0+$0x6440]  }
0x2d2: {  	[tilespmem:s0+$0xB400] =	vst v2;
	v2 =	vadd.f32 v5, v4;
	v4 =	vld [tilespmem:s0+$0x7440]  }
0x2d3: {  	v5 =	vld [tilespmem:s0+$0x7450]  }
0x2d4: {  	[tilespmem:s0+$0xB410] =	vst v2;
	v2 =	vld [tilespmem:s0+$0x6450];
	v1 =	vadd.f32 v1, v6  }
0x2d5: {  	v6 =	vld [tilespmem:s0+$0x7460];
	v0 =	vadd.f32 v0, v7  }
0x2d6: {  	[tilespmem:s0+$0xB420] =	vst v1;
	v1 =	vld [tilespmem:s0+$0x6460]  }
0x2d7: {  	[tilespmem:s0+$0xB430] =	vst v0;
	v0 =	vadd.f32 v4, v3;
	v3 =	vld [tilespmem:s0+$0x6470]  }
0x2d8: {  	v4 =	vld [tilespmem:s0+$0x7470]  }
0x2d9: {  	[tilespmem:s0+$0xB440] =	vst v0;
	v0 =	vadd.f32 v5, v2;
	v2 =	vld [tilespmem:s0+$0x6800]  }
0x2da: {  	v5 =	vld [tilespmem:s0+$0x7800]  }
0x2db: {  	[tilespmem:s0+$0xB450] =	vst v0;
	v0 =	vadd.f32 v6, v1;
	v1 =	vld [tilespmem:s0+$0x6810]  }
0x2dc: {  	v6 =	vld [tilespmem:s0+$0x7810]  }
0x2dd: {  	[tilespmem:s0+$0xB460] =	vst v0;
	v0 =	vadd.f32 v4, v3;
	v3 =	vld [tilespmem:s0+$0x6820]  }
0x2de: {  	v4 =	vld [tilespmem:s0+$0x7820]  }
0x2df: {  	[tilespmem:s0+$0xB470] =	vst v0;
	v0 =	vadd.f32 v5, v2;
	v2 =	vld [tilespmem:s0+$0x6830]  }
0x2e0: {  	v5 =	vld [tilespmem:s0+$0x7830]  }
0x2e1: {  	[tilespmem:s0+$0xB800] =	vst v0;
	v0 =	vadd.f32 v6, v1;
	v1 =	vld [tilespmem:s0+$0x6840]  }
0x2e2: {  	v6 =	vld [tilespmem:s0+$0x7840]  }
0x2e3: {  	[tilespmem:s0+$0xB810] =	vst v0;
	v0 =	vadd.f32 v4, v3;
	v3 =	vld [tilespmem:s0+$0x6850]  }
0x2e4: {  	v4 =	vld [tilespmem:s0+$0x7850]  }
0x2e5: {  	[tilespmem:s0+$0xB820] =	vst v0;
	v0 =	vadd.f32 v5, v2;
	v2 =	vld [tilespmem:s0+$0x6860]  }
0x2e6: {  	v5 =	vld [tilespmem:s0+$0x7860]  }
0x2e7: {  	[tilespmem:s0+$0xB830] =	vst v0;
	v0 =	vadd.f32 v6, v1;
	v1 =	vld [tilespmem:s0+$0x6870]  }
0x2e8: {  	v6 =	vld [tilespmem:s0+$0x7870]  }
0x2e9: {  	[tilespmem:s0+$0xB840] =	vst v0;
	v0 =	vadd.f32 v4, v3;
	v3 =	vld [tilespmem:s0+$0x6C00]  }
0x2ea: {  	v4 =	vld [tilespmem:s0+$0x7C00]  }
0x2eb: {  	[tilespmem:s0+$0xB850] =	vst v0;
	v0 =	vadd.f32 v5, v2;
	v2 =	vld [tilespmem:s0+$0x6C10]  }
0x2ec: {  	v5 =	vld [tilespmem:s0+$0x7C10]  }
0x2ed: {  	[tilespmem:s0+$0xB860] =	vst v0;
	v0 =	vadd.f32 v6, v1;
	v1 =	vld [tilespmem:s0+$0x6C20]  }
0x2ee: {  	v6 =	vld [tilespmem:s0+$0x7C20]  }
0x2ef: {  	[tilespmem:s0+$0xB870] =	vst v0;
	v0 =	vadd.f32 v4, v3;
	v3 =	vld [tilespmem:s0+$0x6C30]  }
0x2f0: {  	v4 =	vld [tilespmem:s0+$0x7C30]  }
0x2f1: {  	[tilespmem:s0+$0xBC00] =	vst v0;
	v0 =	vadd.f32 v5, v2;
	v2 =	vld [tilespmem:s0+$0x6C40]  }
0x2f2: {  	v5 =	vld [tilespmem:s0+$0x7C40]  }
0x2f3: {  	[tilespmem:s0+$0xBC10] =	vst v0;
	v0 =	vadd.f32 v6, v1;
	v1 =	vld [tilespmem:s0+$0x6C50]  }
0x2f4: {  	v6 =	vld [tilespmem:s0+$0x7C50]  }
0x2f5: {  	[tilespmem:s0+$0xBC20] =	vst v0;
	v0 =	vadd.f32 v4, v3;
	v3 =	vld [tilespmem:s0+$0x6C60]  }
0x2f6: {  	v4 =	vld [tilespmem:s0+$0x7C60]  }
0x2f7: {  	[tilespmem:s0+$0xBC30] =	vst v0;
	v0 =	vadd.f32 v5, v2;
	v2 =	vld [tilespmem:s0+$0x6C70]  }
0x2f8: {  	v5 =	vld [tilespmem:s0+$0x7C70]  }
0x2f9: {  	[tilespmem:s0+$0xBC40] =	vst v0;
	v0 =	vadd.f32 v6, v1;
	v1 =	vld [tilespmem:s0+$0x7000]  }
0x2fa: {  	v6 =	vld [tilespmem:s0+$0x8000]  }
0x2fb: {  	[tilespmem:s0+$0xBC50] =	vst v0;
	v0 =	vadd.f32 v4, v3;
	v3 =	vld [tilespmem:s0+$0x7010]  }
0x2fc: {  	v4 =	vld [tilespmem:s0+$0x8010]  }
0x2fd: {  	[tilespmem:s0+$0xBC60] =	vst v0;
	v0 =	vadd.f32 v5, v2;
	v2 =	vld [tilespmem:s0+$0x7020]  }
0x2fe: {  	v5 =	vld [tilespmem:s0+$0x8020]  }
0x2ff: {  	[tilespmem:s0+$0xBC70] =	vst v0;
	v0 =	vadd.f32 v6, v1;
	v1 =	vld [tilespmem:s0+$0x7030]  }
0x300: {  	v6 =	vld [tilespmem:s0+$0x8030]  }
0x301: {  	v8 =	vld [tilespmem:s0+$0x8040]  }
0x302: {  	v7 =	vld [tilespmem:s0+$0x7040];
	[tilespmem:s0+$0xC000] =	vst v0;
	v0 =	vadd.f32 v4, v3  }
0x303: {  	v3 =	vld [tilespmem:s0+$0x8050]  }
0x304: {  	[tilespmem:s0+$0xC010] =	vst v0;
	v0 =	vadd.f32 v5, v2;
	v2 =	vld [tilespmem:s0+$0x7050]  }
0x305: {  	v4 =	vld [tilespmem:s0+$0x8060];
	v5 =	vadd.f32 v6, v1  }
0x306: {  	s7 =	simm.s32 $0xFFFFFC80;
	[tilespmem:s0+$0xC020] =	vst v0;
	v0 =	vld [tilespmem:s0+$0x7060]  }
0x307: {  	s6 =	simm.s32 $0xFFFFF400;
	v1 =	vld [tilespmem:s7+$0x7070];
	[tilespmem:s0+$0xC030] =	vst v5;
	v5 =	vadd.f32 v8, v7  }
.LBB2_26:
0x308: {  	p1 =	sne.s32 s6, $0xFFFFFE00;
	v6 =	vld [tilespmem:s7+$0x8070]  }
0x309: {  	v7 =	vld [tilespmem:s7+$0x6400];
	[tilespmem:s0+$0xC040] =	vst v5;
	v2 =	vadd.f32 v3, v2  }
0x30a: {  	v3 =	vld [tilespmem:s7+$0x7400]  }
0x30b: {  	v5 =	vld [tilespmem:s7+$0x6410];
	[tilespmem:s0+$0xC050] =	vst v2;
	v0 =	vadd.f32 v4, v0  }
0x30c: {  	v2 =	vld [tilespmem:s7+$0x7410]  }
0x30d: {  	v4 =	vld [tilespmem:s7+$0x6420];
	v1 =	vadd.f32 v6, v1;
	[tilespmem:s0+$0xC060] =	vst v0;
	s0 =	smov.u32 s7  }
0x30e: {  	v0 =	vld [tilespmem:s0+$0x7420]  }
0x30f: {  	v3 =	vadd.f32 v3, v7;
	v6 =	vld [tilespmem:s0+$0x6430];
	[tilespmem:s0+$0xC070] =	vst v1  }
0x310: {  	v1 =	vld [tilespmem:s0+$0x7430]  }
0x311: {  	[tilespmem:s0+$0xB400] =	vst v3;
	v2 =	vadd.f32 v2, v5;
	v3 =	vld [tilespmem:s0+$0x6440]  }
0x312: {  	v5 =	vld [tilespmem:s0+$0x7440]  }
0x313: {  	[tilespmem:s0+$0xB410] =	vst v2;
	v0 =	vadd.f32 v0, v4;
	v2 =	vld [tilespmem:s0+$0x6450]  }
0x314: {  	v4 =	vld [tilespmem:s0+$0x7450]  }
0x315: {  	[tilespmem:s0+$0xB420] =	vst v0;
	v0 =	vadd.f32 v1, v6;
	v1 =	vld [tilespmem:s0+$0x6460]  }
0x316: {  	v6 =	vld [tilespmem:s0+$0x7460]  }
0x317: {  	[tilespmem:s0+$0xB430] =	vst v0;
	v0 =	vadd.f32 v5, v3;
	v3 =	vld [tilespmem:s0+$0x6470]  }
0x318: {  	v5 =	vld [tilespmem:s0+$0x7470]  }
0x319: {  	[tilespmem:s0+$0xB440] =	vst v0;
	v0 =	vadd.f32 v4, v2;
	v2 =	vld [tilespmem:s0+$0x6800]  }
0x31a: {  	v4 =	vld [tilespmem:s0+$0x7800]  }
0x31b: {  	[tilespmem:s0+$0xB450] =	vst v0;
	v0 =	vadd.f32 v6, v1;
	v1 =	vld [tilespmem:s0+$0x6810]  }
0x31c: {  	v6 =	vld [tilespmem:s0+$0x7810]  }
0x31d: {  	[tilespmem:s0+$0xB460] =	vst v0;
	v0 =	vadd.f32 v5, v3;
	v3 =	vld [tilespmem:s0+$0x6820]  }
0x31e: {  	v5 =	vld [tilespmem:s0+$0x7820]  }
0x31f: {  	[tilespmem:s0+$0xB470] =	vst v0;
	v0 =	vadd.f32 v4, v2;
	v2 =	vld [tilespmem:s0+$0x6830]  }
0x320: {  	v4 =	vld [tilespmem:s0+$0x7830]  }
0x321: {  	[tilespmem:s0+$0xB800] =	vst v0;
	v0 =	vadd.f32 v6, v1;
	v1 =	vld [tilespmem:s0+$0x6840]  }
0x322: {  	v6 =	vld [tilespmem:s0+$0x7840]  }
0x323: {  	[tilespmem:s0+$0xB810] =	vst v0;
	v0 =	vadd.f32 v5, v3;
	v3 =	vld [tilespmem:s0+$0x6850]  }
0x324: {  	v5 =	vld [tilespmem:s0+$0x7850]  }
0x325: {  	[tilespmem:s0+$0xB820] =	vst v0;
	v0 =	vadd.f32 v4, v2;
	v2 =	vld [tilespmem:s0+$0x6860]  }
0x326: {  	v4 =	vld [tilespmem:s0+$0x7860]  }
0x327: {  	[tilespmem:s0+$0xB830] =	vst v0;
	v0 =	vadd.f32 v6, v1;
	v1 =	vld [tilespmem:s0+$0x6870]  }
0x328: {  	v6 =	vld [tilespmem:s0+$0x7870]  }
0x329: {  	[tilespmem:s0+$0xB840] =	vst v0;
	v0 =	vadd.f32 v5, v3;
	v3 =	vld [tilespmem:s0+$0x6C00]  }
0x32a: {  	v5 =	vld [tilespmem:s0+$0x7C00]  }
0x32b: {  	[tilespmem:s0+$0xB850] =	vst v0;
	v0 =	vadd.f32 v4, v2;
	v2 =	vld [tilespmem:s0+$0x6C10]  }
0x32c: {  	v4 =	vld [tilespmem:s0+$0x7C10]  }
0x32d: {  	[tilespmem:s0+$0xB860] =	vst v0;
	v0 =	vadd.f32 v6, v1;
	v1 =	vld [tilespmem:s0+$0x6C20]  }
0x32e: {  	v6 =	vld [tilespmem:s0+$0x7C20]  }
0x32f: {  	[tilespmem:s0+$0xB870] =	vst v0;
	v0 =	vadd.f32 v5, v3;
	v3 =	vld [tilespmem:s0+$0x6C30]  }
0x330: {  	v5 =	vld [tilespmem:s0+$0x7C30]  }
0x331: {  	[tilespmem:s0+$0xBC00] =	vst v0;
	v0 =	vadd.f32 v4, v2;
	v2 =	vld [tilespmem:s0+$0x6C40]  }
0x332: {  	v4 =	vld [tilespmem:s0+$0x7C40]  }
0x333: {  	[tilespmem:s0+$0xBC10] =	vst v0;
	v0 =	vadd.f32 v6, v1;
	v1 =	vld [tilespmem:s0+$0x6C50]  }
0x334: {  	v6 =	vld [tilespmem:s0+$0x7C50]  }
0x335: {  	[tilespmem:s0+$0xBC20] =	vst v0;
	v0 =	vadd.f32 v5, v3;
	v3 =	vld [tilespmem:s0+$0x6C60]  }
0x336: {  	v5 =	vld [tilespmem:s0+$0x7C60]  }
0x337: {  	[tilespmem:s0+$0xBC30] =	vst v0;
	v0 =	vadd.f32 v4, v2;
	v2 =	vld [tilespmem:s0+$0x6C70]  }
0x338: {  	v4 =	vld [tilespmem:s0+$0x7C70]  }
0x339: {  	[tilespmem:s0+$0xBC40] =	vst v0;
	v0 =	vadd.f32 v6, v1;
	v1 =	vld [tilespmem:s0+$0x7000]  }
0x33a: {  	v6 =	vld [tilespmem:s0+$0x8000]  }
0x33b: {  	[tilespmem:s0+$0xBC50] =	vst v0;
	v0 =	vadd.f32 v5, v3;
	v3 =	vld [tilespmem:s0+$0x7010]  }
0x33c: {  	v5 =	vld [tilespmem:s0+$0x8010]  }
0x33d: {  	[tilespmem:s0+$0xBC60] =	vst v0;
	v0 =	vadd.f32 v4, v2;
	v2 =	vld [tilespmem:s0+$0x7020]  }
0x33e: {  	v4 =	vld [tilespmem:s0+$0x8020]  }
0x33f: {  	[tilespmem:s0+$0xBC70] =	vst v0;
	v0 =	vadd.f32 v6, v1;
	v1 =	vld [tilespmem:s0+$0x7030]  }
0x340: {  	v6 =	vld [tilespmem:s0+$0x8030]  }
0x341: {  	[tilespmem:s0+$0xC000] =	vst v0;
	v0 =	vadd.f32 v5, v3;
	v5 =	vld [tilespmem:s0+$0x7040]  }
0x342: {  	v7 =	vld [tilespmem:s0+$0x8040]  }
.Ltmp19:
0x343: {  	[tilespmem:s0+$0xC010] =	vst v0;
	v0 =	vadd.f32 v4, v2;
	v2 =	vld [tilespmem:s0+$0x7050];
	(pc) =	sbr.rel @p1 .LBB2_26-.Ltmp19, $4  }
0x344: {  	v3 =	vld [tilespmem:s0+$0x8050]  }
0x345: {  	[tilespmem:s0+$0xC020] =	vst v0;
	v6 =	vadd.f32 v6, v1;
	v0 =	vld [tilespmem:s0+$0x7060]  }
0x346: {  	s7 =	sshra.s32 s6, $0x2;
	v4 =	vld [tilespmem:s0+$0x8060]  }
0x347: {  	s6 =	sadd.s32 $0x200, s6;
	v1 =	vld [tilespmem:s7+$0x7070];
	[tilespmem:s0+$0xC030] =	vst v6;
	v5 =	vadd.f32 v7, v5  }
0x348: {  	v6 =	vld [tilespmem:s7+$0x8070]  }
0x349: {  	v7 =	vld [tilespmem:s7+$0x6400];
	[tilespmem:s0+$0xC040] =	vst v5;
	v2 =	vadd.f32 v3, v2  }
0x34a: {  	v35 =	vld [tilespmem:s7+$0x7400]  }
0x34b: {  	v5 =	vld [tilespmem:s7+$0x6410];
	[tilespmem:s0+$0xC050] =	vst v2;
	v0 =	vadd.f32 v4, v0  }
0x34c: {  	v2 =	vld [tilespmem:s7+$0x7410]  }
0x34d: {  	v36 =	vld [tilespmem:s7+$0x6420];
	[tilespmem:s0+$0xC060] =	vst v0  }
0x34e: {  	v38 =	vld [tilespmem:s7+$0x7420]  }
0x34f: {  	v39 =	vld [tilespmem:s7+$0x6430]  }
0x350: {  	v40 =	vld [tilespmem:s7+$0x7430]  }
0x351: {  	v41 =	vld [tilespmem:s7+$0x6440]  }
0x352: {  	v42 =	vld [tilespmem:s7+$0x7440]  }
0x353: {  	v43 =	vld [tilespmem:s7+$0x6450]  }
0x354: {  	v44 =	vld [tilespmem:s7+$0x7450]  }
0x355: {  	v45 =	vld [tilespmem:s7+$0x6460]  }
0x356: {  	v46 =	vld [tilespmem:s7+$0x7460]  }
0x357: {  	v48 =	vld [tilespmem:s7+$0x6470]  }
0x358: {  	v49 =	vld [tilespmem:s7+$0x7470]  }
0x359: {  	v51 =	vld [tilespmem:s7+$0x6800]  }
0x35a: {  	v52 =	vld [tilespmem:s7+$0x7800]  }
0x35b: {  	v54 =	vld [tilespmem:s7+$0x6810]  }
0x35c: {  	v55 =	vld [tilespmem:s7+$0x7810]  }
0x35d: {  	v57 =	vld [tilespmem:s7+$0x6820]  }
0x35e: {  	v58 =	vld [tilespmem:s7+$0x7820]  }
0x35f: {  	v60 =	vld [tilespmem:s7+$0x6830]  }
0x360: {  	v61 =	vld [tilespmem:s7+$0x7830]  }
0x361: {  	v63 =	vld [tilespmem:s7+$0x6840]  }
0x362: {  	v9 =	vld [tilespmem:s7+$0x7840]  }
0x363: {  	v11 =	vld [tilespmem:s7+$0x6850]  }
0x364: {  	v12 =	vld [tilespmem:s7+$0x7850]  }
0x365: {  	v14 =	vld [tilespmem:s7+$0x6860]  }
0x366: {  	v15 =	vld [tilespmem:s7+$0x7860]  }
0x367: {  	v17 =	vld [tilespmem:s7+$0x6870]  }
0x368: {  	v18 =	vld [tilespmem:s7+$0x7870]  }
0x369: {  	v20 =	vld [tilespmem:s7+$0x6C00]  }
0x36a: {  	v21 =	vld [tilespmem:s7+$0x7C00]  }
0x36b: {  	v23 =	vld [tilespmem:s7+$0x6C10]  }
0x36c: {  	v37 =	vadd.f32 v6, v1;
	v24 =	vld [tilespmem:s7+$0x7C10]  }
0x36d: {  	v26 =	vld [tilespmem:s7+$0x6C20];
	v3 =	vadd.f32 v35, v7  }
0x36e: {  	v27 =	vld [tilespmem:s7+$0x7C20];
	[tilespmem:s7+$0xC070] =	vst v37;
	v2 =	vadd.f32 v2, v5  }
0x36f: {  	v29 =	vld [tilespmem:s7+$0x6C30];
	[tilespmem:s7+$0xB400] =	vst v3;
	v1 =	vadd.f32 v38, v36  }
0x370: {  	v30 =	vld [tilespmem:s7+$0x7C30];
	[tilespmem:s7+$0xB410] =	vst v2;
	v0 =	vadd.f32 v40, v39  }
0x371: {  	v32 =	vld [tilespmem:s7+$0x6C40];
	v47 =	vadd.f32 v42, v41;
	[tilespmem:s7+$0xB420] =	vst v1  }
0x372: {  	v33 =	vld [tilespmem:s7+$0x7C40];
	v50 =	vadd.f32 v44, v43;
	[tilespmem:s7+$0xB430] =	vst v0  }
0x373: {  	v35 =	vld [tilespmem:s7+$0x6C50];
	v53 =	vadd.f32 v46, v45;
	[tilespmem:s7+$0xB440] =	vst v47  }
0x374: {  	v56 =	vadd.f32 v49, v48;
	v36 =	vld [tilespmem:s7+$0x7C50];
	[tilespmem:s7+$0xB450] =	vst v50  }
0x375: {  	v59 =	vadd.f32 v52, v51;
	v38 =	vld [tilespmem:s7+$0x6C60];
	[tilespmem:s7+$0xB460] =	vst v53  }
0x376: {  	v62 =	vadd.f32 v55, v54;
	v39 =	vld [tilespmem:s7+$0x7C60];
	[tilespmem:s7+$0xB470] =	vst v56  }
0x377: {  	v10 =	vadd.f32 v58, v57;
	v41 =	vld [tilespmem:s7+$0x6C70];
	[tilespmem:s7+$0xB800] =	vst v59  }
0x378: {  	v13 =	vadd.f32 v61, v60;
	v42 =	vld [tilespmem:s7+$0x7C70];
	[tilespmem:s7+$0xB810] =	vst v62  }
0x379: {  	v16 =	vadd.f32 v9, v63;
	v44 =	vld [tilespmem:s7+$0x7000];
	[tilespmem:s7+$0xB820] =	vst v10  }
0x37a: {  	v19 =	vadd.f32 v12, v11;
	v45 =	vld [tilespmem:s7+$0x8000];
	[tilespmem:s7+$0xB830] =	vst v13  }
0x37b: {  	v22 =	vadd.f32 v15, v14;
	v48 =	vld [tilespmem:s7+$0x8010];
	[tilespmem:s7+$0xB840] =	vst v16  }
0x37c: {  	v25 =	vadd.f32 v18, v17;
	v51 =	vld [tilespmem:s7+$0x8020];
	[tilespmem:s7+$0xB850] =	vst v19  }
0x37d: {  	v28 =	vadd.f32 v21, v20;
	v54 =	vld [tilespmem:s7+$0x8030];
	[tilespmem:s7+$0xB860] =	vst v22  }
0x37e: {  	v31 =	vadd.f32 v24, v23;
	v57 =	vld [tilespmem:s7+$0x8040];
	[tilespmem:s7+$0xB870] =	vst v25  }
0x37f: {  	v34 =	vadd.f32 v27, v26;
	v60 =	vld [tilespmem:s7+$0x8050];
	[tilespmem:s7+$0xBC00] =	vst v28  }
0x380: {  	v37 =	vadd.f32 v30, v29;
	v61 =	vld [tilespmem:s7+$0x7060];
	[tilespmem:s7+$0xBC10] =	vst v31  }
0x381: {  	v40 =	vadd.f32 v33, v32;
	[tilespmem:s7+$0xBC20] =	vst v34;
	v47 =	vld [tilespmem:s7+$0x7010]  }
0x382: {  	[tilespmem:s7+$0xBC30] =	vst v37;
	v50 =	vld [tilespmem:s7+$0x7020];
	v43 =	vadd.f32 v36, v35  }
0x383: {  	[tilespmem:s7+$0xBC40] =	vst v40;
	v53 =	vld [tilespmem:s7+$0x7030];
	v46 =	vadd.f32 v39, v38  }
0x384: {  	v56 =	vld [tilespmem:s7+$0x7040];
	v49 =	vadd.f32 v42, v41;
	[tilespmem:s7+$0xBC50] =	vst v43  }
0x385: {  	v59 =	vld [tilespmem:s7+$0x7050];
	v52 =	vadd.f32 v45, v44;
	[tilespmem:s7+$0xBC60] =	vst v46  }
0x386: {  	v62 =	vld [tilespmem:s7+$0x8060];
	[tilespmem:s7+$0xBC70] =	vst v49;
	v55 =	vadd.f32 v48, v47  }
0x387: {  	[tilespmem:s7+$0xC000] =	vst v52;
	v58 =	vadd.f32 v51, v50  }
0x388: {  	v1 =	vadd.f32 v54, v53;
	[tilespmem:s7+$0xC010] =	vst v55  }
0x389: {  	v3 =	vadd.f32 v57, v56;
	[tilespmem:s7+$0xC020] =	vst v58  }
.Ltmp20:
0x38a: {  	v63 =	vadd.f32 v60, v59;
	[tilespmem:s7+$0xC030] =	vst v1;
	(pc) =	sbr.rel .LBB2_28-.Ltmp20, $4  }
0x38b: {  	s31 =	sshll.u32 s1, $0x9;
	v0 =	vadd.f32 v62, v61;
	[tilespmem:s7+$0xC040] =	vst v3  }
0x38c: {  	s0 =	sand.u32 $0xFE000, s31;
	[tilespmem:s7+$0xC050] =	vst v63  }
0x38d: {  	s0 =	sadd.s32 s0, s12;
	[tilespmem:s7+$0xC060] =	vst v0  }
0x38e: {  	[hbm4b:s0+s4] =	stream.linear.scatter [tilespmem:s25], [sflag:$0x8], $0x1000, $0x38;
	[tilespmem:$0xC000] =	vst v63  }
.LBB2_30:
0x38f: {  	_ =	sfence.sel $0x180000  }
0x390: {  	[bflag:$0x0] =	sbarrier.arrive $0xFFFF  }
0x391: {  	_ =	strace $0x90000047  }
0x392: {  	s0 =	stileid.u32;
	[bflag:$0x2] =	sbarrier.arrive $0xFFFF  }
0x393: {  	p0 =	sne.s32 s0, $0x0;
	s0 =	rddreg [dreg:$0x2]  }
0x394: {  	s0 =	sadd.s32 @!p0 $0x100000, s0  }
0x395: {  	[sflag:s0] =	ssyncadd.tile.s32 @!p0 $0x1;
	_ =	shalt  }
.Lfunc_end2:
_tile_overlayer_lowered:
.L_overlay_start_2:
0x396: {  	(tag) =	ssettag $0x2  }
0x397: {  	s0 =	rddreg [dreg:$0x0];
	s2 =	stileid.u32  }
0x398: {  	s1 =	rddreg [dreg:$0x1];
	p0 =	sne.s32 s2, $0x0  }
0x399: {  	s3 =	rddreg [dreg:$0x2];
	[bflag:$0x3] =	sbarrier.arrive $0xFFFF;
	s2 =	simm.s32 @!p0 $0x1C09  }
0x39a: {  	[timem:s3], [sflag:s2] =	dma.local @!p0 [hbm:s0], s1  }
0x39b: {  	s0 =	simm.s32 @!p0 $0x9  }
0x39c: {  	_ =	swait.ge @!p0 [sflag:s0], s1  }
0x39d: {  	s1 =	ssub.s32 @!p0 $0x0, s1;
	[sflag:s0] =	ssyncset.done @!p0 $0x0  }
0x39e: {  	[sflag:s0] =	ssyncadd.s32 @!p0 s1  }
0x39f: {  	[bflag:$0x3] =	sbarrier.arrive $0xFFFF  }
0x3a0: {  	_ =	shalt  }

</sc_bundles>
